<compile_context>
chip_gen: v7x
topology: tpu7x:2x2x1
jax: 0.10.2.dev20260603
libtpu: 0.0.44.dev20260713+nightly
codegen_flags: <defaults>
</compile_context>

<pallas_src>
import functools

import jax
import jax.numpy as jnp
from jax import lax
from jax.experimental import pallas as pl
from jax.experimental.pallas import tpu as pltpu
from jax.experimental.pallas import tpu_sc as plsc

N_ = 100000
E_ = 1600000
G_ = 128
WK = 2000
ES = E_ // 16
NWIN = ES // WK
UNR = 5


def _make_sc_scatter(D, CS, nchunks, accr):
    CS4 = CS * 4
    OUTR = nchunks * CS4
    SH = accr // 16
    NZ = SH // 128
    OH = CS4 // 16
    DB = CS4
    nck = nchunks // 2
    mesh = plsc.VectorSubcoreMesh(core_axis_name="c", subcore_axis_name="s")

    @functools.partial(
        pl.kernel,
        out_type=jax.ShapeDtypeStruct((OUTR, D), jnp.float32),
        mesh=mesh,
        compiler_params=pltpu.CompilerParams(needs_layout_passes=False,
                                             use_tc_tiling_on_sc=False),
        scratch_types=[
            pltpu.VMEM((2, WK), jnp.int32),
            pltpu.VMEM((2, WK), jnp.int32),
            pltpu.VMEM((WK + 256,), jnp.int32),
            pltpu.VMEM((WK + 256,), jnp.int32),
            pltpu.VMEM((16, 128), jnp.int32),
            pltpu.VMEM((128, D), jnp.float32),
            pltpu.VMEM_SHARED((accr, D), jnp.float32),
            pltpu.SemaphoreType.DMA,
            pltpu.SemaphoreType.DMA,
        ],
    )
    def k(table, keys, srcs, zrows, out,
          kwin, swin, stage_i, stage_s, cidx, upd, acc, sem, msem):
        cid = lax.axis_index("c")
        sid = lax.axis_index("s")
        lanes = lax.iota(jnp.int32, 16)

        def meta_start(w, p):
            off = sid * ES + w * WK
            pltpu.async_copy(keys.at[pl.ds(off, WK)], kwin.at[p], msem)
            pltpu.async_copy(srcs.at[pl.ds(off, WK)], swin.at[p], msem)

        def meta_wait(p):
            pltpu.make_async_copy(keys.at[pl.ds(0, WK)], kwin.at[p],
                                  msem).wait()
            pltpu.make_async_copy(srcs.at[pl.ds(0, WK)], swin.at[p],
                                  msem).wait()

        def fire(b, carry3):
            ad = pltpu.async_copy(
                table.at[stage_s.at[pl.ds(b * 128, 128)]], upd, sem)
            for kk in range(8):
                cidx[b, pl.ds(kk * 16, 16)] = (
                    stage_i[pl.ds(b * 128 + kk * 16, 16)])
            ad.wait()
            pltpu.sync_copy(upd, acc.at[cidx.at[b]], add=True)
            return carry3

        def chunk_body(ci, carry):
            c = ci * 2 + cid
            base4 = c * CS4

            def zb(j, carry2):
                pltpu.sync_copy(zrows, acc.at[pl.ds(sid * SH + j * 128, 128)])
                return carry2
            meta_start(0, 0)
            lax.fori_loop(0, NZ, zb, 0)
            plsc.subcore_barrier()

            def win(w, cur):
                p = w & 1
                meta_wait(p)

                @pl.when(w + 1 < NWIN)
                def _():
                    meta_start(w + 1, 1 - p)

                def vec(i, cur2):
                    incls = []
                    for u in range(UNR):
                        kv = kwin[p, pl.ds((i * UNR + u) * 16, 16)]
                        lv = kv - base4
                        m = (lv >= 0) & (lv < CS4)
                        mi = jnp.where(m, 1, 0).astype(jnp.int32)
                        sv = swin[p, pl.ds((i * UNR + u) * 16, 16)]
                        incls.append((jnp.cumsum(mi), mi, lv, sv, m))
                    for incl, mi, lv, sv, m in incls:
                        pos = cur2 + incl - mi
                        plsc.store_scatter(stage_i, [pos], lv, mask=m)
                        plsc.store_scatter(stage_s, [pos], sv, mask=m)
                        cur2 = cur2 + incl[15]
                    return cur2
                cur = lax.fori_loop(0, WK // (16 * UNR), vec, cur)

                nb = cur // 128
                lax.fori_loop(0, nb, fire, 0)
                for kk in range(8):
                    stage_i[pl.ds(kk * 16, 16)] = (
                        stage_i[pl.ds(nb * 128 + kk * 16, 16)])
                    stage_s[pl.ds(kk * 16, 16)] = (
                        stage_s[pl.ds(nb * 128 + kk * 16, 16)])
                return cur - nb * 128
            cur = lax.fori_loop(0, NWIN, win, jnp.int32(0))

            for p in range(8):
                stage_i[pl.ds(cur + p * 16, 16)] = DB + p * 16 + lanes
                stage_s[pl.ds(cur + p * 16, 16)] = p * 16 + lanes
            lax.fori_loop(0, (cur + 127) // 128, fire, 0)
            plsc.subcore_barrier()
            pltpu.sync_copy(acc.at[pl.ds(sid * OH, OH)],
                            out.at[pl.ds(base4 + sid * OH, OH)])
            plsc.subcore_barrier()
            return carry
        lax.fori_loop(0, nck, chunk_body, 0)

    return k


_sc_layer1 = _make_sc_scatter(D=8, CS=50048, nchunks=2, accr=200704)
_sc_layer2 = _make_sc_scatter(D=80, CS=5088, nchunks=20, accr=20480)

_BN = 2000
_NBLK = N_ // _BN


def _tc1_body(s_ref, x_ref, w_ref, r1_ref, h_ref, ic_ref):
    s = s_ref[...]
    xb = x_ref[...]
    acc = jnp.zeros((_BN, 80), jnp.float32)
    ics = []
    for r in range(4):
        sr = s[:, r * 8:(r + 1) * 8]
        icr = 1.0 / jnp.maximum(sr[:, 6:7], 1.0)
        ics.append(icr)
        acc = acc + jnp.dot(sr * icr, w_ref[r],
                            preferred_element_type=jnp.float32)
    acc = acc + jnp.dot(xb, r1_ref[...], preferred_element_type=jnp.float32)
    h_ref[...] = jnp.maximum(acc, 0.0)
    ic_ref[...] = jnp.concatenate(ics, axis=1)


_tc1 = pl.pallas_call(
    _tc1_body,
    grid=(_NBLK,),
    in_specs=[
        pl.BlockSpec((_BN, 32), lambda i: (i, 0)),
        pl.BlockSpec((_BN, 8), lambda i: (i, 0)),
        pl.BlockSpec((4, 8, 80), lambda i: (0, 0, 0)),
        pl.BlockSpec((8, 80), lambda i: (0, 0)),
    ],
    out_specs=[
        pl.BlockSpec((_BN, 80), lambda i: (i, 0)),
        pl.BlockSpec((_BN, 4), lambda i: (i, 0)),
    ],
    out_shape=[
        jax.ShapeDtypeStruct((N_, 80), jnp.float32),
        jax.ShapeDtypeStruct((N_, 4), jnp.float32),
    ],
)


def _tc2_body(s_ref, ic_ref, h1_ref, b_ref, w2_ref, r2_ref, b2_ref,
              lw_ref, lb_ref, out_ref):
    i = pl.program_id(0)
    s = s_ref[...]
    ic = ic_ref[...]
    h1 = h1_ref[...]
    acc = jnp.zeros((_BN, 80), jnp.float32)
    for r in range(4):
        acc = acc + jnp.dot(s[:, r * 80:(r + 1) * 80] * ic[:, r:r + 1],
                            w2_ref[r], preferred_element_type=jnp.float32)
    h2 = jnp.maximum(
        acc + jnp.dot(h1, r2_ref[...], preferred_element_type=jnp.float32)
        + b2_ref[...], 0.0)
    y = jnp.dot(h2, lw_ref[...], preferred_element_type=jnp.float32)
    oneh = (b_ref[...] == lax.broadcasted_iota(jnp.int32, (1, G_), 1)
            ).astype(jnp.float32)
    part = lax.dot_general(oneh, y, (((0,), (0,)), ((), ())),
                           preferred_element_type=jnp.float32)

    @pl.when(i == 0)
    def _():
        out_ref[...] = jnp.broadcast_to(lb_ref[...], (G_, 15))
    out_ref[...] += part


_tc2 = pl.pallas_call(
    _tc2_body,
    grid=(_NBLK,),
    in_specs=[
        pl.BlockSpec((_BN, 320), lambda i: (i, 0)),
        pl.BlockSpec((_BN, 4), lambda i: (i, 0)),
        pl.BlockSpec((_BN, 80), lambda i: (i, 0)),
        pl.BlockSpec((_BN, 1), lambda i: (i, 0)),
        pl.BlockSpec((4, 80, 80), lambda i: (0, 0, 0)),
        pl.BlockSpec((80, 80), lambda i: (0, 0)),
        pl.BlockSpec((1, 80), lambda i: (0, 0)),
        pl.BlockSpec((80, 15), lambda i: (0, 0)),
        pl.BlockSpec((1, 15), lambda i: (0, 0)),
    ],
    out_specs=pl.BlockSpec((G_, 15), lambda i: (0, 0)),
    out_shape=jax.ShapeDtypeStruct((G_, 15), jnp.float32),
)


def kernel(x, edge_index, edge_type, batch,
           W1, root1, b1, W2, root2, b2, linW, linb):
    x_aug = jnp.concatenate(
        [x, jnp.ones((N_, 1), jnp.float32), jnp.zeros((N_, 1), jnp.float32)],
        axis=1)
    keys = edge_index[1] * 4 + edge_type
    srcs = edge_index[0]
    z8 = jnp.zeros((128, 8), jnp.float32)
    z80 = jnp.zeros((128, 80), jnp.float32)

    S1 = _sc_layer1(x_aug, keys, srcs, z8)
    W1p = jnp.pad(W1, ((0, 0), (0, 2), (0, 0)))
    root1p = jnp.concatenate(
        [root1, b1[None, :], jnp.zeros((1, 80), jnp.float32)], axis=0)
    h1, invc = _tc1(S1[:4 * N_].reshape(N_, 32), x_aug, W1p, root1p)

    S2 = _sc_layer2(h1, keys, srcs, z80)
    out = _tc2(S2[:4 * N_].reshape(N_, 320), invc, h1, batch[:, None],
               W2, root2, b2[None, :], linW, linb[None, :])
    return out

# --- scband reference (transcript-rebuilt; emitter-appended) ---
"""Pipeline reference for scband-frgcnmodel-30932354466236 (READ-ONLY COPY).

The authoritative reference and input builder live on the scoring server;
editing this copy changes nothing except your own understanding.
"""

import jax, jax.numpy as jnp
import numpy as np

N = 100000
E = 1600000
NUM_REL = 4
IN_DIM = 6
HID = 80
OUT_DIM = 15
NUM_GRAPHS = 128


def setup_inputs(seed: int = 0) -> dict:
    key = jax.random.key(seed)
    ks = jax.random.split(key, 12)
    x = jax.random.normal(ks[0], (N, IN_DIM), dtype=jnp.float32)
    edge_index = jax.random.randint(ks[1], (2, E), 0, N, dtype=jnp.int32)
    edge_type = jax.random.randint(ks[2], (E,), 0, NUM_REL, dtype=jnp.int32)
    batch = jnp.sort(jax.random.randint(ks[3], (N,), 0, NUM_GRAPHS, dtype=jnp.int32))
    s1 = 1.0 / np.sqrt(IN_DIM)
    W1 = jax.random.uniform(ks[4], (NUM_REL, IN_DIM, HID), minval=-s1, maxval=s1, dtype=jnp.float32)
    root1 = jax.random.uniform(ks[5], (IN_DIM, HID), minval=-s1, maxval=s1, dtype=jnp.float32)
    b1 = jnp.zeros((HID,), dtype=jnp.float32)
    s2 = 1.0 / np.sqrt(HID)
    W2 = jax.random.uniform(ks[6], (NUM_REL, HID, HID), minval=-s2, maxval=s2, dtype=jnp.float32)
    root2 = jax.random.uniform(ks[7], (HID, HID), minval=-s2, maxval=s2, dtype=jnp.float32)
    b2 = jnp.zeros((HID,), dtype=jnp.float32)
    linW = jax.random.uniform(ks[8], (HID, OUT_DIM), minval=-s2, maxval=s2, dtype=jnp.float32)
    linb = jax.random.uniform(ks[9], (OUT_DIM,), minval=-s2, maxval=s2, dtype=jnp.float32)
    return {"x": x, "edge_index": edge_index, "edge_type": edge_type, "batch": batch,
            "W1": W1, "root1": root1, "b1": b1, "W2": W2, "root2": root2, "b2": b2,
            "linW": linW, "linb": linb}


def _fast_rgcn_layer(x, edge_index, edge_type, W, root, bias):
    # FastRGCNConv (PyG, aggr='mean', flow source_to_target)
    src, dst = edge_index[0], edge_index[1]
    # transform every node by every relation, then gather per edge
    xw = jnp.einsum('ni,rio->nro', x, W)          # [N, R, out]
    msg = xw[src, edge_type]                       # [E, out] gather
    # per-(dst, relation) mean normalization
    onehot = jax.nn.one_hot(edge_type, NUM_REL, dtype=jnp.float32)   # [E, R]
    counts = jax.ops.segment_sum(onehot, dst, num_segments=x.shape[0])  # [N, R]
    norm = jnp.take_along_axis(counts[dst], edge_type[:, None], axis=1)  # [E, 1]
    norm = 1.0 / jnp.clip(norm, 1.0, None)
    msg = msg * norm
    agg = jax.ops.segment_sum(msg, dst, num_segments=x.shape[0])     # scatter-add
    return agg + x @ root + bias


def reference(x, edge_index, edge_type, batch, W1, root1, b1, W2, root2, b2, linW, linb):
    h = _fast_rgcn_layer(x, edge_index, edge_type, W1, root1, b1)
    h = jax.nn.relu(h)
    # dropout is identity in eval mode
    h = _fast_rgcn_layer(h, edge_index, edge_type, W2, root2, b2)
    h = jax.nn.relu(h)
    pooled = jax.ops.segment_sum(h, batch, num_segments=NUM_GRAPHS)  # global_add_pool
    return pooled @ linW + linb

if __name__ == "__main__":
    import jax
    _d = setup_inputs()
    print(jax.jit(kernel)(*tuple(_d.values())))

</pallas_src>

<mosaic_0001>
#map = affine_map<(d0, d1) -> (0, 0)>
#map1 = affine_map<(d0, d1) -> (0)>
module attributes {stable_mosaic.version = 14 : i64} {
  func.func @k(%arg0: i32, %arg1: i32, %arg2: memref<100000x8xf32, #tpu.memory_space<hbm>>, %arg3: memref<1600000xi32, #tpu.memory_space<hbm>>, %arg4: memref<1600000xi32, #tpu.memory_space<hbm>>, %arg5: memref<128x8xf32, #tpu.memory_space<hbm>>, %arg6: memref<400384x8xf32, #tpu.memory_space<hbm>>, %arg7: memref<2x2000xi32, #tpu.memory_space<vmem>>, %arg8: memref<2x2000xi32, #tpu.memory_space<vmem>>, %arg9: memref<2256xi32, #tpu.memory_space<vmem>>, %arg10: memref<2256xi32, #tpu.memory_space<vmem>>, %arg11: memref<16x128xi32, #tpu.memory_space<vmem>>, %arg12: memref<128x8xf32, #tpu.memory_space<vmem>>, %arg13: memref<200704x8xf32, #tpu.memory_space<vmem_shared>>, %arg14: memref<!tpu.dma_semaphore, #tpu.memory_space<semaphore_mem>>, %arg15: memref<!tpu.dma_semaphore, #tpu.memory_space<semaphore_mem>>) attributes {dimension_semantics = [#tpu.dimension_semantics<core_parallel>, #tpu.dimension_semantics<subcore_parallel>], iteration_bounds = array<i64: 2, 16>, scalar_prefetch = 0 : i64, scratch_operands = 9 : i64, tpu.core_type = #tpu.core_type<sc_vector_subcore>, window_params = [{transform_indices = #map}, {transform_indices = #map1}, {transform_indices = #map1}, {transform_indices = #map}, {transform_indices = #map}]} {
    %iota3A = tpu.iota {dimensions = array<i32: 0>} : vector<16xi32>
    %scan3A = arith.constant 0 : i32
    %scan3A_0 = arith.constant 0 : i32
    %mul3A = arith.constant 2 : i32
    %mul3A_1 = arith.muli %scan3A_0, %mul3A : i32
    %add3A = arith.addi %mul3A_1, %arg0 : i32
    %mul3A_2 = arith.constant 200192 : i32
    %mul3A_3 = arith.muli %add3A, %mul3A_2 : i32
    %mul3A_4 = arith.constant 100000 : i32
    %mul3A_5 = arith.muli %arg1, %mul3A_4 : i32
    %add3A_6 = arith.constant 0 : i32
    %add3A_7 = arith.addi %mul3A_5, %add3A_6 : i32
    %dma_start3A = arith.constant 0 : i32
    %dma_start3A_8 = arith.constant 0 : i32
    %dma_start3A_9 = tpu.memref_slice %arg7[%dma_start3A, %dma_start3A_8] : memref<2x2000xi32, #tpu.memory_space<vmem>> -> memref<1x2000xi32, #tpu.memory_space<vmem>>
    %dma_start3A_10 = tpu.memref_squeeze %dma_start3A_9 : memref<1x2000xi32, #tpu.memory_space<vmem>> -> memref<2000xi32, #tpu.memory_space<vmem>>
    %dma_start3A_11 = tpu.memref_slice %arg3[%add3A_7] : memref<1600000xi32, #tpu.memory_space<hbm>> -> memref<2000xi32, #tpu.memory_space<hbm>>
    %dma_start3A_12 = arith.constant 0 : i32
    %dma_start3A_13 = tpu.memref_slice %arg7[%dma_start3A, %dma_start3A_12] : memref<2x2000xi32, #tpu.memory_space<vmem>> -> memref<1x2000xi32, #tpu.memory_space<vmem>>
    %dma_start3A_14 = tpu.memref_squeeze %dma_start3A_13 : memref<1x2000xi32, #tpu.memory_space<vmem>> -> memref<2000xi32, #tpu.memory_space<vmem>>
    %dma_start3A_15 = tpu.memref_slice %arg3[%add3A_7] : memref<1600000xi32, #tpu.memory_space<hbm>> -> memref<2000xi32, #tpu.memory_space<hbm>>
    tpu.enqueue_dma source(%dma_start3A_15 : memref<2000xi32, #tpu.memory_space<hbm>>) target(%dma_start3A_14 : memref<2000xi32, #tpu.memory_space<vmem>>) target_semaphore(%arg15 : memref<!tpu.dma_semaphore, #tpu.memory_space<semaphore_mem>>)
    %dma_start3A_16 = arith.constant 0 : i32
    %dma_start3A_17 = arith.constant 0 : i32
    %dma_start3A_18 = tpu.memref_slice %arg8[%dma_start3A_16, %dma_start3A_17] : memref<2x2000xi32, #tpu.memory_space<vmem>> -> memref<1x2000xi32, #tpu.memory_space<vmem>>
    %dma_start3A_19 = tpu.memref_squeeze %dma_start3A_18 : memref<1x2000xi32, #tpu.memory_space<vmem>> -> memref<2000xi32, #tpu.memory_space<vmem>>
    %dma_start3A_20 = tpu.memref_slice %arg4[%add3A_7] : memref<1600000xi32, #tpu.memory_space<hbm>> -> memref<2000xi32, #tpu.memory_space<hbm>>
    %dma_start3A_21 = arith.constant 0 : i32
    %dma_start3A_22 = tpu.memref_slice %arg8[%dma_start3A_16, %dma_start3A_21] : memref<2x2000xi32, #tpu.memory_space<vmem>> -> memref<1x2000xi32, #tpu.memory_space<vmem>>
    %dma_start3A_23 = tpu.memref_squeeze %dma_start3A_22 : memref<1x2000xi32, #tpu.memory_space<vmem>> -> memref<2000xi32, #tpu.memory_space<vmem>>
    %dma_start3A_24 = tpu.memref_slice %arg4[%add3A_7] : memref<1600000xi32, #tpu.memory_space<hbm>> -> memref<2000xi32, #tpu.memory_space<hbm>>
    tpu.enqueue_dma source(%dma_start3A_24 : memref<2000xi32, #tpu.memory_space<hbm>>) target(%dma_start3A_23 : memref<2000xi32, #tpu.memory_space<vmem>>) target_semaphore(%arg15 : memref<!tpu.dma_semaphore, #tpu.memory_space<semaphore_mem>>)
    %scan3A_25 = arith.constant 0 : i32
    %scan3A_26 = arith.constant 0 : i32
    %scan3A_27 = arith.constant 98 : i32
    %scan3A_28 = arith.addi %scan3A_26, %scan3A_27 : i32
    %scan3A_29 = arith.constant 1 : i32
    scf.for %scan3A_184 = %scan3A_26 to %scan3A_28 step %scan3A_29  : i32 {
      %mul3A_185 = arith.constant 12544 : i32
      %mul3A_186 = arith.muli %arg1, %mul3A_185 : i32
      %mul3A_187 = arith.constant 128 : i32
      %mul3A_188 = arith.muli %scan3A_184, %mul3A_187 : i32
      %add3A_189 = arith.addi %mul3A_186, %mul3A_188 : i32
      "tpu.region"() ({
        %run_scoped3A = tpu.sem_alloc : memref<!tpu.dma_semaphore, #tpu.memory_space<semaphore_mem>>
        %dma_start3A_190 = arith.constant 0 : i32
        %dma_start3A_191 = tpu.memref_slice %arg13[%add3A_189, %dma_start3A_190] : memref<200704x8xf32, #tpu.memory_space<vmem_shared>> -> memref<128x8xf32, #tpu.memory_space<vmem_shared>>
        tpu.enqueue_dma source(%arg5 : memref<128x8xf32, #tpu.memory_space<hbm>>) target(%dma_start3A_191 : memref<128x8xf32, #tpu.memory_space<vmem_shared>>) target_semaphore(%run_scoped3A : memref<!tpu.dma_semaphore, #tpu.memory_space<semaphore_mem>>)
        %dma_wait3A = arith.constant 0 : i32
        %dma_wait3A_192 = tpu.memref_slice %arg13[%add3A_189, %dma_wait3A] : memref<200704x8xf32, #tpu.memory_space<vmem_shared>> -> memref<128x8xf32, #tpu.memory_space<vmem_shared>>
        tpu.wait_dma2 semaphore(%run_scoped3A : memref<!tpu.dma_semaphore, #tpu.memory_space<semaphore_mem>>) src(%arg5 : memref<128x8xf32, #tpu.memory_space<hbm>>) dst(%dma_wait3A_192 : memref<128x8xf32, #tpu.memory_space<vmem_shared>>)
        tpu.yield
      }) : () -> ()
    }
    %scan3A_30 = arith.constant 98 : i32
    %barrier3A = arith.constant 0 : index
    tpu.barrier barrier_id(%barrier3A)
    %scan3A_31 = arith.constant 0 : i32
    %scan3A_32 = arith.constant 0 : i32
    %scan3A_33 = arith.constant 50 : i32
    %scan3A_34 = arith.addi %scan3A_32, %scan3A_33 : i32
    %scan3A_35 = arith.constant 1 : i32
    %scan3A_36 = scf.for %scan3A_184 = %scan3A_32 to %scan3A_34 step %scan3A_35 iter_args(%scan3A_185 = %scan3A_31) -> (i32)  : i32 {
      %and3A_186 = arith.constant 1 : i32
      %and3A_187 = arith.andi %scan3A_184, %and3A_186 : i32
      %dma_wait3A = arith.constant 0 : i32
      %dma_wait3A_188 = tpu.memref_slice %arg7[%and3A_187, %dma_wait3A] : memref<2x2000xi32, #tpu.memory_space<vmem>> -> memref<1x2000xi32, #tpu.memory_space<vmem>>
      %dma_wait3A_189 = tpu.memref_squeeze %dma_wait3A_188 : memref<1x2000xi32, #tpu.memory_space<vmem>> -> memref<2000xi32, #tpu.memory_space<vmem>>
      %dma_wait3A_190 = arith.constant 0 : i32
      %dma_wait3A_191 = tpu.memref_slice %arg3[%dma_wait3A_190] : memref<1600000xi32, #tpu.memory_space<hbm>> -> memref<2000xi32, #tpu.memory_space<hbm>>
      %dma_wait3A_192 = arith.constant 0 : i32
      %dma_wait3A_193 = tpu.memref_slice %arg7[%and3A_187, %dma_wait3A_192] : memref<2x2000xi32, #tpu.memory_space<vmem>> -> memref<1x2000xi32, #tpu.memory_space<vmem>>
      %dma_wait3A_194 = tpu.memref_squeeze %dma_wait3A_193 : memref<1x2000xi32, #tpu.memory_space<vmem>> -> memref<2000xi32, #tpu.memory_space<vmem>>
      %dma_wait3A_195 = arith.constant 0 : i32
      %dma_wait3A_196 = tpu.memref_slice %arg3[%dma_wait3A_195] : memref<1600000xi32, #tpu.memory_space<hbm>> -> memref<2000xi32, #tpu.memory_space<hbm>>
      tpu.wait_dma2 semaphore(%arg15 : memref<!tpu.dma_semaphore, #tpu.memory_space<semaphore_mem>>) src(%dma_wait3A_196 : memref<2000xi32, #tpu.memory_space<hbm>>) dst(%dma_wait3A_194 : memref<2000xi32, #tpu.memory_space<vmem>>)
      %dma_wait3A_197 = arith.constant 0 : i32
      %dma_wait3A_198 = tpu.memref_slice %arg8[%and3A_187, %dma_wait3A_197] : memref<2x2000xi32, #tpu.memory_space<vmem>> -> memref<1x2000xi32, #tpu.memory_space<vmem>>
      %dma_wait3A_199 = tpu.memref_squeeze %dma_wait3A_198 : memref<1x2000xi32, #tpu.memory_space<vmem>> -> memref<2000xi32, #tpu.memory_space<vmem>>
      %dma_wait3A_200 = arith.constant 0 : i32
      %dma_wait3A_201 = tpu.memref_slice %arg4[%dma_wait3A_200] : memref<1600000xi32, #tpu.memory_space<hbm>> -> memref<2000xi32, #tpu.memory_space<hbm>>
      %dma_wait3A_202 = arith.constant 0 : i32
      %dma_wait3A_203 = tpu.memref_slice %arg8[%and3A_187, %dma_wait3A_202] : memref<2x2000xi32, #tpu.memory_space<vmem>> -> memref<1x2000xi32, #tpu.memory_space<vmem>>
      %dma_wait3A_204 = tpu.memref_squeeze %dma_wait3A_203 : memref<1x2000xi32, #tpu.memory_space<vmem>> -> memref<2000xi32, #tpu.memory_space<vmem>>
      %dma_wait3A_205 = arith.constant 0 : i32
      %dma_wait3A_206 = tpu.memref_slice %arg4[%dma_wait3A_205] : memref<1600000xi32, #tpu.memory_space<hbm>> -> memref<2000xi32, #tpu.memory_space<hbm>>
      tpu.wait_dma2 semaphore(%arg15 : memref<!tpu.dma_semaphore, #tpu.memory_space<semaphore_mem>>) src(%dma_wait3A_206 : memref<2000xi32, #tpu.memory_space<hbm>>) dst(%dma_wait3A_204 : memref<2000xi32, #tpu.memory_space<vmem>>)
      %add3A_207 = arith.constant 1 : i32
      %add3A_208 = arith.addi %scan3A_184, %add3A_207 : i32
      %lt3A = arith.constant 50 : i32
      %lt3A_209 = arith.cmpi slt, %add3A_208, %lt3A : i32
      %convert_element_type3A = arith.extui %lt3A_209 : i1 to i32
      %cond3A = arith.constant 0 : i32
      %cond3A_210 = arith.cmpi ne, %convert_element_type3A, %cond3A : i32
      scf.if %cond3A_210 {
        %add3A_381 = arith.constant 1 : i32
        %add3A_382 = arith.addi %scan3A_184, %add3A_381 : i32
        %sub3A_383 = arith.constant 1 : i32
        %sub3A_384 = arith.subi %sub3A_383, %and3A_187 : i32
        %mul3A_385 = arith.constant 100000 : i32
        %mul3A_386 = arith.muli %arg1, %mul3A_385 : i32
        %mul3A_387 = arith.constant 2000 : i32
        %mul3A_388 = arith.muli %add3A_382, %mul3A_387 : i32
        %add3A_389 = arith.addi %mul3A_386, %mul3A_388 : i32
        %dma_start3A_390 = arith.constant 0 : i32
        %dma_start3A_391 = tpu.memref_slice %arg7[%sub3A_384, %dma_start3A_390] : memref<2x2000xi32, #tpu.memory_space<vmem>> -> memref<1x2000xi32, #tpu.memory_space<vmem>>
        %dma_start3A_392 = tpu.memref_squeeze %dma_start3A_391 : memref<1x2000xi32, #tpu.memory_space<vmem>> -> memref<2000xi32, #tpu.memory_space<vmem>>
        %dma_start3A_393 = tpu.memref_slice %arg3[%add3A_389] : memref<1600000xi32, #tpu.memory_space<hbm>> -> memref<2000xi32, #tpu.memory_space<hbm>>
        %dma_start3A_394 = arith.constant 0 : i32
        %dma_start3A_395 = tpu.memref_slice %arg7[%sub3A_384, %dma_start3A_394] : memref<2x2000xi32, #tpu.memory_space<vmem>> -> memref<1x2000xi32, #tpu.memory_space<vmem>>
        %dma_start3A_396 = tpu.memref_squeeze %dma_start3A_395 : memref<1x2000xi32, #tpu.memory_space<vmem>> -> memref<2000xi32, #tpu.memory_space<vmem>>
        %dma_start3A_397 = tpu.memref_slice %arg3[%add3A_389] : memref<1600000xi32, #tpu.memory_space<hbm>> -> memref<2000xi32, #tpu.memory_space<hbm>>
        tpu.enqueue_dma source(%dma_start3A_397 : memref<2000xi32, #tpu.memory_space<hbm>>) target(%dma_start3A_396 : memref<2000xi32, #tpu.memory_space<vmem>>) target_semaphore(%arg15 : memref<!tpu.dma_semaphore, #tpu.memory_space<semaphore_mem>>)
        %dma_start3A_398 = arith.constant 0 : i32
        %dma_start3A_399 = tpu.memref_slice %arg8[%sub3A_384, %dma_start3A_398] : memref<2x2000xi32, #tpu.memory_space<vmem>> -> memref<1x2000xi32, #tpu.memory_space<vmem>>
        %dma_start3A_400 = tpu.memref_squeeze %dma_start3A_399 : memref<1x2000xi32, #tpu.memory_space<vmem>> -> memref<2000xi32, #tpu.memory_space<vmem>>
        %dma_start3A_401 = tpu.memref_slice %arg4[%add3A_389] : memref<1600000xi32, #tpu.memory_space<hbm>> -> memref<2000xi32, #tpu.memory_space<hbm>>
        %dma_start3A_402 = arith.constant 0 : i32
        %dma_start3A_403 = tpu.memref_slice %arg8[%sub3A_384, %dma_start3A_402] : memref<2x2000xi32, #tpu.memory_space<vmem>> -> memref<1x2000xi32, #tpu.memory_space<vmem>>
        %dma_start3A_404 = tpu.memref_squeeze %dma_start3A_403 : memref<1x2000xi32, #tpu.memory_space<vmem>> -> memref<2000xi32, #tpu.memory_space<vmem>>
        %dma_start3A_405 = tpu.memref_slice %arg4[%add3A_389] : memref<1600000xi32, #tpu.memory_space<hbm>> -> memref<2000xi32, #tpu.memory_space<hbm>>
        tpu.enqueue_dma source(%dma_start3A_405 : memref<2000xi32, #tpu.memory_space<hbm>>) target(%dma_start3A_404 : memref<2000xi32, #tpu.memory_space<vmem>>) target_semaphore(%arg15 : memref<!tpu.dma_semaphore, #tpu.memory_space<semaphore_mem>>)
      } else {
      }
      %scan3A_211 = arith.constant 0 : i32
      %scan3A_212 = arith.constant 25 : i32
      %scan3A_213 = arith.addi %scan3A_211, %scan3A_212 : i32
      %scan3A_214 = arith.constant 1 : i32
      %scan3A_215 = scf.for %scan3A_381 = %scan3A_211 to %scan3A_213 step %scan3A_214 iter_args(%scan3A_382 = %scan3A_185) -> (i32)  : i32 {
        %mul3A_383 = arith.constant 5 : i32
        %mul3A_384 = arith.muli %scan3A_381, %mul3A_383 : i32
        %add3A_385 = arith.constant 0 : i32
        %add3A_386 = arith.addi %mul3A_384, %add3A_385 : i32
        %mul3A_387 = arith.constant 16 : i32
        %mul3A_388 = arith.muli %add3A_386, %mul3A_387 : i32
        %get3A_389 = arith.index_cast %and3A_187 : i32 to index
        %get3A_390 = arith.index_cast %mul3A_388 : i32 to index
        %get3A_391 = tpu.vector_load %arg7[%get3A_389, %get3A_390] {strides = array<i32>} : memref<2x2000xi32, #tpu.memory_space<vmem>>, vector<16xi32>,
        %sub3A_392 = vector.broadcast %mul3A_3 : i32 to vector<16xi32>
        %sub3A_393 = arith.subi %get3A_391, %sub3A_392 : vector<16xi32>
        %ge3A = arith.constant 0 : i32
        %ge3A_394 = vector.broadcast %ge3A : i32 to vector<16xi32>
        %ge3A_395 = arith.cmpi sge, %sub3A_393, %ge3A_394 : vector<16xi32>
        %lt3A_396 = arith.constant 200192 : i32
        %lt3A_397 = vector.broadcast %lt3A_396 : i32 to vector<16xi32>
        %lt3A_398 = arith.cmpi slt, %sub3A_393, %lt3A_397 : vector<16xi32>
        %and3A_399 = arith.andi %ge3A_395, %lt3A_398 : vector<16xi1>
        %jit3A_400 = arith.constant 1 : i32
        %jit3A_401 = arith.constant 0 : i32
        %broadcast_in_dim3A = vector.broadcast %jit3A_400 : i32 to vector<16xi32>
        %broadcast_in_dim3A_402 = vector.broadcast %jit3A_401 : i32 to vector<16xi32>
        %select_n3A_403 = arith.select %and3A_399, %broadcast_in_dim3A, %broadcast_in_dim3A_402 : vector<16xi1>, vector<16xi32>
        %mul3A_404 = arith.constant 5 : i32
        %mul3A_405 = arith.muli %scan3A_381, %mul3A_404 : i32
        %add3A_406 = arith.constant 0 : i32
        %add3A_407 = arith.addi %mul3A_405, %add3A_406 : i32
        %mul3A_408 = arith.constant 16 : i32
        %mul3A_409 = arith.muli %add3A_407, %mul3A_408 : i32
        %get3A_410 = arith.index_cast %and3A_187 : i32 to index
        %get3A_411 = arith.index_cast %mul3A_409 : i32 to index
        %get3A_412 = tpu.vector_load %arg8[%get3A_410, %get3A_411] {strides = array<i32>} : memref<2x2000xi32, #tpu.memory_space<vmem>>, vector<16xi32>,
        %cumsum3A = arith.constant true
        %cumsum3A_413 = vector.broadcast %cumsum3A : i1 to vector<16xi1>
        %cumsum3A_414 = tpu.scan <sum>, %select_n3A_403 masked %cumsum3A_413 : vector<16xi32>, vector<16xi1> -> vector<16xi32>
        %mul3A_415 = arith.constant 5 : i32
        %mul3A_416 = arith.muli %scan3A_381, %mul3A_415 : i32
        %add3A_417 = arith.constant 1 : i32
        %add3A_418 = arith.addi %mul3A_416, %add3A_417 : i32
        %mul3A_419 = arith.constant 16 : i32
        %mul3A_420 = arith.muli %add3A_418, %mul3A_419 : i32
        %get3A_421 = arith.index_cast %and3A_187 : i32 to index
        %get3A_422 = arith.index_cast %mul3A_420 : i32 to index
        %get3A_423 = tpu.vector_load %arg7[%get3A_421, %get3A_422] {strides = array<i32>} : memref<2x2000xi32, #tpu.memory_space<vmem>>, vector<16xi32>,
        %sub3A_424 = vector.broadcast %mul3A_3 : i32 to vector<16xi32>
        %sub3A_425 = arith.subi %get3A_423, %sub3A_424 : vector<16xi32>
        %ge3A_426 = arith.constant 0 : i32
        %ge3A_427 = vector.broadcast %ge3A_426 : i32 to vector<16xi32>
        %ge3A_428 = arith.cmpi sge, %sub3A_425, %ge3A_427 : vector<16xi32>
        %lt3A_429 = arith.constant 200192 : i32
        %lt3A_430 = vector.broadcast %lt3A_429 : i32 to vector<16xi32>
        %lt3A_431 = arith.cmpi slt, %sub3A_425, %lt3A_430 : vector<16xi32>
        %and3A_432 = arith.andi %ge3A_428, %lt3A_431 : vector<16xi1>
        %jit3A_433 = arith.constant 1 : i32
        %jit3A_434 = arith.constant 0 : i32
        %broadcast_in_dim3A_435 = vector.broadcast %jit3A_433 : i32 to vector<16xi32>
        %broadcast_in_dim3A_436 = vector.broadcast %jit3A_434 : i32 to vector<16xi32>
        %select_n3A_437 = arith.select %and3A_432, %broadcast_in_dim3A_435, %broadcast_in_dim3A_436 : vector<16xi1>, vector<16xi32>
        %mul3A_438 = arith.constant 5 : i32
        %mul3A_439 = arith.muli %scan3A_381, %mul3A_438 : i32
        %add3A_440 = arith.constant 1 : i32
        %add3A_441 = arith.addi %mul3A_439, %add3A_440 : i32
        %mul3A_442 = arith.constant 16 : i32
        %mul3A_443 = arith.muli %add3A_441, %mul3A_442 : i32
        %get3A_444 = arith.index_cast %and3A_187 : i32 to index
        %get3A_445 = arith.index_cast %mul3A_443 : i32 to index
        %get3A_446 = tpu.vector_load %arg8[%get3A_444, %get3A_445] {strides = array<i32>} : memref<2x2000xi32, #tpu.memory_space<vmem>>, vector<16xi32>,
        %cumsum3A_447 = arith.constant true
        %cumsum3A_448 = vector.broadcast %cumsum3A_447 : i1 to vector<16xi1>
        %cumsum3A_449 = tpu.scan <sum>, %select_n3A_437 masked %cumsum3A_448 : vector<16xi32>, vector<16xi1> -> vector<16xi32>
        %mul3A_450 = arith.constant 5 : i32
        %mul3A_451 = arith.muli %scan3A_381, %mul3A_450 : i32
        %add3A_452 = arith.constant 2 : i32
        %add3A_453 = arith.addi %mul3A_451, %add3A_452 : i32
        %mul3A_454 = arith.constant 16 : i32
        %mul3A_455 = arith.muli %add3A_453, %mul3A_454 : i32
        %get3A_456 = arith.index_cast %and3A_187 : i32 to index
        %get3A_457 = arith.index_cast %mul3A_455 : i32 to index
        %get3A_458 = tpu.vector_load %arg7[%get3A_456, %get3A_457] {strides = array<i32>} : memref<2x2000xi32, #tpu.memory_space<vmem>>, vector<16xi32>,
        %sub3A_459 = vector.broadcast %mul3A_3 : i32 to vector<16xi32>
        %sub3A_460 = arith.subi %get3A_458, %sub3A_459 : vector<16xi32>
        %ge3A_461 = arith.constant 0 : i32
        %ge3A_462 = vector.broadcast %ge3A_461 : i32 to vector<16xi32>
        %ge3A_463 = arith.cmpi sge, %sub3A_460, %ge3A_462 : vector<16xi32>
        %lt3A_464 = arith.constant 200192 : i32
        %lt3A_465 = vector.broadcast %lt3A_464 : i32 to vector<16xi32>
        %lt3A_466 = arith.cmpi slt, %sub3A_460, %lt3A_465 : vector<16xi32>
        %and3A_467 = arith.andi %ge3A_463, %lt3A_466 : vector<16xi1>
        %jit3A_468 = arith.constant 1 : i32
        %jit3A_469 = arith.constant 0 : i32
        %broadcast_in_dim3A_470 = vector.broadcast %jit3A_468 : i32 to vector<16xi32>
        %broadcast_in_dim3A_471 = vector.broadcast %jit3A_469 : i32 to vector<16xi32>
        %select_n3A_472 = arith.select %and3A_467, %broadcast_in_dim3A_470, %broadcast_in_dim3A_471 : vector<16xi1>, vector<16xi32>
        %mul3A_473 = arith.constant 5 : i32
        %mul3A_474 = arith.muli %scan3A_381, %mul3A_473 : i32
        %add3A_475 = arith.constant 2 : i32
        %add3A_476 = arith.addi %mul3A_474, %add3A_475 : i32
        %mul3A_477 = arith.constant 16 : i32
        %mul3A_478 = arith.muli %add3A_476, %mul3A_477 : i32
        %get3A_479 = arith.index_cast %and3A_187 : i32 to index
        %get3A_480 = arith.index_cast %mul3A_478 : i32 to index
        %get3A_481 = tpu.vector_load %arg8[%get3A_479, %get3A_480] {strides = array<i32>} : memref<2x2000xi32, #tpu.memory_space<vmem>>, vector<16xi32>,
        %cumsum3A_482 = arith.constant true
        %cumsum3A_483 = vector.broadcast %cumsum3A_482 : i1 to vector<16xi1>
        %cumsum3A_484 = tpu.scan <sum>, %select_n3A_472 masked %cumsum3A_483 : vector<16xi32>, vector<16xi1> -> vector<16xi32>
        %mul3A_485 = arith.constant 5 : i32
        %mul3A_486 = arith.muli %scan3A_381, %mul3A_485 : i32
        %add3A_487 = arith.constant 3 : i32
        %add3A_488 = arith.addi %mul3A_486, %add3A_487 : i32
        %mul3A_489 = arith.constant 16 : i32
        %mul3A_490 = arith.muli %add3A_488, %mul3A_489 : i32
        %get3A_491 = arith.index_cast %and3A_187 : i32 to index
        %get3A_492 = arith.index_cast %mul3A_490 : i32 to index
        %get3A_493 = tpu.vector_load %arg7[%get3A_491, %get3A_492] {strides = array<i32>} : memref<2x2000xi32, #tpu.memory_space<vmem>>, vector<16xi32>,
        %sub3A_494 = vector.broadcast %mul3A_3 : i32 to vector<16xi32>
        %sub3A_495 = arith.subi %get3A_493, %sub3A_494 : vector<16xi32>
        %ge3A_496 = arith.constant 0 : i32
        %ge3A_497 = vector.broadcast %ge3A_496 : i32 to vector<16xi32>
        %ge3A_498 = arith.cmpi sge, %sub3A_495, %ge3A_497 : vector<16xi32>
        %lt3A_499 = arith.constant 200192 : i32
        %lt3A_500 = vector.broadcast %lt3A_499 : i32 to vector<16xi32>
        %lt3A_501 = arith.cmpi slt, %sub3A_495, %lt3A_500 : vector<16xi32>
        %and3A_502 = arith.andi %ge3A_498, %lt3A_501 : vector<16xi1>
        %jit3A_503 = arith.constant 1 : i32
        %jit3A_504 = arith.constant 0 : i32
        %broadcast_in_dim3A_505 = vector.broadcast %jit3A_503 : i32 to vector<16xi32>
        %broadcast_in_dim3A_506 = vector.broadcast %jit3A_504 : i32 to vector<16xi32>
        %select_n3A_507 = arith.select %and3A_502, %broadcast_in_dim3A_505, %broadcast_in_dim3A_506 : vector<16xi1>, vector<16xi32>
        %mul3A_508 = arith.constant 5 : i32
        %mul3A_509 = arith.muli %scan3A_381, %mul3A_508 : i32
        %add3A_510 = arith.constant 3 : i32
        %add3A_511 = arith.addi %mul3A_509, %add3A_510 : i32
        %mul3A_512 = arith.constant 16 : i32
        %mul3A_513 = arith.muli %add3A_511, %mul3A_512 : i32
        %get3A_514 = arith.index_cast %and3A_187 : i32 to index
        %get3A_515 = arith.index_cast %mul3A_513 : i32 to index
        %get3A_516 = tpu.vector_load %arg8[%get3A_514, %get3A_515] {strides = array<i32>} : memref<2x2000xi32, #tpu.memory_space<vmem>>, vector<16xi32>,
        %cumsum3A_517 = arith.constant true
        %cumsum3A_518 = vector.broadcast %cumsum3A_517 : i1 to vector<16xi1>
        %cumsum3A_519 = tpu.scan <sum>, %select_n3A_507 masked %cumsum3A_518 : vector<16xi32>, vector<16xi1> -> vector<16xi32>
        %mul3A_520 = arith.constant 5 : i32
        %mul3A_521 = arith.muli %scan3A_381, %mul3A_520 : i32
        %add3A_522 = arith.constant 4 : i32
        %add3A_523 = arith.addi %mul3A_521, %add3A_522 : i32
        %mul3A_524 = arith.constant 16 : i32
        %mul3A_525 = arith.muli %add3A_523, %mul3A_524 : i32
        %get3A_526 = arith.index_cast %and3A_187 : i32 to index
        %get3A_527 = arith.index_cast %mul3A_525 : i32 to index
        %get3A_528 = tpu.vector_load %arg7[%get3A_526, %get3A_527] {strides = array<i32>} : memref<2x2000xi32, #tpu.memory_space<vmem>>, vector<16xi32>,
        %sub3A_529 = vector.broadcast %mul3A_3 : i32 to vector<16xi32>
        %sub3A_530 = arith.subi %get3A_528, %sub3A_529 : vector<16xi32>
        %ge3A_531 = arith.constant 0 : i32
        %ge3A_532 = vector.broadcast %ge3A_531 : i32 to vector<16xi32>
        %ge3A_533 = arith.cmpi sge, %sub3A_530, %ge3A_532 : vector<16xi32>
        %lt3A_534 = arith.constant 200192 : i32
        %lt3A_535 = vector.broadcast %lt3A_534 : i32 to vector<16xi32>
        %lt3A_536 = arith.cmpi slt, %sub3A_530, %lt3A_535 : vector<16xi32>
        %and3A_537 = arith.andi %ge3A_533, %lt3A_536 : vector<16xi1>
        %jit3A_538 = arith.constant 1 : i32
        %jit3A_539 = arith.constant 0 : i32
        %broadcast_in_dim3A_540 = vector.broadcast %jit3A_538 : i32 to vector<16xi32>
        %broadcast_in_dim3A_541 = vector.broadcast %jit3A_539 : i32 to vector<16xi32>
        %select_n3A_542 = arith.select %and3A_537, %broadcast_in_dim3A_540, %broadcast_in_dim3A_541 : vector<16xi1>, vector<16xi32>
        %mul3A_543 = arith.constant 5 : i32
        %mul3A_544 = arith.muli %scan3A_381, %mul3A_543 : i32
        %add3A_545 = arith.constant 4 : i32
        %add3A_546 = arith.addi %mul3A_544, %add3A_545 : i32
        %mul3A_547 = arith.constant 16 : i32
        %mul3A_548 = arith.muli %add3A_546, %mul3A_547 : i32
        %get3A_549 = arith.index_cast %and3A_187 : i32 to index
        %get3A_550 = arith.index_cast %mul3A_548 : i32 to index
        %get3A_551 = tpu.vector_load %arg8[%get3A_549, %get3A_550] {strides = array<i32>} : memref<2x2000xi32, #tpu.memory_space<vmem>>, vector<16xi32>,
        %cumsum3A_552 = arith.constant true
        %cumsum3A_553 = vector.broadcast %cumsum3A_552 : i1 to vector<16xi1>
        %cumsum3A_554 = tpu.scan <sum>, %select_n3A_542 masked %cumsum3A_553 : vector<16xi32>, vector<16xi1> -> vector<16xi32>
        %add3A_555 = vector.broadcast %scan3A_382 : i32 to vector<16xi32>
        %add3A_556 = arith.addi %add3A_555, %cumsum3A_414 : vector<16xi32>
        %sub3A_557 = arith.subi %add3A_556, %select_n3A_403 : vector<16xi32>
        tpu.vector_store_idx %arg9[%sub3A_557], %sub3A_393 masked %and3A_399 : memref<2256xi32, #tpu.memory_space<vmem>>[vector<16xi32>], vector<16xi32>, vector<16xi1>
        tpu.vector_store_idx %arg10[%sub3A_557], %get3A_412 masked %and3A_399 : memref<2256xi32, #tpu.memory_space<vmem>>[vector<16xi32>], vector<16xi32>, vector<16xi1>
        %slice3A = vector.extract_strided_slice %cumsum3A_414 {offsets = [15], sizes = [1], strides = [1]} : vector<16xi32> to vector<1xi32>
        %squeeze3A = vector.extract %slice3A[0] : i32 from vector<1xi32>
        %add3A_558 = arith.addi %scan3A_382, %squeeze3A : i32
        %add3A_559 = vector.broadcast %add3A_558 : i32 to vector<16xi32>
        %add3A_560 = arith.addi %add3A_559, %cumsum3A_449 : vector<16xi32>
        %sub3A_561 = arith.subi %add3A_560, %select_n3A_437 : vector<16xi32>
        tpu.vector_store_idx %arg9[%sub3A_561], %sub3A_425 masked %and3A_432 : memref<2256xi32, #tpu.memory_space<vmem>>[vector<16xi32>], vector<16xi32>, vector<16xi1>
        tpu.vector_store_idx %arg10[%sub3A_561], %get3A_446 masked %and3A_432 : memref<2256xi32, #tpu.memory_space<vmem>>[vector<16xi32>], vector<16xi32>, vector<16xi1>
        %slice3A_562 = vector.extract_strided_slice %cumsum3A_449 {offsets = [15], sizes = [1], strides = [1]} : vector<16xi32> to vector<1xi32>
        %squeeze3A_563 = vector.extract %slice3A_562[0] : i32 from vector<1xi32>
        %add3A_564 = arith.addi %add3A_558, %squeeze3A_563 : i32
        %add3A_565 = vector.broadcast %add3A_564 : i32 to vector<16xi32>
        %add3A_566 = arith.addi %add3A_565, %cumsum3A_484 : vector<16xi32>
        %sub3A_567 = arith.subi %add3A_566, %select_n3A_472 : vector<16xi32>
        tpu.vector_store_idx %arg9[%sub3A_567], %sub3A_460 masked %and3A_467 : memref<2256xi32, #tpu.memory_space<vmem>>[vector<16xi32>], vector<16xi32>, vector<16xi1>
        tpu.vector_store_idx %arg10[%sub3A_567], %get3A_481 masked %and3A_467 : memref<2256xi32, #tpu.memory_space<vmem>>[vector<16xi32>], vector<16xi32>, vector<16xi1>
        %slice3A_568 = vector.extract_strided_slice %cumsum3A_484 {offsets = [15], sizes = [1], strides = [1]} : vector<16xi32> to vector<1xi32>
        %squeeze3A_569 = vector.extract %slice3A_568[0] : i32 from vector<1xi32>
        %add3A_570 = arith.addi %add3A_564, %squeeze3A_569 : i32
        %add3A_571 = vector.broadcast %add3A_570 : i32 to vector<16xi32>
        %add3A_572 = arith.addi %add3A_571, %cumsum3A_519 : vector<16xi32>
        %sub3A_573 = arith.subi %add3A_572, %select_n3A_507 : vector<16xi32>
        tpu.vector_store_idx %arg9[%sub3A_573], %sub3A_495 masked %and3A_502 : memref<2256xi32, #tpu.memory_space<vmem>>[vector<16xi32>], vector<16xi32>, vector<16xi1>
        tpu.vector_store_idx %arg10[%sub3A_573], %get3A_516 masked %and3A_502 : memref<2256xi32, #tpu.memory_space<vmem>>[vector<16xi32>], vector<16xi32>, vector<16xi1>
        %slice3A_574 = vector.extract_strided_slice %cumsum3A_519 {offsets = [15], sizes = [1], strides = [1]} : vector<16xi32> to vector<1xi32>
        %squeeze3A_575 = vector.extract %slice3A_574[0] : i32 from vector<1xi32>
        %add3A_576 = arith.addi %add3A_570, %squeeze3A_575 : i32
        %add3A_577 = vector.broadcast %add3A_576 : i32 to vector<16xi32>
        %add3A_578 = arith.addi %add3A_577, %cumsum3A_554 : vector<16xi32>
        %sub3A_579 = arith.subi %add3A_578, %select_n3A_542 : vector<16xi32>
        tpu.vector_store_idx %arg9[%sub3A_579], %sub3A_530 masked %and3A_537 : memref<2256xi32, #tpu.memory_space<vmem>>[vector<16xi32>], vector<16xi32>, vector<16xi1>
        tpu.vector_store_idx %arg10[%sub3A_579], %get3A_551 masked %and3A_537 : memref<2256xi32, #tpu.memory_space<vmem>>[vector<16xi32>], vector<16xi32>, vector<16xi1>
        %slice3A_580 = vector.extract_strided_slice %cumsum3A_554 {offsets = [15], sizes = [1], strides = [1]} : vector<16xi32> to vector<1xi32>
        %squeeze3A_581 = vector.extract %slice3A_580[0] : i32 from vector<1xi32>
        %add3A_582 = arith.addi %add3A_576, %squeeze3A_581 : i32
        scf.yield %add3A_582 : i32
      }
      %scan3A_216 = arith.constant 25 : i32
      %jit3A_217 = arith.constant 128 : i32
      %div3A_218 = arith.divsi %scan3A_215, %jit3A_217 : i32
      %sign3A_219 = arith.constant 0 : i32
      %sign3A_220 = arith.cmpi sgt, %scan3A_215, %sign3A_219 : i32
      %sign3A_221 = arith.extui %sign3A_220 : i1 to i32
      %sign3A_222 = arith.constant 0 : i32
      %sign3A_223 = arith.cmpi slt, %scan3A_215, %sign3A_222 : i32
      %sign3A_224 = arith.extui %sign3A_223 : i1 to i32
      %sign3A_225 = arith.subi %sign3A_221, %sign3A_224 : i32
      %sign3A_226 = arith.constant 0 : i32
      %sign3A_227 = arith.cmpi sgt, %jit3A_217, %sign3A_226 : i32
      %sign3A_228 = arith.extui %sign3A_227 : i1 to i32
      %sign3A_229 = arith.constant 0 : i32
      %sign3A_230 = arith.cmpi slt, %jit3A_217, %sign3A_229 : i32
      %sign3A_231 = arith.extui %sign3A_230 : i1 to i32
      %sign3A_232 = arith.subi %sign3A_228, %sign3A_231 : i32
      %ne3A_233 = arith.cmpi ne, %sign3A_225, %sign3A_232 : i32
      %rem3A_234 = arith.remsi %scan3A_215, %jit3A_217 : i32
      %ne3A_235 = arith.constant 0 : i32
      %ne3A_236 = arith.cmpi ne, %rem3A_234, %ne3A_235 : i32
      %and3A_237 = arith.andi %ne3A_233, %ne3A_236 : i1
      %sub3A_238 = arith.constant 1 : i32
      %sub3A_239 = arith.subi %div3A_218, %sub3A_238 : i32
      %select_n3A_240 = arith.select %and3A_237, %sub3A_239, %div3A_218 : i32
      %while3A_241 = arith.constant 0 : i32
      %while3A_242 = arith.constant 0 : i32
      %while3A_243 = arith.subi %select_n3A_240, %while3A_242 : i32
      %while3A_244 = arith.addi %while3A_242, %while3A_243 : i32
      %while3A_245 = arith.constant 1 : i32
      %while3A_246 = arith.divsi %while3A_243, %while3A_245 : i32
      %while3A_247 = arith.muli %while3A_246, %while3A_245 : i32
      %while3A_248 = arith.addi %while3A_242, %while3A_247 : i32
      %while3A_249 = arith.constant 1 : i32
      scf.for %while3A_381 = %while3A_242 to %while3A_248 step %while3A_249  : i32 {
        %mul3A_382 = arith.constant 128 : i32
        %mul3A_383 = arith.muli %while3A_381, %mul3A_382 : i32
        %dma_start3A_384 = tpu.memref_slice %arg10[%mul3A_383] : memref<2256xi32, #tpu.memory_space<vmem>> -> memref<128xi32, #tpu.memory_space<vmem>>
        %dma_start3A_385 = arith.constant 0 : i32
        %dma_start3A_386 = arith.constant 0 : i32
        %dma_start3A_387 = tpu.memref_slice %arg2[%dma_start3A_385, %dma_start3A_386] : memref<100000x8xf32, #tpu.memory_space<hbm>> -> memref<100000x8xf32, #tpu.memory_space<hbm>>
        tpu.enqueue_indirect_dma source(%dma_start3A_387 : memref<100000x8xf32, #tpu.memory_space<hbm>>) target(%arg12 : memref<128x8xf32, #tpu.memory_space<vmem>>) offsets(%dma_start3A_384 : memref<128xi32, #tpu.memory_space<vmem>>) semaphore(%arg14 : memref<!tpu.dma_semaphore, #tpu.memory_space<semaphore_mem>>)
        %mul3A_388 = arith.constant 128 : i32
        %mul3A_389 = arith.muli %while3A_381, %mul3A_388 : i32
        %add3A_390 = arith.constant 0 : i32
        %add3A_391 = arith.addi %mul3A_389, %add3A_390 : i32
        %get3A_392 = arith.index_cast %add3A_391 : i32 to index
        %get3A_393 = tpu.vector_load %arg9[%get3A_392] {strides = array<i32>} : memref<2256xi32, #tpu.memory_space<vmem>>, vector<16xi32>,
        %swap3A_394 = arith.index_cast %while3A_381 : i32 to index
        %swap3A_395 = arith.constant 0 : index
        %swap3A_396 = tpu.vector_load %arg11[%swap3A_394, %swap3A_395] {strides = array<i32>} : memref<16x128xi32, #tpu.memory_space<vmem>>, vector<16xi32>,
        tpu.vector_store %arg11[%swap3A_394, %swap3A_395], %get3A_393 {strides = array<i32>} : memref<16x128xi32, #tpu.memory_space<vmem>>, vector<16xi32>,
        %mul3A_397 = arith.constant 128 : i32
        %mul3A_398 = arith.muli %while3A_381, %mul3A_397 : i32
        %add3A_399 = arith.constant 16 : i32
        %add3A_400 = arith.addi %mul3A_398, %add3A_399 : i32
        %get3A_401 = arith.index_cast %add3A_400 : i32 to index
        %get3A_402 = tpu.vector_load %arg9[%get3A_401] {strides = array<i32>} : memref<2256xi32, #tpu.memory_space<vmem>>, vector<16xi32>,
        %swap3A_403 = arith.index_cast %while3A_381 : i32 to index
        %swap3A_404 = arith.constant 16 : index
        %swap3A_405 = tpu.vector_load %arg11[%swap3A_403, %swap3A_404] {strides = array<i32>} : memref<16x128xi32, #tpu.memory_space<vmem>>, vector<16xi32>,
        tpu.vector_store %arg11[%swap3A_403, %swap3A_404], %get3A_402 {strides = array<i32>} : memref<16x128xi32, #tpu.memory_space<vmem>>, vector<16xi32>,
        %mul3A_406 = arith.constant 128 : i32
        %mul3A_407 = arith.muli %while3A_381, %mul3A_406 : i32
        %add3A_408 = arith.constant 32 : i32
        %add3A_409 = arith.addi %mul3A_407, %add3A_408 : i32
        %get3A_410 = arith.index_cast %add3A_409 : i32 to index
        %get3A_411 = tpu.vector_load %arg9[%get3A_410] {strides = array<i32>} : memref<2256xi32, #tpu.memory_space<vmem>>, vector<16xi32>,
        %swap3A_412 = arith.index_cast %while3A_381 : i32 to index
        %swap3A_413 = arith.constant 32 : index
        %swap3A_414 = tpu.vector_load %arg11[%swap3A_412, %swap3A_413] {strides = array<i32>} : memref<16x128xi32, #tpu.memory_space<vmem>>, vector<16xi32>,
        tpu.vector_store %arg11[%swap3A_412, %swap3A_413], %get3A_411 {strides = array<i32>} : memref<16x128xi32, #tpu.memory_space<vmem>>, vector<16xi32>,
        %mul3A_415 = arith.constant 128 : i32
        %mul3A_416 = arith.muli %while3A_381, %mul3A_415 : i32
        %add3A_417 = arith.constant 48 : i32
        %add3A_418 = arith.addi %mul3A_416, %add3A_417 : i32
        %get3A_419 = arith.index_cast %add3A_418 : i32 to index
        %get3A_420 = tpu.vector_load %arg9[%get3A_419] {strides = array<i32>} : memref<2256xi32, #tpu.memory_space<vmem>>, vector<16xi32>,
        %swap3A_421 = arith.index_cast %while3A_381 : i32 to index
        %swap3A_422 = arith.constant 48 : index
        %swap3A_423 = tpu.vector_load %arg11[%swap3A_421, %swap3A_422] {strides = array<i32>} : memref<16x128xi32, #tpu.memory_space<vmem>>, vector<16xi32>,
        tpu.vector_store %arg11[%swap3A_421, %swap3A_422], %get3A_420 {strides = array<i32>} : memref<16x128xi32, #tpu.memory_space<vmem>>, vector<16xi32>,
        %mul3A_424 = arith.constant 128 : i32
        %mul3A_425 = arith.muli %while3A_381, %mul3A_424 : i32
        %add3A_426 = arith.constant 64 : i32
        %add3A_427 = arith.addi %mul3A_425, %add3A_426 : i32
        %get3A_428 = arith.index_cast %add3A_427 : i32 to index
        %get3A_429 = tpu.vector_load %arg9[%get3A_428] {strides = array<i32>} : memref<2256xi32, #tpu.memory_space<vmem>>, vector<16xi32>,
        %swap3A_430 = arith.index_cast %while3A_381 : i32 to index
        %swap3A_431 = arith.constant 64 : index
        %swap3A_432 = tpu.vector_load %arg11[%swap3A_430, %swap3A_431] {strides = array<i32>} : memref<16x128xi32, #tpu.memory_space<vmem>>, vector<16xi32>,
        tpu.vector_store %arg11[%swap3A_430, %swap3A_431], %get3A_429 {strides = array<i32>} : memref<16x128xi32, #tpu.memory_space<vmem>>, vector<16xi32>,
        %mul3A_433 = arith.constant 128 : i32
        %mul3A_434 = arith.muli %while3A_381, %mul3A_433 : i32
        %add3A_435 = arith.constant 80 : i32
        %add3A_436 = arith.addi %mul3A_434, %add3A_435 : i32
        %get3A_437 = arith.index_cast %add3A_436 : i32 to index
        %get3A_438 = tpu.vector_load %arg9[%get3A_437] {strides = array<i32>} : memref<2256xi32, #tpu.memory_space<vmem>>, vector<16xi32>,
        %swap3A_439 = arith.index_cast %while3A_381 : i32 to index
        %swap3A_440 = arith.constant 80 : index
        %swap3A_441 = tpu.vector_load %arg11[%swap3A_439, %swap3A_440] {strides = array<i32>} : memref<16x128xi32, #tpu.memory_space<vmem>>, vector<16xi32>,
        tpu.vector_store %arg11[%swap3A_439, %swap3A_440], %get3A_438 {strides = array<i32>} : memref<16x128xi32, #tpu.memory_space<vmem>>, vector<16xi32>,
        %mul3A_442 = arith.constant 128 : i32
        %mul3A_443 = arith.muli %while3A_381, %mul3A_442 : i32
        %add3A_444 = arith.constant 96 : i32
        %add3A_445 = arith.addi %mul3A_443, %add3A_444 : i32
        %get3A_446 = arith.index_cast %add3A_445 : i32 to index
        %get3A_447 = tpu.vector_load %arg9[%get3A_446] {strides = array<i32>} : memref<2256xi32, #tpu.memory_space<vmem>>, vector<16xi32>,
        %swap3A_448 = arith.index_cast %while3A_381 : i32 to index
        %swap3A_449 = arith.constant 96 : index
        %swap3A_450 = tpu.vector_load %arg11[%swap3A_448, %swap3A_449] {strides = array<i32>} : memref<16x128xi32, #tpu.memory_space<vmem>>, vector<16xi32>,
        tpu.vector_store %arg11[%swap3A_448, %swap3A_449], %get3A_447 {strides = array<i32>} : memref<16x128xi32, #tpu.memory_space<vmem>>, vector<16xi32>,
        %mul3A_451 = arith.constant 128 : i32
        %mul3A_452 = arith.muli %while3A_381, %mul3A_451 : i32
        %add3A_453 = arith.constant 112 : i32
        %add3A_454 = arith.addi %mul3A_452, %add3A_453 : i32
        %get3A_455 = arith.index_cast %add3A_454 : i32 to index
        %get3A_456 = tpu.vector_load %arg9[%get3A_455] {strides = array<i32>} : memref<2256xi32, #tpu.memory_space<vmem>>, vector<16xi32>,
        %swap3A_457 = arith.index_cast %while3A_381 : i32 to index
        %swap3A_458 = arith.constant 112 : index
        %swap3A_459 = tpu.vector_load %arg11[%swap3A_457, %swap3A_458] {strides = array<i32>} : memref<16x128xi32, #tpu.memory_space<vmem>>, vector<16xi32>,
        tpu.vector_store %arg11[%swap3A_457, %swap3A_458], %get3A_456 {strides = array<i32>} : memref<16x128xi32, #tpu.memory_space<vmem>>, vector<16xi32>,
        %dma_wait3A_460 = tpu.memref_slice %arg10[%mul3A_383] : memref<2256xi32, #tpu.memory_space<vmem>> -> memref<128xi32, #tpu.memory_space<vmem>>
        %dma_wait3A_461 = arith.constant 0 : i32
        %dma_wait3A_462 = arith.constant 0 : i32
        %dma_wait3A_463 = tpu.memref_slice %arg2[%dma_wait3A_461, %dma_wait3A_462] : memref<100000x8xf32, #tpu.memory_space<hbm>> -> memref<100000x8xf32, #tpu.memory_space<hbm>>
        tpu.wait_indirect_dma semaphore(%arg14 : memref<!tpu.dma_semaphore, #tpu.memory_space<semaphore_mem>>) src(%dma_wait3A_463 : memref<100000x8xf32, #tpu.memory_space<hbm>>) dst(%arg12 : memref<128x8xf32, #tpu.memory_space<vmem>>)
        "tpu.region"() ({
          %run_scoped3A = tpu.sem_alloc : memref<!tpu.dma_semaphore, #tpu.memory_space<semaphore_mem>>
          %dma_start3A_464 = arith.constant 0 : i32
          %dma_start3A_465 = tpu.memref_slice %arg11[%while3A_381, %dma_start3A_464] : memref<16x128xi32, #tpu.memory_space<vmem>> -> memref<1x128xi32, #tpu.memory_space<vmem>>
          %dma_start3A_466 = tpu.memref_squeeze %dma_start3A_465 : memref<1x128xi32, #tpu.memory_space<vmem>> -> memref<128xi32, #tpu.memory_space<vmem>>
          %dma_start3A_467 = arith.constant 0 : i32
          %dma_start3A_468 = arith.constant 0 : i32
          %dma_start3A_469 = tpu.memref_slice %arg13[%dma_start3A_467, %dma_start3A_468] : memref<200704x8xf32, #tpu.memory_space<vmem_shared>> -> memref<200704x8xf32, #tpu.memory_space<vmem_shared>>
          tpu.enqueue_indirect_dma source(%arg12 : memref<128x8xf32, #tpu.memory_space<vmem>>) target(%dma_start3A_469 : memref<200704x8xf32, #tpu.memory_space<vmem_shared>>) offsets(%dma_start3A_466 : memref<128xi32, #tpu.memory_space<vmem>>) semaphore(%run_scoped3A : memref<!tpu.dma_semaphore, #tpu.memory_space<semaphore_mem>>) {add = true}
          %dma_wait3A_470 = arith.constant 0 : i32
          %dma_wait3A_471 = tpu.memref_slice %arg11[%while3A_381, %dma_wait3A_470] : memref<16x128xi32, #tpu.memory_space<vmem>> -> memref<1x128xi32, #tpu.memory_space<vmem>>
          %dma_wait3A_472 = tpu.memref_squeeze %dma_wait3A_471 : memref<1x128xi32, #tpu.memory_space<vmem>> -> memref<128xi32, #tpu.memory_space<vmem>>
          %dma_wait3A_473 = arith.constant 0 : i32
          %dma_wait3A_474 = arith.constant 0 : i32
          %dma_wait3A_475 = tpu.memref_slice %arg13[%dma_wait3A_473, %dma_wait3A_474] : memref<200704x8xf32, #tpu.memory_space<vmem_shared>> -> memref<200704x8xf32, #tpu.memory_space<vmem_shared>>
          tpu.wait_indirect_dma semaphore(%run_scoped3A : memref<!tpu.dma_semaphore, #tpu.memory_space<semaphore_mem>>) src(%arg12 : memref<128x8xf32, #tpu.memory_space<vmem>>) dst(%dma_wait3A_475 : memref<200704x8xf32, #tpu.memory_space<vmem_shared>>)
          tpu.yield
        }) : () -> ()
      }
      %while3A_250 = arith.constant 1 : i32
      scf.for %while3A_381 = %while3A_248 to %while3A_244 step %while3A_250  : i32 {
        %mul3A_382 = arith.constant 128 : i32
        %mul3A_383 = arith.muli %while3A_381, %mul3A_382 : i32
        %dma_start3A_384 = tpu.memref_slice %arg10[%mul3A_383] : memref<2256xi32, #tpu.memory_space<vmem>> -> memref<128xi32, #tpu.memory_space<vmem>>
        %dma_start3A_385 = arith.constant 0 : i32
        %dma_start3A_386 = arith.constant 0 : i32
        %dma_start3A_387 = tpu.memref_slice %arg2[%dma_start3A_385, %dma_start3A_386] : memref<100000x8xf32, #tpu.memory_space<hbm>> -> memref<100000x8xf32, #tpu.memory_space<hbm>>
        tpu.enqueue_indirect_dma source(%dma_start3A_387 : memref<100000x8xf32, #tpu.memory_space<hbm>>) target(%arg12 : memref<128x8xf32, #tpu.memory_space<vmem>>) offsets(%dma_start3A_384 : memref<128xi32, #tpu.memory_space<vmem>>) semaphore(%arg14 : memref<!tpu.dma_semaphore, #tpu.memory_space<semaphore_mem>>)
        %mul3A_388 = arith.constant 128 : i32
        %mul3A_389 = arith.muli %while3A_381, %mul3A_388 : i32
        %add3A_390 = arith.constant 0 : i32
        %add3A_391 = arith.addi %mul3A_389, %add3A_390 : i32
        %get3A_392 = arith.index_cast %add3A_391 : i32 to index
        %get3A_393 = tpu.vector_load %arg9[%get3A_392] {strides = array<i32>} : memref<2256xi32, #tpu.memory_space<vmem>>, vector<16xi32>,
        %swap3A_394 = arith.index_cast %while3A_381 : i32 to index
        %swap3A_395 = arith.constant 0 : index
        %swap3A_396 = tpu.vector_load %arg11[%swap3A_394, %swap3A_395] {strides = array<i32>} : memref<16x128xi32, #tpu.memory_space<vmem>>, vector<16xi32>,
        tpu.vector_store %arg11[%swap3A_394, %swap3A_395], %get3A_393 {strides = array<i32>} : memref<16x128xi32, #tpu.memory_space<vmem>>, vector<16xi32>,
        %mul3A_397 = arith.constant 128 : i32
        %mul3A_398 = arith.muli %while3A_381, %mul3A_397 : i32
        %add3A_399 = arith.constant 16 : i32
        %add3A_400 = arith.addi %mul3A_398, %add3A_399 : i32
        %get3A_401 = arith.index_cast %add3A_400 : i32 to index
        %get3A_402 = tpu.vector_load %arg9[%get3A_401] {strides = array<i32>} : memref<2256xi32, #tpu.memory_space<vmem>>, vector<16xi32>,
        %swap3A_403 = arith.index_cast %while3A_381 : i32 to index
        %swap3A_404 = arith.constant 16 : index
        %swap3A_405 = tpu.vector_load %arg11[%swap3A_403, %swap3A_404] {strides = array<i32>} : memref<16x128xi32, #tpu.memory_space<vmem>>, vector<16xi32>,
        tpu.vector_store %arg11[%swap3A_403, %swap3A_404], %get3A_402 {strides = array<i32>} : memref<16x128xi32, #tpu.memory_space<vmem>>, vector<16xi32>,
        %mul3A_406 = arith.constant 128 : i32
        %mul3A_407 = arith.muli %while3A_381, %mul3A_406 : i32
        %add3A_408 = arith.constant 32 : i32
        %add3A_409 = arith.addi %mul3A_407, %add3A_408 : i32
        %get3A_410 = arith.index_cast %add3A_409 : i32 to index
        %get3A_411 = tpu.vector_load %arg9[%get3A_410] {strides = array<i32>} : memref<2256xi32, #tpu.memory_space<vmem>>, vector<16xi32>,
        %swap3A_412 = arith.index_cast %while3A_381 : i32 to index
        %swap3A_413 = arith.constant 32 : index
        %swap3A_414 = tpu.vector_load %arg11[%swap3A_412, %swap3A_413] {strides = array<i32>} : memref<16x128xi32, #tpu.memory_space<vmem>>, vector<16xi32>,
        tpu.vector_store %arg11[%swap3A_412, %swap3A_413], %get3A_411 {strides = array<i32>} : memref<16x128xi32, #tpu.memory_space<vmem>>, vector<16xi32>,
        %mul3A_415 = arith.constant 128 : i32
        %mul3A_416 = arith.muli %while3A_381, %mul3A_415 : i32
        %add3A_417 = arith.constant 48 : i32
        %add3A_418 = arith.addi %mul3A_416, %add3A_417 : i32
        %get3A_419 = arith.index_cast %add3A_418 : i32 to index
        %get3A_420 = tpu.vector_load %arg9[%get3A_419] {strides = array<i32>} : memref<2256xi32, #tpu.memory_space<vmem>>, vector<16xi32>,
        %swap3A_421 = arith.index_cast %while3A_381 : i32 to index
        %swap3A_422 = arith.constant 48 : index
        %swap3A_423 = tpu.vector_load %arg11[%swap3A_421, %swap3A_422] {strides = array<i32>} : memref<16x128xi32, #tpu.memory_space<vmem>>, vector<16xi32>,
        tpu.vector_store %arg11[%swap3A_421, %swap3A_422], %get3A_420 {strides = array<i32>} : memref<16x128xi32, #tpu.memory_space<vmem>>, vector<16xi32>,
        %mul3A_424 = arith.constant 128 : i32
        %mul3A_425 = arith.muli %while3A_381, %mul3A_424 : i32
        %add3A_426 = arith.constant 64 : i32
        %add3A_427 = arith.addi %mul3A_425, %add3A_426 : i32
        %get3A_428 = arith.index_cast %add3A_427 : i32 to index
        %get3A_429 = tpu.vector_load %arg9[%get3A_428] {strides = array<i32>} : memref<2256xi32, #tpu.memory_space<vmem>>, vector<16xi32>,
        %swap3A_430 = arith.index_cast %while3A_381 : i32 to index
        %swap3A_431 = arith.constant 64 : index
        %swap3A_432 = tpu.vector_load %arg11[%swap3A_430, %swap3A_431] {strides = array<i32>} : memref<16x128xi32, #tpu.memory_space<vmem>>, vector<16xi32>,
        tpu.vector_store %arg11[%swap3A_430, %swap3A_431], %get3A_429 {strides = array<i32>} : memref<16x128xi32, #tpu.memory_space<vmem>>, vector<16xi32>,
        %mul3A_433 = arith.constant 128 : i32
        %mul3A_434 = arith.muli %while3A_381, %mul3A_433 : i32
        %add3A_435 = arith.constant 80 : i32
        %add3A_436 = arith.addi %mul3A_434, %add3A_435 : i32
        %get3A_437 = arith.index_cast %add3A_436 : i32 to index
        %get3A_438 = tpu.vector_load %arg9[%get3A_437] {strides = array<i32>} : memref<2256xi32, #tpu.memory_space<vmem>>, vector<16xi32>,
        %swap3A_439 = arith.index_cast %while3A_381 : i32 to index
        %swap3A_440 = arith.constant 80 : index
        %swap3A_441 = tpu.vector_load %arg11[%swap3A_439, %swap3A_440] {strides = array<i32>} : memref<16x128xi32, #tpu.memory_space<vmem>>, vector<16xi32>,
        tpu.vector_store %arg11[%swap3A_439, %swap3A_440], %get3A_438 {strides = array<i32>} : memref<16x128xi32, #tpu.memory_space<vmem>>, vector<16xi32>,
        %mul3A_442 = arith.constant 128 : i32
        %mul3A_443 = arith.muli %while3A_381, %mul3A_442 : i32
        %add3A_444 = arith.constant 96 : i32
        %add3A_445 = arith.addi %mul3A_443, %add3A_444 : i32
        %get3A_446 = arith.index_cast %add3A_445 : i32 to index
        %get3A_447 = tpu.vector_load %arg9[%get3A_446] {strides = array<i32>} : memref<2256xi32, #tpu.memory_space<vmem>>, vector<16xi32>,
        %swap3A_448 = arith.index_cast %while3A_381 : i32 to index
        %swap3A_449 = arith.constant 96 : index
        %swap3A_450 = tpu.vector_load %arg11[%swap3A_448, %swap3A_449] {strides = array<i32>} : memref<16x128xi32, #tpu.memory_space<vmem>>, vector<16xi32>,
        tpu.vector_store %arg11[%swap3A_448, %swap3A_449], %get3A_447 {strides = array<i32>} : memref<16x128xi32, #tpu.memory_space<vmem>>, vector<16xi32>,
        %mul3A_451 = arith.constant 128 : i32
        %mul3A_452 = arith.muli %while3A_381, %mul3A_451 : i32
        %add3A_453 = arith.constant 112 : i32
        %add3A_454 = arith.addi %mul3A_452, %add3A_453 : i32
        %get3A_455 = arith.index_cast %add3A_454 : i32 to index
        %get3A_456 = tpu.vector_load %arg9[%get3A_455] {strides = array<i32>} : memref<2256xi32, #tpu.memory_space<vmem>>, vector<16xi32>,
        %swap3A_457 = arith.index_cast %while3A_381 : i32 to index
        %swap3A_458 = arith.constant 112 : index
        %swap3A_459 = tpu.vector_load %arg11[%swap3A_457, %swap3A_458] {strides = array<i32>} : memref<16x128xi32, #tpu.memory_space<vmem>>, vector<16xi32>,
        tpu.vector_store %arg11[%swap3A_457, %swap3A_458], %get3A_456 {strides = array<i32>} : memref<16x128xi32, #tpu.memory_space<vmem>>, vector<16xi32>,
        %dma_wait3A_460 = tpu.memref_slice %arg10[%mul3A_383] : memref<2256xi32, #tpu.memory_space<vmem>> -> memref<128xi32, #tpu.memory_space<vmem>>
        %dma_wait3A_461 = arith.constant 0 : i32
        %dma_wait3A_462 = arith.constant 0 : i32
        %dma_wait3A_463 = tpu.memref_slice %arg2[%dma_wait3A_461, %dma_wait3A_462] : memref<100000x8xf32, #tpu.memory_space<hbm>> -> memref<100000x8xf32, #tpu.memory_space<hbm>>
        tpu.wait_indirect_dma semaphore(%arg14 : memref<!tpu.dma_semaphore, #tpu.memory_space<semaphore_mem>>) src(%dma_wait3A_463 : memref<100000x8xf32, #tpu.memory_space<hbm>>) dst(%arg12 : memref<128x8xf32, #tpu.memory_space<vmem>>)
        "tpu.region"() ({
          %run_scoped3A = tpu.sem_alloc : memref<!tpu.dma_semaphore, #tpu.memory_space<semaphore_mem>>
          %dma_start3A_464 = arith.constant 0 : i32
          %dma_start3A_465 = tpu.memref_slice %arg11[%while3A_381, %dma_start3A_464] : memref<16x128xi32, #tpu.memory_space<vmem>> -> memref<1x128xi32, #tpu.memory_space<vmem>>
          %dma_start3A_466 = tpu.memref_squeeze %dma_start3A_465 : memref<1x128xi32, #tpu.memory_space<vmem>> -> memref<128xi32, #tpu.memory_space<vmem>>
          %dma_start3A_467 = arith.constant 0 : i32
          %dma_start3A_468 = arith.constant 0 : i32
          %dma_start3A_469 = tpu.memref_slice %arg13[%dma_start3A_467, %dma_start3A_468] : memref<200704x8xf32, #tpu.memory_space<vmem_shared>> -> memref<200704x8xf32, #tpu.memory_space<vmem_shared>>
          tpu.enqueue_indirect_dma source(%arg12 : memref<128x8xf32, #tpu.memory_space<vmem>>) target(%dma_start3A_469 : memref<200704x8xf32, #tpu.memory_space<vmem_shared>>) offsets(%dma_start3A_466 : memref<128xi32, #tpu.memory_space<vmem>>) semaphore(%run_scoped3A : memref<!tpu.dma_semaphore, #tpu.memory_space<semaphore_mem>>) {add = true}
          %dma_wait3A_470 = arith.constant 0 : i32
          %dma_wait3A_471 = tpu.memref_slice %arg11[%while3A_381, %dma_wait3A_470] : memref<16x128xi32, #tpu.memory_space<vmem>> -> memref<1x128xi32, #tpu.memory_space<vmem>>
          %dma_wait3A_472 = tpu.memref_squeeze %dma_wait3A_471 : memref<1x128xi32, #tpu.memory_space<vmem>> -> memref<128xi32, #tpu.memory_space<vmem>>
          %dma_wait3A_473 = arith.constant 0 : i32
          %dma_wait3A_474 = arith.constant 0 : i32
          %dma_wait3A_475 = tpu.memref_slice %arg13[%dma_wait3A_473, %dma_wait3A_474] : memref<200704x8xf32, #tpu.memory_space<vmem_shared>> -> memref<200704x8xf32, #tpu.memory_space<vmem_shared>>
          tpu.wait_indirect_dma semaphore(%run_scoped3A : memref<!tpu.dma_semaphore, #tpu.memory_space<semaphore_mem>>) src(%arg12 : memref<128x8xf32, #tpu.memory_space<vmem>>) dst(%dma_wait3A_475 : memref<200704x8xf32, #tpu.memory_space<vmem_shared>>)
          tpu.yield
        }) : () -> ()
      }
      %mul3A_251 = arith.constant 128 : i32
      %mul3A_252 = arith.muli %select_n3A_240, %mul3A_251 : i32
      %add3A_253 = arith.constant 0 : i32
      %add3A_254 = arith.addi %mul3A_252, %add3A_253 : i32
      %get3A = arith.index_cast %add3A_254 : i32 to index
      %get3A_255 = tpu.vector_load %arg9[%get3A] {strides = array<i32>} : memref<2256xi32, #tpu.memory_space<vmem>>, vector<16xi32>,
      %swap3A_256 = arith.constant 0 : index
      %swap3A_257 = tpu.vector_load %arg9[%swap3A_256] {strides = array<i32>} : memref<2256xi32, #tpu.memory_space<vmem>>, vector<16xi32>,
      tpu.vector_store %arg9[%swap3A_256], %get3A_255 {strides = array<i32>} : memref<2256xi32, #tpu.memory_space<vmem>>, vector<16xi32>,
      %mul3A_258 = arith.constant 128 : i32
      %mul3A_259 = arith.muli %select_n3A_240, %mul3A_258 : i32
      %add3A_260 = arith.constant 0 : i32
      %add3A_261 = arith.addi %mul3A_259, %add3A_260 : i32
      %get3A_262 = arith.index_cast %add3A_261 : i32 to index
      %get3A_263 = tpu.vector_load %arg10[%get3A_262] {strides = array<i32>} : memref<2256xi32, #tpu.memory_space<vmem>>, vector<16xi32>,
      %swap3A_264 = arith.constant 0 : index
      %swap3A_265 = tpu.vector_load %arg10[%swap3A_264] {strides = array<i32>} : memref<2256xi32, #tpu.memory_space<vmem>>, vector<16xi32>,
      tpu.vector_store %arg10[%swap3A_264], %get3A_263 {strides = array<i32>} : memref<2256xi32, #tpu.memory_space<vmem>>, vector<16xi32>,
      %mul3A_266 = arith.constant 128 : i32
      %mul3A_267 = arith.muli %select_n3A_240, %mul3A_266 : i32
      %add3A_268 = arith.constant 16 : i32
      %add3A_269 = arith.addi %mul3A_267, %add3A_268 : i32
      %get3A_270 = arith.index_cast %add3A_269 : i32 to index
      %get3A_271 = tpu.vector_load %arg9[%get3A_270] {strides = array<i32>} : memref<2256xi32, #tpu.memory_space<vmem>>, vector<16xi32>,
      %swap3A_272 = arith.constant 16 : index
      %swap3A_273 = tpu.vector_load %arg9[%swap3A_272] {strides = array<i32>} : memref<2256xi32, #tpu.memory_space<vmem>>, vector<16xi32>,
      tpu.vector_store %arg9[%swap3A_272], %get3A_271 {strides = array<i32>} : memref<2256xi32, #tpu.memory_space<vmem>>, vector<16xi32>,
      %mul3A_274 = arith.constant 128 : i32
      %mul3A_275 = arith.muli %select_n3A_240, %mul3A_274 : i32
      %add3A_276 = arith.constant 16 : i32
      %add3A_277 = arith.addi %mul3A_275, %add3A_276 : i32
      %get3A_278 = arith.index_cast %add3A_277 : i32 to index
      %get3A_279 = tpu.vector_load %arg10[%get3A_278] {strides = array<i32>} : memref<2256xi32, #tpu.memory_space<vmem>>, vector<16xi32>,
      %swap3A_280 = arith.constant 16 : index
      %swap3A_281 = tpu.vector_load %arg10[%swap3A_280] {strides = array<i32>} : memref<2256xi32, #tpu.memory_space<vmem>>, vector<16xi32>,
      tpu.vector_store %arg10[%swap3A_280], %get3A_279 {strides = array<i32>} : memref<2256xi32, #tpu.memory_space<vmem>>, vector<16xi32>,
      %mul3A_282 = arith.constant 128 : i32
      %mul3A_283 = arith.muli %select_n3A_240, %mul3A_282 : i32
      %add3A_284 = arith.constant 32 : i32
      %add3A_285 = arith.addi %mul3A_283, %add3A_284 : i32
      %get3A_286 = arith.index_cast %add3A_285 : i32 to index
      %get3A_287 = tpu.vector_load %arg9[%get3A_286] {strides = array<i32>} : memref<2256xi32, #tpu.memory_space<vmem>>, vector<16xi32>,
      %swap3A_288 = arith.constant 32 : index
      %swap3A_289 = tpu.vector_load %arg9[%swap3A_288] {strides = array<i32>} : memref<2256xi32, #tpu.memory_space<vmem>>, vector<16xi32>,
      tpu.vector_store %arg9[%swap3A_288], %get3A_287 {strides = array<i32>} : memref<2256xi32, #tpu.memory_space<vmem>>, vector<16xi32>,
      %mul3A_290 = arith.constant 128 : i32
      %mul3A_291 = arith.muli %select_n3A_240, %mul3A_290 : i32
      %add3A_292 = arith.constant 32 : i32
      %add3A_293 = arith.addi %mul3A_291, %add3A_292 : i32
      %get3A_294 = arith.index_cast %add3A_293 : i32 to index
      %get3A_295 = tpu.vector_load %arg10[%get3A_294] {strides = array<i32>} : memref<2256xi32, #tpu.memory_space<vmem>>, vector<16xi32>,
      %swap3A_296 = arith.constant 32 : index
      %swap3A_297 = tpu.vector_load %arg10[%swap3A_296] {strides = array<i32>} : memref<2256xi32, #tpu.memory_space<vmem>>, vector<16xi32>,
      tpu.vector_store %arg10[%swap3A_296], %get3A_295 {strides = array<i32>} : memref<2256xi32, #tpu.memory_space<vmem>>, vector<16xi32>,
      %mul3A_298 = arith.constant 128 : i32
      %mul3A_299 = arith.muli %select_n3A_240, %mul3A_298 : i32
      %add3A_300 = arith.constant 48 : i32
      %add3A_301 = arith.addi %mul3A_299, %add3A_300 : i32
      %get3A_302 = arith.index_cast %add3A_301 : i32 to index
      %get3A_303 = tpu.vector_load %arg9[%get3A_302] {strides = array<i32>} : memref<2256xi32, #tpu.memory_space<vmem>>, vector<16xi32>,
      %swap3A_304 = arith.constant 48 : index
      %swap3A_305 = tpu.vector_load %arg9[%swap3A_304] {strides = array<i32>} : memref<2256xi32, #tpu.memory_space<vmem>>, vector<16xi32>,
      tpu.vector_store %arg9[%swap3A_304], %get3A_303 {strides = array<i32>} : memref<2256xi32, #tpu.memory_space<vmem>>, vector<16xi32>,
      %mul3A_306 = arith.constant 128 : i32
      %mul3A_307 = arith.muli %select_n3A_240, %mul3A_306 : i32
      %add3A_308 = arith.constant 48 : i32
      %add3A_309 = arith.addi %mul3A_307, %add3A_308 : i32
      %get3A_310 = arith.index_cast %add3A_309 : i32 to index
      %get3A_311 = tpu.vector_load %arg10[%get3A_310] {strides = array<i32>} : memref<2256xi32, #tpu.memory_space<vmem>>, vector<16xi32>,
      %swap3A_312 = arith.constant 48 : index
      %swap3A_313 = tpu.vector_load %arg10[%swap3A_312] {strides = array<i32>} : memref<2256xi32, #tpu.memory_space<vmem>>, vector<16xi32>,
      tpu.vector_store %arg10[%swap3A_312], %get3A_311 {strides = array<i32>} : memref<2256xi32, #tpu.memory_space<vmem>>, vector<16xi32>,
      %mul3A_314 = arith.constant 128 : i32
      %mul3A_315 = arith.muli %select_n3A_240, %mul3A_314 : i32
      %add3A_316 = arith.constant 64 : i32
      %add3A_317 = arith.addi %mul3A_315, %add3A_316 : i32
      %get3A_318 = arith.index_cast %add3A_317 : i32 to index
      %get3A_319 = tpu.vector_load %arg9[%get3A_318] {strides = array<i32>} : memref<2256xi32, #tpu.memory_space<vmem>>, vector<16xi32>,
      %swap3A_320 = arith.constant 64 : index
      %swap3A_321 = tpu.vector_load %arg9[%swap3A_320] {strides = array<i32>} : memref<2256xi32, #tpu.memory_space<vmem>>, vector<16xi32>,
      tpu.vector_store %arg9[%swap3A_320], %get3A_319 {strides = array<i32>} : memref<2256xi32, #tpu.memory_space<vmem>>, vector<16xi32>,
      %mul3A_322 = arith.constant 128 : i32
      %mul3A_323 = arith.muli %select_n3A_240, %mul3A_322 : i32
      %add3A_324 = arith.constant 64 : i32
      %add3A_325 = arith.addi %mul3A_323, %add3A_324 : i32
      %get3A_326 = arith.index_cast %add3A_325 : i32 to index
      %get3A_327 = tpu.vector_load %arg10[%get3A_326] {strides = array<i32>} : memref<2256xi32, #tpu.memory_space<vmem>>, vector<16xi32>,
      %swap3A_328 = arith.constant 64 : index
      %swap3A_329 = tpu.vector_load %arg10[%swap3A_328] {strides = array<i32>} : memref<2256xi32, #tpu.memory_space<vmem>>, vector<16xi32>,
      tpu.vector_store %arg10[%swap3A_328], %get3A_327 {strides = array<i32>} : memref<2256xi32, #tpu.memory_space<vmem>>, vector<16xi32>,
      %mul3A_330 = arith.constant 128 : i32
      %mul3A_331 = arith.muli %select_n3A_240, %mul3A_330 : i32
      %add3A_332 = arith.constant 80 : i32
      %add3A_333 = arith.addi %mul3A_331, %add3A_332 : i32
      %get3A_334 = arith.index_cast %add3A_333 : i32 to index
      %get3A_335 = tpu.vector_load %arg9[%get3A_334] {strides = array<i32>} : memref<2256xi32, #tpu.memory_space<vmem>>, vector<16xi32>,
      %swap3A_336 = arith.constant 80 : index
      %swap3A_337 = tpu.vector_load %arg9[%swap3A_336] {strides = array<i32>} : memref<2256xi32, #tpu.memory_space<vmem>>, vector<16xi32>,
      tpu.vector_store %arg9[%swap3A_336], %get3A_335 {strides = array<i32>} : memref<2256xi32, #tpu.memory_space<vmem>>, vector<16xi32>,
      %mul3A_338 = arith.constant 128 : i32
      %mul3A_339 = arith.muli %select_n3A_240, %mul3A_338 : i32
      %add3A_340 = arith.constant 80 : i32
      %add3A_341 = arith.addi %mul3A_339, %add3A_340 : i32
      %get3A_342 = arith.index_cast %add3A_341 : i32 to index
      %get3A_343 = tpu.vector_load %arg10[%get3A_342] {strides = array<i32>} : memref<2256xi32, #tpu.memory_space<vmem>>, vector<16xi32>,
      %swap3A_344 = arith.constant 80 : index
      %swap3A_345 = tpu.vector_load %arg10[%swap3A_344] {strides = array<i32>} : memref<2256xi32, #tpu.memory_space<vmem>>, vector<16xi32>,
      tpu.vector_store %arg10[%swap3A_344], %get3A_343 {strides = array<i32>} : memref<2256xi32, #tpu.memory_space<vmem>>, vector<16xi32>,
      %mul3A_346 = arith.constant 128 : i32
      %mul3A_347 = arith.muli %select_n3A_240, %mul3A_346 : i32
      %add3A_348 = arith.constant 96 : i32
      %add3A_349 = arith.addi %mul3A_347, %add3A_348 : i32
      %get3A_350 = arith.index_cast %add3A_349 : i32 to index
      %get3A_351 = tpu.vector_load %arg9[%get3A_350] {strides = array<i32>} : memref<2256xi32, #tpu.memory_space<vmem>>, vector<16xi32>,
      %swap3A_352 = arith.constant 96 : index
      %swap3A_353 = tpu.vector_load %arg9[%swap3A_352] {strides = array<i32>} : memref<2256xi32, #tpu.memory_space<vmem>>, vector<16xi32>,
      tpu.vector_store %arg9[%swap3A_352], %get3A_351 {strides = array<i32>} : memref<2256xi32, #tpu.memory_space<vmem>>, vector<16xi32>,
      %mul3A_354 = arith.constant 128 : i32
      %mul3A_355 = arith.muli %select_n3A_240, %mul3A_354 : i32
      %add3A_356 = arith.constant 96 : i32
      %add3A_357 = arith.addi %mul3A_355, %add3A_356 : i32
      %get3A_358 = arith.index_cast %add3A_357 : i32 to index
      %get3A_359 = tpu.vector_load %arg10[%get3A_358] {strides = array<i32>} : memref<2256xi32, #tpu.memory_space<vmem>>, vector<16xi32>,
      %swap3A_360 = arith.constant 96 : index
      %swap3A_361 = tpu.vector_load %arg10[%swap3A_360] {strides = array<i32>} : memref<2256xi32, #tpu.memory_space<vmem>>, vector<16xi32>,
      tpu.vector_store %arg10[%swap3A_360], %get3A_359 {strides = array<i32>} : memref<2256xi32, #tpu.memory_space<vmem>>, vector<16xi32>,
      %mul3A_362 = arith.constant 128 : i32
      %mul3A_363 = arith.muli %select_n3A_240, %mul3A_362 : i32
      %add3A_364 = arith.constant 112 : i32
      %add3A_365 = arith.addi %mul3A_363, %add3A_364 : i32
      %get3A_366 = arith.index_cast %add3A_365 : i32 to index
      %get3A_367 = tpu.vector_load %arg9[%get3A_366] {strides = array<i32>} : memref<2256xi32, #tpu.memory_space<vmem>>, vector<16xi32>,
      %swap3A_368 = arith.constant 112 : index
      %swap3A_369 = tpu.vector_load %arg9[%swap3A_368] {strides = array<i32>} : memref<2256xi32, #tpu.memory_space<vmem>>, vector<16xi32>,
      tpu.vector_store %arg9[%swap3A_368], %get3A_367 {strides = array<i32>} : memref<2256xi32, #tpu.memory_space<vmem>>, vector<16xi32>,
      %mul3A_370 = arith.constant 128 : i32
      %mul3A_371 = arith.muli %select_n3A_240, %mul3A_370 : i32
      %add3A_372 = arith.constant 112 : i32
      %add3A_373 = arith.addi %mul3A_371, %add3A_372 : i32
      %get3A_374 = arith.index_cast %add3A_373 : i32 to index
      %get3A_375 = tpu.vector_load %arg10[%get3A_374] {strides = array<i32>} : memref<2256xi32, #tpu.memory_space<vmem>>, vector<16xi32>,
      %swap3A_376 = arith.constant 112 : index
      %swap3A_377 = tpu.vector_load %arg10[%swap3A_376] {strides = array<i32>} : memref<2256xi32, #tpu.memory_space<vmem>>, vector<16xi32>,
      tpu.vector_store %arg10[%swap3A_376], %get3A_375 {strides = array<i32>} : memref<2256xi32, #tpu.memory_space<vmem>>, vector<16xi32>,
      %mul3A_378 = arith.constant 128 : i32
      %mul3A_379 = arith.muli %select_n3A_240, %mul3A_378 : i32
      %sub3A_380 = arith.subi %scan3A_215, %mul3A_379 : i32
      scf.yield %sub3A_380 : i32
    }
    %scan3A_37 = arith.constant 50 : i32
    %add3A_38 = arith.constant 200192 : i32
    %add3A_39 = vector.broadcast %add3A_38 : i32 to vector<16xi32>
    %add3A_40 = arith.addi %add3A_39, %iota3A : vector<16xi32>
    %add3A_41 = arith.constant 0 : i32
    %add3A_42 = arith.addi %scan3A_36, %add3A_41 : i32
    %swap3A = arith.index_cast %add3A_42 : i32 to index
    %swap3A_43 = tpu.vector_load %arg9[%swap3A] {strides = array<i32>} : memref<2256xi32, #tpu.memory_space<vmem>>, vector<16xi32>,
    tpu.vector_store %arg9[%swap3A], %add3A_40 {strides = array<i32>} : memref<2256xi32, #tpu.memory_space<vmem>>, vector<16xi32>,
    %add3A_44 = arith.constant 0 : i32
    %add3A_45 = vector.broadcast %add3A_44 : i32 to vector<16xi32>
    %add3A_46 = arith.addi %add3A_45, %iota3A : vector<16xi32>
    %add3A_47 = arith.constant 0 : i32
    %add3A_48 = arith.addi %scan3A_36, %add3A_47 : i32
    %swap3A_49 = arith.index_cast %add3A_48 : i32 to index
    %swap3A_50 = tpu.vector_load %arg10[%swap3A_49] {strides = array<i32>} : memref<2256xi32, #tpu.memory_space<vmem>>, vector<16xi32>,
    tpu.vector_store %arg10[%swap3A_49], %add3A_46 {strides = array<i32>} : memref<2256xi32, #tpu.memory_space<vmem>>, vector<16xi32>,
    %add3A_51 = arith.constant 200208 : i32
    %add3A_52 = vector.broadcast %add3A_51 : i32 to vector<16xi32>
    %add3A_53 = arith.addi %add3A_52, %iota3A : vector<16xi32>
    %add3A_54 = arith.constant 16 : i32
    %add3A_55 = arith.addi %scan3A_36, %add3A_54 : i32
    %swap3A_56 = arith.index_cast %add3A_55 : i32 to index
    %swap3A_57 = tpu.vector_load %arg9[%swap3A_56] {strides = array<i32>} : memref<2256xi32, #tpu.memory_space<vmem>>, vector<16xi32>,
    tpu.vector_store %arg9[%swap3A_56], %add3A_53 {strides = array<i32>} : memref<2256xi32, #tpu.memory_space<vmem>>, vector<16xi32>,
    %add3A_58 = arith.constant 16 : i32
    %add3A_59 = vector.broadcast %add3A_58 : i32 to vector<16xi32>
    %add3A_60 = arith.addi %add3A_59, %iota3A : vector<16xi32>
    %add3A_61 = arith.constant 16 : i32
    %add3A_62 = arith.addi %scan3A_36, %add3A_61 : i32
    %swap3A_63 = arith.index_cast %add3A_62 : i32 to index
    %swap3A_64 = tpu.vector_load %arg10[%swap3A_63] {strides = array<i32>} : memref<2256xi32, #tpu.memory_space<vmem>>, vector<16xi32>,
    tpu.vector_store %arg10[%swap3A_63], %add3A_60 {strides = array<i32>} : memref<2256xi32, #tpu.memory_space<vmem>>, vector<16xi32>,
    %add3A_65 = arith.constant 200224 : i32
    %add3A_66 = vector.broadcast %add3A_65 : i32 to vector<16xi32>
    %add3A_67 = arith.addi %add3A_66, %iota3A : vector<16xi32>
    %add3A_68 = arith.constant 32 : i32
    %add3A_69 = arith.addi %scan3A_36, %add3A_68 : i32
    %swap3A_70 = arith.index_cast %add3A_69 : i32 to index
    %swap3A_71 = tpu.vector_load %arg9[%swap3A_70] {strides = array<i32>} : memref<2256xi32, #tpu.memory_space<vmem>>, vector<16xi32>,
    tpu.vector_store %arg9[%swap3A_70], %add3A_67 {strides = array<i32>} : memref<2256xi32, #tpu.memory_space<vmem>>, vector<16xi32>,
    %add3A_72 = arith.constant 32 : i32
    %add3A_73 = vector.broadcast %add3A_72 : i32 to vector<16xi32>
    %add3A_74 = arith.addi %add3A_73, %iota3A : vector<16xi32>
    %add3A_75 = arith.constant 32 : i32
    %add3A_76 = arith.addi %scan3A_36, %add3A_75 : i32
    %swap3A_77 = arith.index_cast %add3A_76 : i32 to index
    %swap3A_78 = tpu.vector_load %arg10[%swap3A_77] {strides = array<i32>} : memref<2256xi32, #tpu.memory_space<vmem>>, vector<16xi32>,
    tpu.vector_store %arg10[%swap3A_77], %add3A_74 {strides = array<i32>} : memref<2256xi32, #tpu.memory_space<vmem>>, vector<16xi32>,
    %add3A_79 = arith.constant 200240 : i32
    %add3A_80 = vector.broadcast %add3A_79 : i32 to vector<16xi32>
    %add3A_81 = arith.addi %add3A_80, %iota3A : vector<16xi32>
    %add3A_82 = arith.constant 48 : i32
    %add3A_83 = arith.addi %scan3A_36, %add3A_82 : i32
    %swap3A_84 = arith.index_cast %add3A_83 : i32 to index
    %swap3A_85 = tpu.vector_load %arg9[%swap3A_84] {strides = array<i32>} : memref<2256xi32, #tpu.memory_space<vmem>>, vector<16xi32>,
    tpu.vector_store %arg9[%swap3A_84], %add3A_81 {strides = array<i32>} : memref<2256xi32, #tpu.memory_space<vmem>>, vector<16xi32>,
    %add3A_86 = arith.constant 48 : i32
    %add3A_87 = vector.broadcast %add3A_86 : i32 to vector<16xi32>
    %add3A_88 = arith.addi %add3A_87, %iota3A : vector<16xi32>
    %add3A_89 = arith.constant 48 : i32
    %add3A_90 = arith.addi %scan3A_36, %add3A_89 : i32
    %swap3A_91 = arith.index_cast %add3A_90 : i32 to index
    %swap3A_92 = tpu.vector_load %arg10[%swap3A_91] {strides = array<i32>} : memref<2256xi32, #tpu.memory_space<vmem>>, vector<16xi32>,
    tpu.vector_store %arg10[%swap3A_91], %add3A_88 {strides = array<i32>} : memref<2256xi32, #tpu.memory_space<vmem>>, vector<16xi32>,
    %add3A_93 = arith.constant 200256 : i32
    %add3A_94 = vector.broadcast %add3A_93 : i32 to vector<16xi32>
    %add3A_95 = arith.addi %add3A_94, %iota3A : vector<16xi32>
    %add3A_96 = arith.constant 64 : i32
    %add3A_97 = arith.addi %scan3A_36, %add3A_96 : i32
    %swap3A_98 = arith.index_cast %add3A_97 : i32 to index
    %swap3A_99 = tpu.vector_load %arg9[%swap3A_98] {strides = array<i32>} : memref<2256xi32, #tpu.memory_space<vmem>>, vector<16xi32>,
    tpu.vector_store %arg9[%swap3A_98], %add3A_95 {strides = array<i32>} : memref<2256xi32, #tpu.memory_space<vmem>>, vector<16xi32>,
    %add3A_100 = arith.constant 64 : i32
    %add3A_101 = vector.broadcast %add3A_100 : i32 to vector<16xi32>
    %add3A_102 = arith.addi %add3A_101, %iota3A : vector<16xi32>
    %add3A_103 = arith.constant 64 : i32
    %add3A_104 = arith.addi %scan3A_36, %add3A_103 : i32
    %swap3A_105 = arith.index_cast %add3A_104 : i32 to index
    %swap3A_106 = tpu.vector_load %arg10[%swap3A_105] {strides = array<i32>} : memref<2256xi32, #tpu.memory_space<vmem>>, vector<16xi32>,
    tpu.vector_store %arg10[%swap3A_105], %add3A_102 {strides = array<i32>} : memref<2256xi32, #tpu.memory_space<vmem>>, vector<16xi32>,
    %add3A_107 = arith.constant 200272 : i32
    %add3A_108 = vector.broadcast %add3A_107 : i32 to vector<16xi32>
    %add3A_109 = arith.addi %add3A_108, %iota3A : vector<16xi32>
    %add3A_110 = arith.constant 80 : i32
    %add3A_111 = arith.addi %scan3A_36, %add3A_110 : i32
    %swap3A_112 = arith.index_cast %add3A_111 : i32 to index
    %swap3A_113 = tpu.vector_load %arg9[%swap3A_112] {strides = array<i32>} : memref<2256xi32, #tpu.memory_space<vmem>>, vector<16xi32>,
    tpu.vector_store %arg9[%swap3A_112], %add3A_109 {strides = array<i32>} : memref<2256xi32, #tpu.memory_space<vmem>>, vector<16xi32>,
    %add3A_114 = arith.constant 80 : i32
    %add3A_115 = vector.broadcast %add3A_114 : i32 to vector<16xi32>
    %add3A_116 = arith.addi %add3A_115, %iota3A : vector<16xi32>
    %add3A_117 = arith.constant 80 : i32
    %add3A_118 = arith.addi %scan3A_36, %add3A_117 : i32
    %swap3A_119 = arith.index_cast %add3A_118 : i32 to index
    %swap3A_120 = tpu.vector_load %arg10[%swap3A_119] {strides = array<i32>} : memref<2256xi32, #tpu.memory_space<vmem>>, vector<16xi32>,
    tpu.vector_store %arg10[%swap3A_119], %add3A_116 {strides = array<i32>} : memref<2256xi32, #tpu.memory_space<vmem>>, vector<16xi32>,
    %add3A_121 = arith.constant 200288 : i32
    %add3A_122 = vector.broadcast %add3A_121 : i32 to vector<16xi32>
    %add3A_123 = arith.addi %add3A_122, %iota3A : vector<16xi32>
    %add3A_124 = arith.constant 96 : i32
    %add3A_125 = arith.addi %scan3A_36, %add3A_124 : i32
    %swap3A_126 = arith.index_cast %add3A_125 : i32 to index
    %swap3A_127 = tpu.vector_load %arg9[%swap3A_126] {strides = array<i32>} : memref<2256xi32, #tpu.memory_space<vmem>>, vector<16xi32>,
    tpu.vector_store %arg9[%swap3A_126], %add3A_123 {strides = array<i32>} : memref<2256xi32, #tpu.memory_space<vmem>>, vector<16xi32>,
    %add3A_128 = arith.constant 96 : i32
    %add3A_129 = vector.broadcast %add3A_128 : i32 to vector<16xi32>
    %add3A_130 = arith.addi %add3A_129, %iota3A : vector<16xi32>
    %add3A_131 = arith.constant 96 : i32
    %add3A_132 = arith.addi %scan3A_36, %add3A_131 : i32
    %swap3A_133 = arith.index_cast %add3A_132 : i32 to index
    %swap3A_134 = tpu.vector_load %arg10[%swap3A_133] {strides = array<i32>} : memref<2256xi32, #tpu.memory_space<vmem>>, vector<16xi32>,
    tpu.vector_store %arg10[%swap3A_133], %add3A_130 {strides = array<i32>} : memref<2256xi32, #tpu.memory_space<vmem>>, vector<16xi32>,
    %add3A_135 = arith.constant 200304 : i32
    %add3A_136 = vector.broadcast %add3A_135 : i32 to vector<16xi32>
    %add3A_137 = arith.addi %add3A_136, %iota3A : vector<16xi32>
    %add3A_138 = arith.constant 112 : i32
    %add3A_139 = arith.addi %scan3A_36, %add3A_138 : i32
    %swap3A_140 = arith.index_cast %add3A_139 : i32 to index
    %swap3A_141 = tpu.vector_load %arg9[%swap3A_140] {strides = array<i32>} : memref<2256xi32, #tpu.memory_space<vmem>>, vector<16xi32>,
    tpu.vector_store %arg9[%swap3A_140], %add3A_137 {strides = array<i32>} : memref<2256xi32, #tpu.memory_space<vmem>>, vector<16xi32>,
    %add3A_142 = arith.constant 112 : i32
    %add3A_143 = vector.broadcast %add3A_142 : i32 to vector<16xi32>
    %add3A_144 = arith.addi %add3A_143, %iota3A : vector<16xi32>
    %add3A_145 = arith.constant 112 : i32
    %add3A_146 = arith.addi %scan3A_36, %add3A_145 : i32
    %swap3A_147 = arith.index_cast %add3A_146 : i32 to index
    %swap3A_148 = tpu.vector_load %arg10[%swap3A_147] {strides = array<i32>} : memref<2256xi32, #tpu.memory_space<vmem>>, vector<16xi32>,
    tpu.vector_store %arg10[%swap3A_147], %add3A_144 {strides = array<i32>} : memref<2256xi32, #tpu.memory_space<vmem>>, vector<16xi32>,
    %add3A_149 = arith.constant 127 : i32
    %add3A_150 = arith.addi %scan3A_36, %add3A_149 : i32
    %jit3A = arith.constant 128 : i32
    %div3A = arith.divsi %add3A_150, %jit3A : i32
    %sign3A = arith.constant 0 : i32
    %sign3A_151 = arith.cmpi sgt, %add3A_150, %sign3A : i32
    %sign3A_152 = arith.extui %sign3A_151 : i1 to i32
    %sign3A_153 = arith.constant 0 : i32
    %sign3A_154 = arith.cmpi slt, %add3A_150, %sign3A_153 : i32
    %sign3A_155 = arith.extui %sign3A_154 : i1 to i32
    %sign3A_156 = arith.subi %sign3A_152, %sign3A_155 : i32
    %sign3A_157 = arith.constant 0 : i32
    %sign3A_158 = arith.cmpi sgt, %jit3A, %sign3A_157 : i32
    %sign3A_159 = arith.extui %sign3A_158 : i1 to i32
    %sign3A_160 = arith.constant 0 : i32
    %sign3A_161 = arith.cmpi slt, %jit3A, %sign3A_160 : i32
    %sign3A_162 = arith.extui %sign3A_161 : i1 to i32
    %sign3A_163 = arith.subi %sign3A_159, %sign3A_162 : i32
    %ne3A = arith.cmpi ne, %sign3A_156, %sign3A_163 : i32
    %rem3A = arith.remsi %add3A_150, %jit3A : i32
    %ne3A_164 = arith.constant 0 : i32
    %ne3A_165 = arith.cmpi ne, %rem3A, %ne3A_164 : i32
    %and3A = arith.andi %ne3A, %ne3A_165 : i1
    %sub3A = arith.constant 1 : i32
    %sub3A_166 = arith.subi %div3A, %sub3A : i32
    %select_n3A = arith.select %and3A, %sub3A_166, %div3A : i32
    %while3A = arith.constant 0 : i32
    %while3A_167 = arith.constant 0 : i32
    %while3A_168 = arith.subi %select_n3A, %while3A_167 : i32
    %while3A_169 = arith.addi %while3A_167, %while3A_168 : i32
    %while3A_170 = arith.constant 1 : i32
    %while3A_171 = arith.divsi %while3A_168, %while3A_170 : i32
    %while3A_172 = arith.muli %while3A_171, %while3A_170 : i32
    %while3A_173 = arith.addi %while3A_167, %while3A_172 : i32
    %while3A_174 = arith.constant 1 : i32
    scf.for %while3A_184 = %while3A_167 to %while3A_173 step %while3A_174  : i32 {
      %mul3A_185 = arith.constant 128 : i32
      %mul3A_186 = arith.muli %while3A_184, %mul3A_185 : i32
      %dma_start3A_187 = tpu.memref_slice %arg10[%mul3A_186] : memref<2256xi32, #tpu.memory_space<vmem>> -> memref<128xi32, #tpu.memory_space<vmem>>
      %dma_start3A_188 = arith.constant 0 : i32
      %dma_start3A_189 = arith.constant 0 : i32
      %dma_start3A_190 = tpu.memref_slice %arg2[%dma_start3A_188, %dma_start3A_189] : memref<100000x8xf32, #tpu.memory_space<hbm>> -> memref<100000x8xf32, #tpu.memory_space<hbm>>
      tpu.enqueue_indirect_dma source(%dma_start3A_190 : memref<100000x8xf32, #tpu.memory_space<hbm>>) target(%arg12 : memref<128x8xf32, #tpu.memory_space<vmem>>) offsets(%dma_start3A_187 : memref<128xi32, #tpu.memory_space<vmem>>) semaphore(%arg14 : memref<!tpu.dma_semaphore, #tpu.memory_space<semaphore_mem>>)
      %mul3A_191 = arith.constant 128 : i32
      %mul3A_192 = arith.muli %while3A_184, %mul3A_191 : i32
      %add3A_193 = arith.constant 0 : i32
      %add3A_194 = arith.addi %mul3A_192, %add3A_193 : i32
      %get3A = arith.index_cast %add3A_194 : i32 to index
      %get3A_195 = tpu.vector_load %arg9[%get3A] {strides = array<i32>} : memref<2256xi32, #tpu.memory_space<vmem>>, vector<16xi32>,
      %swap3A_196 = arith.index_cast %while3A_184 : i32 to index
      %swap3A_197 = arith.constant 0 : index
      %swap3A_198 = tpu.vector_load %arg11[%swap3A_196, %swap3A_197] {strides = array<i32>} : memref<16x128xi32, #tpu.memory_space<vmem>>, vector<16xi32>,
      tpu.vector_store %arg11[%swap3A_196, %swap3A_197], %get3A_195 {strides = array<i32>} : memref<16x128xi32, #tpu.memory_space<vmem>>, vector<16xi32>,
      %mul3A_199 = arith.constant 128 : i32
      %mul3A_200 = arith.muli %while3A_184, %mul3A_199 : i32
      %add3A_201 = arith.constant 16 : i32
      %add3A_202 = arith.addi %mul3A_200, %add3A_201 : i32
      %get3A_203 = arith.index_cast %add3A_202 : i32 to index
      %get3A_204 = tpu.vector_load %arg9[%get3A_203] {strides = array<i32>} : memref<2256xi32, #tpu.memory_space<vmem>>, vector<16xi32>,
      %swap3A_205 = arith.index_cast %while3A_184 : i32 to index
      %swap3A_206 = arith.constant 16 : index
      %swap3A_207 = tpu.vector_load %arg11[%swap3A_205, %swap3A_206] {strides = array<i32>} : memref<16x128xi32, #tpu.memory_space<vmem>>, vector<16xi32>,
      tpu.vector_store %arg11[%swap3A_205, %swap3A_206], %get3A_204 {strides = array<i32>} : memref<16x128xi32, #tpu.memory_space<vmem>>, vector<16xi32>,
      %mul3A_208 = arith.constant 128 : i32
      %mul3A_209 = arith.muli %while3A_184, %mul3A_208 : i32
      %add3A_210 = arith.constant 32 : i32
      %add3A_211 = arith.addi %mul3A_209, %add3A_210 : i32
      %get3A_212 = arith.index_cast %add3A_211 : i32 to index
      %get3A_213 = tpu.vector_load %arg9[%get3A_212] {strides = array<i32>} : memref<2256xi32, #tpu.memory_space<vmem>>, vector<16xi32>,
      %swap3A_214 = arith.index_cast %while3A_184 : i32 to index
      %swap3A_215 = arith.constant 32 : index
      %swap3A_216 = tpu.vector_load %arg11[%swap3A_214, %swap3A_215] {strides = array<i32>} : memref<16x128xi32, #tpu.memory_space<vmem>>, vector<16xi32>,
      tpu.vector_store %arg11[%swap3A_214, %swap3A_215], %get3A_213 {strides = array<i32>} : memref<16x128xi32, #tpu.memory_space<vmem>>, vector<16xi32>,
      %mul3A_217 = arith.constant 128 : i32
      %mul3A_218 = arith.muli %while3A_184, %mul3A_217 : i32
      %add3A_219 = arith.constant 48 : i32
      %add3A_220 = arith.addi %mul3A_218, %add3A_219 : i32
      %get3A_221 = arith.index_cast %add3A_220 : i32 to index
      %get3A_222 = tpu.vector_load %arg9[%get3A_221] {strides = array<i32>} : memref<2256xi32, #tpu.memory_space<vmem>>, vector<16xi32>,
      %swap3A_223 = arith.index_cast %while3A_184 : i32 to index
      %swap3A_224 = arith.constant 48 : index
      %swap3A_225 = tpu.vector_load %arg11[%swap3A_223, %swap3A_224] {strides = array<i32>} : memref<16x128xi32, #tpu.memory_space<vmem>>, vector<16xi32>,
      tpu.vector_store %arg11[%swap3A_223, %swap3A_224], %get3A_222 {strides = array<i32>} : memref<16x128xi32, #tpu.memory_space<vmem>>, vector<16xi32>,
      %mul3A_226 = arith.constant 128 : i32
      %mul3A_227 = arith.muli %while3A_184, %mul3A_226 : i32
      %add3A_228 = arith.constant 64 : i32
      %add3A_229 = arith.addi %mul3A_227, %add3A_228 : i32
      %get3A_230 = arith.index_cast %add3A_229 : i32 to index
      %get3A_231 = tpu.vector_load %arg9[%get3A_230] {strides = array<i32>} : memref<2256xi32, #tpu.memory_space<vmem>>, vector<16xi32>,
      %swap3A_232 = arith.index_cast %while3A_184 : i32 to index
      %swap3A_233 = arith.constant 64 : index
      %swap3A_234 = tpu.vector_load %arg11[%swap3A_232, %swap3A_233] {strides = array<i32>} : memref<16x128xi32, #tpu.memory_space<vmem>>, vector<16xi32>,
      tpu.vector_store %arg11[%swap3A_232, %swap3A_233], %get3A_231 {strides = array<i32>} : memref<16x128xi32, #tpu.memory_space<vmem>>, vector<16xi32>,
      %mul3A_235 = arith.constant 128 : i32
      %mul3A_236 = arith.muli %while3A_184, %mul3A_235 : i32
      %add3A_237 = arith.constant 80 : i32
      %add3A_238 = arith.addi %mul3A_236, %add3A_237 : i32
      %get3A_239 = arith.index_cast %add3A_238 : i32 to index
      %get3A_240 = tpu.vector_load %arg9[%get3A_239] {strides = array<i32>} : memref<2256xi32, #tpu.memory_space<vmem>>, vector<16xi32>,
      %swap3A_241 = arith.index_cast %while3A_184 : i32 to index
      %swap3A_242 = arith.constant 80 : index
      %swap3A_243 = tpu.vector_load %arg11[%swap3A_241, %swap3A_242] {strides = array<i32>} : memref<16x128xi32, #tpu.memory_space<vmem>>, vector<16xi32>,
      tpu.vector_store %arg11[%swap3A_241, %swap3A_242], %get3A_240 {strides = array<i32>} : memref<16x128xi32, #tpu.memory_space<vmem>>, vector<16xi32>,
      %mul3A_244 = arith.constant 128 : i32
      %mul3A_245 = arith.muli %while3A_184, %mul3A_244 : i32
      %add3A_246 = arith.constant 96 : i32
      %add3A_247 = arith.addi %mul3A_245, %add3A_246 : i32
      %get3A_248 = arith.index_cast %add3A_247 : i32 to index
      %get3A_249 = tpu.vector_load %arg9[%get3A_248] {strides = array<i32>} : memref<2256xi32, #tpu.memory_space<vmem>>, vector<16xi32>,
      %swap3A_250 = arith.index_cast %while3A_184 : i32 to index
      %swap3A_251 = arith.constant 96 : index
      %swap3A_252 = tpu.vector_load %arg11[%swap3A_250, %swap3A_251] {strides = array<i32>} : memref<16x128xi32, #tpu.memory_space<vmem>>, vector<16xi32>,
      tpu.vector_store %arg11[%swap3A_250, %swap3A_251], %get3A_249 {strides = array<i32>} : memref<16x128xi32, #tpu.memory_space<vmem>>, vector<16xi32>,
      %mul3A_253 = arith.constant 128 : i32
      %mul3A_254 = arith.muli %while3A_184, %mul3A_253 : i32
      %add3A_255 = arith.constant 112 : i32
      %add3A_256 = arith.addi %mul3A_254, %add3A_255 : i32
      %get3A_257 = arith.index_cast %add3A_256 : i32 to index
      %get3A_258 = tpu.vector_load %arg9[%get3A_257] {strides = array<i32>} : memref<2256xi32, #tpu.memory_space<vmem>>, vector<16xi32>,
      %swap3A_259 = arith.index_cast %while3A_184 : i32 to index
      %swap3A_260 = arith.constant 112 : index
      %swap3A_261 = tpu.vector_load %arg11[%swap3A_259, %swap3A_260] {strides = array<i32>} : memref<16x128xi32, #tpu.memory_space<vmem>>, vector<16xi32>,
      tpu.vector_store %arg11[%swap3A_259, %swap3A_260], %get3A_258 {strides = array<i32>} : memref<16x128xi32, #tpu.memory_space<vmem>>, vector<16xi32>,
      %dma_wait3A = tpu.memref_slice %arg10[%mul3A_186] : memref<2256xi32, #tpu.memory_space<vmem>> -> memref<128xi32, #tpu.memory_space<vmem>>
      %dma_wait3A_262 = arith.constant 0 : i32
      %dma_wait3A_263 = arith.constant 0 : i32
      %dma_wait3A_264 = tpu.memref_slice %arg2[%dma_wait3A_262, %dma_wait3A_263] : memref<100000x8xf32, #tpu.memory_space<hbm>> -> memref<100000x8xf32, #tpu.memory_space<hbm>>
      tpu.wait_indirect_dma semaphore(%arg14 : memref<!tpu.dma_semaphore, #tpu.memory_space<semaphore_mem>>) src(%dma_wait3A_264 : memref<100000x8xf32, #tpu.memory_space<hbm>>) dst(%arg12 : memref<128x8xf32, #tpu.memory_space<vmem>>)
      "tpu.region"() ({
        %run_scoped3A = tpu.sem_alloc : memref<!tpu.dma_semaphore, #tpu.memory_space<semaphore_mem>>
        %dma_start3A_265 = arith.constant 0 : i32
        %dma_start3A_266 = tpu.memref_slice %arg11[%while3A_184, %dma_start3A_265] : memref<16x128xi32, #tpu.memory_space<vmem>> -> memref<1x128xi32, #tpu.memory_space<vmem>>
        %dma_start3A_267 = tpu.memref_squeeze %dma_start3A_266 : memref<1x128xi32, #tpu.memory_space<vmem>> -> memref<128xi32, #tpu.memory_space<vmem>>
        %dma_start3A_268 = arith.constant 0 : i32
        %dma_start3A_269 = arith.constant 0 : i32
        %dma_start3A_270 = tpu.memref_slice %arg13[%dma_start3A_268, %dma_start3A_269] : memref<200704x8xf32, #tpu.memory_space<vmem_shared>> -> memref<200704x8xf32, #tpu.memory_space<vmem_shared>>
        tpu.enqueue_indirect_dma source(%arg12 : memref<128x8xf32, #tpu.memory_space<vmem>>) target(%dma_start3A_270 : memref<200704x8xf32, #tpu.memory_space<vmem_shared>>) offsets(%dma_start3A_267 : memref<128xi32, #tpu.memory_space<vmem>>) semaphore(%run_scoped3A : memref<!tpu.dma_semaphore, #tpu.memory_space<semaphore_mem>>) {add = true}
        %dma_wait3A_271 = arith.constant 0 : i32
        %dma_wait3A_272 = tpu.memref_slice %arg11[%while3A_184, %dma_wait3A_271] : memref<16x128xi32, #tpu.memory_space<vmem>> -> memref<1x128xi32, #tpu.memory_space<vmem>>
        %dma_wait3A_273 = tpu.memref_squeeze %dma_wait3A_272 : memref<1x128xi32, #tpu.memory_space<vmem>> -> memref<128xi32, #tpu.memory_space<vmem>>
        %dma_wait3A_274 = arith.constant 0 : i32
        %dma_wait3A_275 = arith.constant 0 : i32
        %dma_wait3A_276 = tpu.memref_slice %arg13[%dma_wait3A_274, %dma_wait3A_275] : memref<200704x8xf32, #tpu.memory_space<vmem_shared>> -> memref<200704x8xf32, #tpu.memory_space<vmem_shared>>
        tpu.wait_indirect_dma semaphore(%run_scoped3A : memref<!tpu.dma_semaphore, #tpu.memory_space<semaphore_mem>>) src(%arg12 : memref<128x8xf32, #tpu.memory_space<vmem>>) dst(%dma_wait3A_276 : memref<200704x8xf32, #tpu.memory_space<vmem_shared>>)
        tpu.yield
      }) : () -> ()
    }
    %while3A_175 = arith.constant 1 : i32
    scf.for %while3A_184 = %while3A_173 to %while3A_169 step %while3A_175  : i32 {
      %mul3A_185 = arith.constant 128 : i32
      %mul3A_186 = arith.muli %while3A_184, %mul3A_185 : i32
      %dma_start3A_187 = tpu.memref_slice %arg10[%mul3A_186] : memref<2256xi32, #tpu.memory_space<vmem>> -> memref<128xi32, #tpu.memory_space<vmem>>
      %dma_start3A_188 = arith.constant 0 : i32
      %dma_start3A_189 = arith.constant 0 : i32
      %dma_start3A_190 = tpu.memref_slice %arg2[%dma_start3A_188, %dma_start3A_189] : memref<100000x8xf32, #tpu.memory_space<hbm>> -> memref<100000x8xf32, #tpu.memory_space<hbm>>
      tpu.enqueue_indirect_dma source(%dma_start3A_190 : memref<100000x8xf32, #tpu.memory_space<hbm>>) target(%arg12 : memref<128x8xf32, #tpu.memory_space<vmem>>) offsets(%dma_start3A_187 : memref<128xi32, #tpu.memory_space<vmem>>) semaphore(%arg14 : memref<!tpu.dma_semaphore, #tpu.memory_space<semaphore_mem>>)
      %mul3A_191 = arith.constant 128 : i32
      %mul3A_192 = arith.muli %while3A_184, %mul3A_191 : i32
      %add3A_193 = arith.constant 0 : i32
      %add3A_194 = arith.addi %mul3A_192, %add3A_193 : i32
      %get3A = arith.index_cast %add3A_194 : i32 to index
      %get3A_195 = tpu.vector_load %arg9[%get3A] {strides = array<i32>} : memref<2256xi32, #tpu.memory_space<vmem>>, vector<16xi32>,
      %swap3A_196 = arith.index_cast %while3A_184 : i32 to index
      %swap3A_197 = arith.constant 0 : index
      %swap3A_198 = tpu.vector_load %arg11[%swap3A_196, %swap3A_197] {strides = array<i32>} : memref<16x128xi32, #tpu.memory_space<vmem>>, vector<16xi32>,
      tpu.vector_store %arg11[%swap3A_196, %swap3A_197], %get3A_195 {strides = array<i32>} : memref<16x128xi32, #tpu.memory_space<vmem>>, vector<16xi32>,
      %mul3A_199 = arith.constant 128 : i32
      %mul3A_200 = arith.muli %while3A_184, %mul3A_199 : i32
      %add3A_201 = arith.constant 16 : i32
      %add3A_202 = arith.addi %mul3A_200, %add3A_201 : i32
      %get3A_203 = arith.index_cast %add3A_202 : i32 to index
      %get3A_204 = tpu.vector_load %arg9[%get3A_203] {strides = array<i32>} : memref<2256xi32, #tpu.memory_space<vmem>>, vector<16xi32>,
      %swap3A_205 = arith.index_cast %while3A_184 : i32 to index
      %swap3A_206 = arith.constant 16 : index
      %swap3A_207 = tpu.vector_load %arg11[%swap3A_205, %swap3A_206] {strides = array<i32>} : memref<16x128xi32, #tpu.memory_space<vmem>>, vector<16xi32>,
      tpu.vector_store %arg11[%swap3A_205, %swap3A_206], %get3A_204 {strides = array<i32>} : memref<16x128xi32, #tpu.memory_space<vmem>>, vector<16xi32>,
      %mul3A_208 = arith.constant 128 : i32
      %mul3A_209 = arith.muli %while3A_184, %mul3A_208 : i32
      %add3A_210 = arith.constant 32 : i32
      %add3A_211 = arith.addi %mul3A_209, %add3A_210 : i32
      %get3A_212 = arith.index_cast %add3A_211 : i32 to index
      %get3A_213 = tpu.vector_load %arg9[%get3A_212] {strides = array<i32>} : memref<2256xi32, #tpu.memory_space<vmem>>, vector<16xi32>,
      %swap3A_214 = arith.index_cast %while3A_184 : i32 to index
      %swap3A_215 = arith.constant 32 : index
      %swap3A_216 = tpu.vector_load %arg11[%swap3A_214, %swap3A_215] {strides = array<i32>} : memref<16x128xi32, #tpu.memory_space<vmem>>, vector<16xi32>,
      tpu.vector_store %arg11[%swap3A_214, %swap3A_215], %get3A_213 {strides = array<i32>} : memref<16x128xi32, #tpu.memory_space<vmem>>, vector<16xi32>,
      %mul3A_217 = arith.constant 128 : i32
      %mul3A_218 = arith.muli %while3A_184, %mul3A_217 : i32
      %add3A_219 = arith.constant 48 : i32
      %add3A_220 = arith.addi %mul3A_218, %add3A_219 : i32
      %get3A_221 = arith.index_cast %add3A_220 : i32 to index
      %get3A_222 = tpu.vector_load %arg9[%get3A_221] {strides = array<i32>} : memref<2256xi32, #tpu.memory_space<vmem>>, vector<16xi32>,
      %swap3A_223 = arith.index_cast %while3A_184 : i32 to index
      %swap3A_224 = arith.constant 48 : index
      %swap3A_225 = tpu.vector_load %arg11[%swap3A_223, %swap3A_224] {strides = array<i32>} : memref<16x128xi32, #tpu.memory_space<vmem>>, vector<16xi32>,
      tpu.vector_store %arg11[%swap3A_223, %swap3A_224], %get3A_222 {strides = array<i32>} : memref<16x128xi32, #tpu.memory_space<vmem>>, vector<16xi32>,
      %mul3A_226 = arith.constant 128 : i32
      %mul3A_227 = arith.muli %while3A_184, %mul3A_226 : i32
      %add3A_228 = arith.constant 64 : i32
      %add3A_229 = arith.addi %mul3A_227, %add3A_228 : i32
      %get3A_230 = arith.index_cast %add3A_229 : i32 to index
      %get3A_231 = tpu.vector_load %arg9[%get3A_230] {strides = array<i32>} : memref<2256xi32, #tpu.memory_space<vmem>>, vector<16xi32>,
      %swap3A_232 = arith.index_cast %while3A_184 : i32 to index
      %swap3A_233 = arith.constant 64 : index
      %swap3A_234 = tpu.vector_load %arg11[%swap3A_232, %swap3A_233] {strides = array<i32>} : memref<16x128xi32, #tpu.memory_space<vmem>>, vector<16xi32>,
      tpu.vector_store %arg11[%swap3A_232, %swap3A_233], %get3A_231 {strides = array<i32>} : memref<16x128xi32, #tpu.memory_space<vmem>>, vector<16xi32>,
      %mul3A_235 = arith.constant 128 : i32
      %mul3A_236 = arith.muli %while3A_184, %mul3A_235 : i32
      %add3A_237 = arith.constant 80 : i32
      %add3A_238 = arith.addi %mul3A_236, %add3A_237 : i32
      %get3A_239 = arith.index_cast %add3A_238 : i32 to index
      %get3A_240 = tpu.vector_load %arg9[%get3A_239] {strides = array<i32>} : memref<2256xi32, #tpu.memory_space<vmem>>, vector<16xi32>,
      %swap3A_241 = arith.index_cast %while3A_184 : i32 to index
      %swap3A_242 = arith.constant 80 : index
      %swap3A_243 = tpu.vector_load %arg11[%swap3A_241, %swap3A_242] {strides = array<i32>} : memref<16x128xi32, #tpu.memory_space<vmem>>, vector<16xi32>,
      tpu.vector_store %arg11[%swap3A_241, %swap3A_242], %get3A_240 {strides = array<i32>} : memref<16x128xi32, #tpu.memory_space<vmem>>, vector<16xi32>,
      %mul3A_244 = arith.constant 128 : i32
      %mul3A_245 = arith.muli %while3A_184, %mul3A_244 : i32
      %add3A_246 = arith.constant 96 : i32
      %add3A_247 = arith.addi %mul3A_245, %add3A_246 : i32
      %get3A_248 = arith.index_cast %add3A_247 : i32 to index
      %get3A_249 = tpu.vector_load %arg9[%get3A_248] {strides = array<i32>} : memref<2256xi32, #tpu.memory_space<vmem>>, vector<16xi32>,
      %swap3A_250 = arith.index_cast %while3A_184 : i32 to index
      %swap3A_251 = arith.constant 96 : index
      %swap3A_252 = tpu.vector_load %arg11[%swap3A_250, %swap3A_251] {strides = array<i32>} : memref<16x128xi32, #tpu.memory_space<vmem>>, vector<16xi32>,
      tpu.vector_store %arg11[%swap3A_250, %swap3A_251], %get3A_249 {strides = array<i32>} : memref<16x128xi32, #tpu.memory_space<vmem>>, vector<16xi32>,
      %mul3A_253 = arith.constant 128 : i32
      %mul3A_254 = arith.muli %while3A_184, %mul3A_253 : i32
      %add3A_255 = arith.constant 112 : i32
      %add3A_256 = arith.addi %mul3A_254, %add3A_255 : i32
      %get3A_257 = arith.index_cast %add3A_256 : i32 to index
      %get3A_258 = tpu.vector_load %arg9[%get3A_257] {strides = array<i32>} : memref<2256xi32, #tpu.memory_space<vmem>>, vector<16xi32>,
      %swap3A_259 = arith.index_cast %while3A_184 : i32 to index
      %swap3A_260 = arith.constant 112 : index
      %swap3A_261 = tpu.vector_load %arg11[%swap3A_259, %swap3A_260] {strides = array<i32>} : memref<16x128xi32, #tpu.memory_space<vmem>>, vector<16xi32>,
      tpu.vector_store %arg11[%swap3A_259, %swap3A_260], %get3A_258 {strides = array<i32>} : memref<16x128xi32, #tpu.memory_space<vmem>>, vector<16xi32>,
      %dma_wait3A = tpu.memref_slice %arg10[%mul3A_186] : memref<2256xi32, #tpu.memory_space<vmem>> -> memref<128xi32, #tpu.memory_space<vmem>>
      %dma_wait3A_262 = arith.constant 0 : i32
      %dma_wait3A_263 = arith.constant 0 : i32
      %dma_wait3A_264 = tpu.memref_slice %arg2[%dma_wait3A_262, %dma_wait3A_263] : memref<100000x8xf32, #tpu.memory_space<hbm>> -> memref<100000x8xf32, #tpu.memory_space<hbm>>
      tpu.wait_indirect_dma semaphore(%arg14 : memref<!tpu.dma_semaphore, #tpu.memory_space<semaphore_mem>>) src(%dma_wait3A_264 : memref<100000x8xf32, #tpu.memory_space<hbm>>) dst(%arg12 : memref<128x8xf32, #tpu.memory_space<vmem>>)
      "tpu.region"() ({
        %run_scoped3A = tpu.sem_alloc : memref<!tpu.dma_semaphore, #tpu.memory_space<semaphore_mem>>
        %dma_start3A_265 = arith.constant 0 : i32
        %dma_start3A_266 = tpu.memref_slice %arg11[%while3A_184, %dma_start3A_265] : memref<16x128xi32, #tpu.memory_space<vmem>> -> memref<1x128xi32, #tpu.memory_space<vmem>>
        %dma_start3A_267 = tpu.memref_squeeze %dma_start3A_266 : memref<1x128xi32, #tpu.memory_space<vmem>> -> memref<128xi32, #tpu.memory_space<vmem>>
        %dma_start3A_268 = arith.constant 0 : i32
        %dma_start3A_269 = arith.constant 0 : i32
        %dma_start3A_270 = tpu.memref_slice %arg13[%dma_start3A_268, %dma_start3A_269] : memref<200704x8xf32, #tpu.memory_space<vmem_shared>> -> memref<200704x8xf32, #tpu.memory_space<vmem_shared>>
        tpu.enqueue_indirect_dma source(%arg12 : memref<128x8xf32, #tpu.memory_space<vmem>>) target(%dma_start3A_270 : memref<200704x8xf32, #tpu.memory_space<vmem_shared>>) offsets(%dma_start3A_267 : memref<128xi32, #tpu.memory_space<vmem>>) semaphore(%run_scoped3A : memref<!tpu.dma_semaphore, #tpu.memory_space<semaphore_mem>>) {add = true}
        %dma_wait3A_271 = arith.constant 0 : i32
        %dma_wait3A_272 = tpu.memref_slice %arg11[%while3A_184, %dma_wait3A_271] : memref<16x128xi32, #tpu.memory_space<vmem>> -> memref<1x128xi32, #tpu.memory_space<vmem>>
        %dma_wait3A_273 = tpu.memref_squeeze %dma_wait3A_272 : memref<1x128xi32, #tpu.memory_space<vmem>> -> memref<128xi32, #tpu.memory_space<vmem>>
        %dma_wait3A_274 = arith.constant 0 : i32
        %dma_wait3A_275 = arith.constant 0 : i32
        %dma_wait3A_276 = tpu.memref_slice %arg13[%dma_wait3A_274, %dma_wait3A_275] : memref<200704x8xf32, #tpu.memory_space<vmem_shared>> -> memref<200704x8xf32, #tpu.memory_space<vmem_shared>>
        tpu.wait_indirect_dma semaphore(%run_scoped3A : memref<!tpu.dma_semaphore, #tpu.memory_space<semaphore_mem>>) src(%arg12 : memref<128x8xf32, #tpu.memory_space<vmem>>) dst(%dma_wait3A_276 : memref<200704x8xf32, #tpu.memory_space<vmem_shared>>)
        tpu.yield
      }) : () -> ()
    }
    %barrier3A_176 = arith.constant 0 : index
    tpu.barrier barrier_id(%barrier3A_176)
    %mul3A_177 = arith.constant 12512 : i32
    %mul3A_178 = arith.muli %arg1, %mul3A_177 : i32
    %mul3A_179 = arith.constant 12512 : i32
    %mul3A_180 = arith.muli %arg1, %mul3A_179 : i32
    %add3A_181 = arith.addi %mul3A_3, %mul3A_180 : i32
    "tpu.region"() ({
      %run_scoped3A = tpu.sem_alloc : memref<!tpu.dma_semaphore, #tpu.memory_space<semaphore_mem>>
      %dma_start3A_184 = arith.constant 0 : i32
      %dma_start3A_185 = tpu.memref_slice %arg6[%add3A_181, %dma_start3A_184] : memref<400384x8xf32, #tpu.memory_space<hbm>> -> memref<12512x8xf32, #tpu.memory_space<hbm>>
      %dma_start3A_186 = arith.constant 0 : i32
      %dma_start3A_187 = tpu.memref_slice %arg13[%mul3A_178, %dma_start3A_186] : memref<200704x8xf32, #tpu.memory_space<vmem_shared>> -> memref<12512x8xf32, #tpu.memory_space<vmem_shared>>
      tpu.enqueue_dma source(%dma_start3A_187 : memref<12512x8xf32, #tpu.memory_space<vmem_shared>>) target(%dma_start3A_185 : memref<12512x8xf32, #tpu.memory_space<hbm>>) target_semaphore(%run_scoped3A : memref<!tpu.dma_semaphore, #tpu.memory_space<semaphore_mem>>)
      %dma_wait3A = arith.constant 0 : i32
      %dma_wait3A_188 = tpu.memref_slice %arg6[%add3A_181, %dma_wait3A] : memref<400384x8xf32, #tpu.memory_space<hbm>> -> memref<12512x8xf32, #tpu.memory_space<hbm>>
      %dma_wait3A_189 = arith.constant 0 : i32
      %dma_wait3A_190 = tpu.memref_slice %arg13[%mul3A_178, %dma_wait3A_189] : memref<200704x8xf32, #tpu.memory_space<vmem_shared>> -> memref<12512x8xf32, #tpu.memory_space<vmem_shared>>
      tpu.wait_dma2 semaphore(%run_scoped3A : memref<!tpu.dma_semaphore, #tpu.memory_space<semaphore_mem>>) src(%dma_wait3A_190 : memref<12512x8xf32, #tpu.memory_space<vmem_shared>>) dst(%dma_wait3A_188 : memref<12512x8xf32, #tpu.memory_space<hbm>>)
      tpu.yield
    }) : () -> ()
    %barrier3A_182 = arith.constant 0 : index
    tpu.barrier barrier_id(%barrier3A_182)
    %scan3A_183 = arith.constant 1 : i32
    return
  }
}

#map = affine_map<(d0, d1) -> (0, 0)>
#map1 = affine_map<(d0, d1) -> (0)>
module attributes {stable_mosaic.version = 14 : i64} {
  func.func @k(%arg0: i32, %arg1: i32, %arg2: memref<100000x80xf32, #tpu.memory_space<hbm>>, %arg3: memref<1600000xi32, #tpu.memory_space<hbm>>, %arg4: memref<1600000xi32, #tpu.memory_space<hbm>>, %arg5: memref<128x80xf32, #tpu.memory_space<hbm>>, %arg6: memref<407040x80xf32, #tpu.memory_space<hbm>>, %arg7: memref<2x2000xi32, #tpu.memory_space<vmem>>, %arg8: memref<2x2000xi32, #tpu.memory_space<vmem>>, %arg9: memref<2256xi32, #tpu.memory_space<vmem>>, %arg10: memref<2256xi32, #tpu.memory_space<vmem>>, %arg11: memref<16x128xi32, #tpu.memory_space<vmem>>, %arg12: memref<128x80xf32, #tpu.memory_space<vmem>>, %arg13: memref<20480x80xf32, #tpu.memory_space<vmem_shared>>, %arg14: memref<!tpu.dma_semaphore, #tpu.memory_space<semaphore_mem>>, %arg15: memref<!tpu.dma_semaphore, #tpu.memory_space<semaphore_mem>>) attributes {dimension_semantics = [#tpu.dimension_semantics<core_parallel>, #tpu.dimension_semantics<subcore_parallel>], iteration_bounds = array<i64: 2, 16>, scalar_prefetch = 0 : i64, scratch_operands = 9 : i64, tpu.core_type = #tpu.core_type<sc_vector_subcore>, window_params = [{transform_indices = #map}, {transform_indices = #map1}, {transform_indices = #map1}, {transform_indices = #map}, {transform_indices = #map}]} {
    %iota3A = tpu.iota {dimensions = array<i32: 0>} : vector<16xi32>
    %scan3A = arith.constant 0 : i32
    %scan3A_0 = arith.constant 0 : i32
    %scan3A_1 = arith.constant 10 : i32
    %scan3A_2 = arith.addi %scan3A_0, %scan3A_1 : i32
    %scan3A_3 = arith.constant 1 : i32
    scf.for %scan3A_5 = %scan3A_0 to %scan3A_2 step %scan3A_3  : i32 {
      %mul3A = arith.constant 2 : i32
      %mul3A_6 = arith.muli %scan3A_5, %mul3A : i32
      %add3A = arith.addi %mul3A_6, %arg0 : i32
      %mul3A_7 = arith.constant 20352 : i32
      %mul3A_8 = arith.muli %add3A, %mul3A_7 : i32
      %mul3A_9 = arith.constant 100000 : i32
      %mul3A_10 = arith.muli %arg1, %mul3A_9 : i32
      %add3A_11 = arith.constant 0 : i32
      %add3A_12 = arith.addi %mul3A_10, %add3A_11 : i32
      %dma_start3A = arith.constant 0 : i32
      %dma_start3A_13 = arith.constant 0 : i32
      %dma_start3A_14 = tpu.memref_slice %arg7[%dma_start3A, %dma_start3A_13] : memref<2x2000xi32, #tpu.memory_space<vmem>> -> memref<1x2000xi32, #tpu.memory_space<vmem>>
      %dma_start3A_15 = tpu.memref_squeeze %dma_start3A_14 : memref<1x2000xi32, #tpu.memory_space<vmem>> -> memref<2000xi32, #tpu.memory_space<vmem>>
      %dma_start3A_16 = tpu.memref_slice %arg3[%add3A_12] : memref<1600000xi32, #tpu.memory_space<hbm>> -> memref<2000xi32, #tpu.memory_space<hbm>>
      %dma_start3A_17 = arith.constant 0 : i32
      %dma_start3A_18 = tpu.memref_slice %arg7[%dma_start3A, %dma_start3A_17] : memref<2x2000xi32, #tpu.memory_space<vmem>> -> memref<1x2000xi32, #tpu.memory_space<vmem>>
      %dma_start3A_19 = tpu.memref_squeeze %dma_start3A_18 : memref<1x2000xi32, #tpu.memory_space<vmem>> -> memref<2000xi32, #tpu.memory_space<vmem>>
      %dma_start3A_20 = tpu.memref_slice %arg3[%add3A_12] : memref<1600000xi32, #tpu.memory_space<hbm>> -> memref<2000xi32, #tpu.memory_space<hbm>>
      tpu.enqueue_dma source(%dma_start3A_20 : memref<2000xi32, #tpu.memory_space<hbm>>) target(%dma_start3A_19 : memref<2000xi32, #tpu.memory_space<vmem>>) target_semaphore(%arg15 : memref<!tpu.dma_semaphore, #tpu.memory_space<semaphore_mem>>)
      %dma_start3A_21 = arith.constant 0 : i32
      %dma_start3A_22 = arith.constant 0 : i32
      %dma_start3A_23 = tpu.memref_slice %arg8[%dma_start3A_21, %dma_start3A_22] : memref<2x2000xi32, #tpu.memory_space<vmem>> -> memref<1x2000xi32, #tpu.memory_space<vmem>>
      %dma_start3A_24 = tpu.memref_squeeze %dma_start3A_23 : memref<1x2000xi32, #tpu.memory_space<vmem>> -> memref<2000xi32, #tpu.memory_space<vmem>>
      %dma_start3A_25 = tpu.memref_slice %arg4[%add3A_12] : memref<1600000xi32, #tpu.memory_space<hbm>> -> memref<2000xi32, #tpu.memory_space<hbm>>
      %dma_start3A_26 = arith.constant 0 : i32
      %dma_start3A_27 = tpu.memref_slice %arg8[%dma_start3A_21, %dma_start3A_26] : memref<2x2000xi32, #tpu.memory_space<vmem>> -> memref<1x2000xi32, #tpu.memory_space<vmem>>
      %dma_start3A_28 = tpu.memref_squeeze %dma_start3A_27 : memref<1x2000xi32, #tpu.memory_space<vmem>> -> memref<2000xi32, #tpu.memory_space<vmem>>
      %dma_start3A_29 = tpu.memref_slice %arg4[%add3A_12] : memref<1600000xi32, #tpu.memory_space<hbm>> -> memref<2000xi32, #tpu.memory_space<hbm>>
      tpu.enqueue_dma source(%dma_start3A_29 : memref<2000xi32, #tpu.memory_space<hbm>>) target(%dma_start3A_28 : memref<2000xi32, #tpu.memory_space<vmem>>) target_semaphore(%arg15 : memref<!tpu.dma_semaphore, #tpu.memory_space<semaphore_mem>>)
      %scan3A_30 = arith.constant 0 : i32
      %scan3A_31 = arith.constant 0 : i32
      %scan3A_32 = arith.constant 10 : i32
      %scan3A_33 = arith.addi %scan3A_31, %scan3A_32 : i32
      %scan3A_34 = arith.constant 1 : i32
      scf.for %scan3A_188 = %scan3A_31 to %scan3A_33 step %scan3A_34  : i32 {
        %mul3A_189 = arith.constant 1280 : i32
        %mul3A_190 = arith.muli %arg1, %mul3A_189 : i32
        %mul3A_191 = arith.constant 128 : i32
        %mul3A_192 = arith.muli %scan3A_188, %mul3A_191 : i32
        %add3A_193 = arith.addi %mul3A_190, %mul3A_192 : i32
        "tpu.region"() ({
          %run_scoped3A = tpu.sem_alloc : memref<!tpu.dma_semaphore, #tpu.memory_space<semaphore_mem>>
          %dma_start3A_194 = arith.constant 0 : i32
          %dma_start3A_195 = tpu.memref_slice %arg13[%add3A_193, %dma_start3A_194] : memref<20480x80xf32, #tpu.memory_space<vmem_shared>> -> memref<128x80xf32, #tpu.memory_space<vmem_shared>>
          tpu.enqueue_dma source(%arg5 : memref<128x80xf32, #tpu.memory_space<hbm>>) target(%dma_start3A_195 : memref<128x80xf32, #tpu.memory_space<vmem_shared>>) target_semaphore(%run_scoped3A : memref<!tpu.dma_semaphore, #tpu.memory_space<semaphore_mem>>)
          %dma_wait3A = arith.constant 0 : i32
          %dma_wait3A_196 = tpu.memref_slice %arg13[%add3A_193, %dma_wait3A] : memref<20480x80xf32, #tpu.memory_space<vmem_shared>> -> memref<128x80xf32, #tpu.memory_space<vmem_shared>>
          tpu.wait_dma2 semaphore(%run_scoped3A : memref<!tpu.dma_semaphore, #tpu.memory_space<semaphore_mem>>) src(%arg5 : memref<128x80xf32, #tpu.memory_space<hbm>>) dst(%dma_wait3A_196 : memref<128x80xf32, #tpu.memory_space<vmem_shared>>)
          tpu.yield
        }) : () -> ()
      }
      %scan3A_35 = arith.constant 10 : i32
      %barrier3A = arith.constant 0 : index
      tpu.barrier barrier_id(%barrier3A)
      %scan3A_36 = arith.constant 0 : i32
      %scan3A_37 = arith.constant 0 : i32
      %scan3A_38 = arith.constant 50 : i32
      %scan3A_39 = arith.addi %scan3A_37, %scan3A_38 : i32
      %scan3A_40 = arith.constant 1 : i32
      %scan3A_41 = scf.for %scan3A_188 = %scan3A_37 to %scan3A_39 step %scan3A_40 iter_args(%scan3A_189 = %scan3A_36) -> (i32)  : i32 {
        %and3A_190 = arith.constant 1 : i32
        %and3A_191 = arith.andi %scan3A_188, %and3A_190 : i32
        %dma_wait3A = arith.constant 0 : i32
        %dma_wait3A_192 = tpu.memref_slice %arg7[%and3A_191, %dma_wait3A] : memref<2x2000xi32, #tpu.memory_space<vmem>> -> memref<1x2000xi32, #tpu.memory_space<vmem>>
        %dma_wait3A_193 = tpu.memref_squeeze %dma_wait3A_192 : memref<1x2000xi32, #tpu.memory_space<vmem>> -> memref<2000xi32, #tpu.memory_space<vmem>>
        %dma_wait3A_194 = arith.constant 0 : i32
        %dma_wait3A_195 = tpu.memref_slice %arg3[%dma_wait3A_194] : memref<1600000xi32, #tpu.memory_space<hbm>> -> memref<2000xi32, #tpu.memory_space<hbm>>
        %dma_wait3A_196 = arith.constant 0 : i32
        %dma_wait3A_197 = tpu.memref_slice %arg7[%and3A_191, %dma_wait3A_196] : memref<2x2000xi32, #tpu.memory_space<vmem>> -> memref<1x2000xi32, #tpu.memory_space<vmem>>
        %dma_wait3A_198 = tpu.memref_squeeze %dma_wait3A_197 : memref<1x2000xi32, #tpu.memory_space<vmem>> -> memref<2000xi32, #tpu.memory_space<vmem>>
        %dma_wait3A_199 = arith.constant 0 : i32
        %dma_wait3A_200 = tpu.memref_slice %arg3[%dma_wait3A_199] : memref<1600000xi32, #tpu.memory_space<hbm>> -> memref<2000xi32, #tpu.memory_space<hbm>>
        tpu.wait_dma2 semaphore(%arg15 : memref<!tpu.dma_semaphore, #tpu.memory_space<semaphore_mem>>) src(%dma_wait3A_200 : memref<2000xi32, #tpu.memory_space<hbm>>) dst(%dma_wait3A_198 : memref<2000xi32, #tpu.memory_space<vmem>>)
        %dma_wait3A_201 = arith.constant 0 : i32
        %dma_wait3A_202 = tpu.memref_slice %arg8[%and3A_191, %dma_wait3A_201] : memref<2x2000xi32, #tpu.memory_space<vmem>> -> memref<1x2000xi32, #tpu.memory_space<vmem>>
        %dma_wait3A_203 = tpu.memref_squeeze %dma_wait3A_202 : memref<1x2000xi32, #tpu.memory_space<vmem>> -> memref<2000xi32, #tpu.memory_space<vmem>>
        %dma_wait3A_204 = arith.constant 0 : i32
        %dma_wait3A_205 = tpu.memref_slice %arg4[%dma_wait3A_204] : memref<1600000xi32, #tpu.memory_space<hbm>> -> memref<2000xi32, #tpu.memory_space<hbm>>
        %dma_wait3A_206 = arith.constant 0 : i32
        %dma_wait3A_207 = tpu.memref_slice %arg8[%and3A_191, %dma_wait3A_206] : memref<2x2000xi32, #tpu.memory_space<vmem>> -> memref<1x2000xi32, #tpu.memory_space<vmem>>
        %dma_wait3A_208 = tpu.memref_squeeze %dma_wait3A_207 : memref<1x2000xi32, #tpu.memory_space<vmem>> -> memref<2000xi32, #tpu.memory_space<vmem>>
        %dma_wait3A_209 = arith.constant 0 : i32
        %dma_wait3A_210 = tpu.memref_slice %arg4[%dma_wait3A_209] : memref<1600000xi32, #tpu.memory_space<hbm>> -> memref<2000xi32, #tpu.memory_space<hbm>>
        tpu.wait_dma2 semaphore(%arg15 : memref<!tpu.dma_semaphore, #tpu.memory_space<semaphore_mem>>) src(%dma_wait3A_210 : memref<2000xi32, #tpu.memory_space<hbm>>) dst(%dma_wait3A_208 : memref<2000xi32, #tpu.memory_space<vmem>>)
        %add3A_211 = arith.constant 1 : i32
        %add3A_212 = arith.addi %scan3A_188, %add3A_211 : i32
        %lt3A = arith.constant 50 : i32
        %lt3A_213 = arith.cmpi slt, %add3A_212, %lt3A : i32
        %convert_element_type3A = arith.extui %lt3A_213 : i1 to i32
        %cond3A = arith.constant 0 : i32
        %cond3A_214 = arith.cmpi ne, %convert_element_type3A, %cond3A : i32
        scf.if %cond3A_214 {
          %add3A_385 = arith.constant 1 : i32
          %add3A_386 = arith.addi %scan3A_188, %add3A_385 : i32
          %sub3A_387 = arith.constant 1 : i32
          %sub3A_388 = arith.subi %sub3A_387, %and3A_191 : i32
          %mul3A_389 = arith.constant 100000 : i32
          %mul3A_390 = arith.muli %arg1, %mul3A_389 : i32
          %mul3A_391 = arith.constant 2000 : i32
          %mul3A_392 = arith.muli %add3A_386, %mul3A_391 : i32
          %add3A_393 = arith.addi %mul3A_390, %mul3A_392 : i32
          %dma_start3A_394 = arith.constant 0 : i32
          %dma_start3A_395 = tpu.memref_slice %arg7[%sub3A_388, %dma_start3A_394] : memref<2x2000xi32, #tpu.memory_space<vmem>> -> memref<1x2000xi32, #tpu.memory_space<vmem>>
          %dma_start3A_396 = tpu.memref_squeeze %dma_start3A_395 : memref<1x2000xi32, #tpu.memory_space<vmem>> -> memref<2000xi32, #tpu.memory_space<vmem>>
          %dma_start3A_397 = tpu.memref_slice %arg3[%add3A_393] : memref<1600000xi32, #tpu.memory_space<hbm>> -> memref<2000xi32, #tpu.memory_space<hbm>>
          %dma_start3A_398 = arith.constant 0 : i32
          %dma_start3A_399 = tpu.memref_slice %arg7[%sub3A_388, %dma_start3A_398] : memref<2x2000xi32, #tpu.memory_space<vmem>> -> memref<1x2000xi32, #tpu.memory_space<vmem>>
          %dma_start3A_400 = tpu.memref_squeeze %dma_start3A_399 : memref<1x2000xi32, #tpu.memory_space<vmem>> -> memref<2000xi32, #tpu.memory_space<vmem>>
          %dma_start3A_401 = tpu.memref_slice %arg3[%add3A_393] : memref<1600000xi32, #tpu.memory_space<hbm>> -> memref<2000xi32, #tpu.memory_space<hbm>>
          tpu.enqueue_dma source(%dma_start3A_401 : memref<2000xi32, #tpu.memory_space<hbm>>) target(%dma_start3A_400 : memref<2000xi32, #tpu.memory_space<vmem>>) target_semaphore(%arg15 : memref<!tpu.dma_semaphore, #tpu.memory_space<semaphore_mem>>)
          %dma_start3A_402 = arith.constant 0 : i32
          %dma_start3A_403 = tpu.memref_slice %arg8[%sub3A_388, %dma_start3A_402] : memref<2x2000xi32, #tpu.memory_space<vmem>> -> memref<1x2000xi32, #tpu.memory_space<vmem>>
          %dma_start3A_404 = tpu.memref_squeeze %dma_start3A_403 : memref<1x2000xi32, #tpu.memory_space<vmem>> -> memref<2000xi32, #tpu.memory_space<vmem>>
          %dma_start3A_405 = tpu.memref_slice %arg4[%add3A_393] : memref<1600000xi32, #tpu.memory_space<hbm>> -> memref<2000xi32, #tpu.memory_space<hbm>>
          %dma_start3A_406 = arith.constant 0 : i32
          %dma_start3A_407 = tpu.memref_slice %arg8[%sub3A_388, %dma_start3A_406] : memref<2x2000xi32, #tpu.memory_space<vmem>> -> memref<1x2000xi32, #tpu.memory_space<vmem>>
          %dma_start3A_408 = tpu.memref_squeeze %dma_start3A_407 : memref<1x2000xi32, #tpu.memory_space<vmem>> -> memref<2000xi32, #tpu.memory_space<vmem>>
          %dma_start3A_409 = tpu.memref_slice %arg4[%add3A_393] : memref<1600000xi32, #tpu.memory_space<hbm>> -> memref<2000xi32, #tpu.memory_space<hbm>>
          tpu.enqueue_dma source(%dma_start3A_409 : memref<2000xi32, #tpu.memory_space<hbm>>) target(%dma_start3A_408 : memref<2000xi32, #tpu.memory_space<vmem>>) target_semaphore(%arg15 : memref<!tpu.dma_semaphore, #tpu.memory_space<semaphore_mem>>)
        } else {
        }
        %scan3A_215 = arith.constant 0 : i32
        %scan3A_216 = arith.constant 25 : i32
        %scan3A_217 = arith.addi %scan3A_215, %scan3A_216 : i32
        %scan3A_218 = arith.constant 1 : i32
        %scan3A_219 = scf.for %scan3A_385 = %scan3A_215 to %scan3A_217 step %scan3A_218 iter_args(%scan3A_386 = %scan3A_189) -> (i32)  : i32 {
          %mul3A_387 = arith.constant 5 : i32
          %mul3A_388 = arith.muli %scan3A_385, %mul3A_387 : i32
          %add3A_389 = arith.constant 0 : i32
          %add3A_390 = arith.addi %mul3A_388, %add3A_389 : i32
          %mul3A_391 = arith.constant 16 : i32
          %mul3A_392 = arith.muli %add3A_390, %mul3A_391 : i32
          %get3A_393 = arith.index_cast %and3A_191 : i32 to index
          %get3A_394 = arith.index_cast %mul3A_392 : i32 to index
          %get3A_395 = tpu.vector_load %arg7[%get3A_393, %get3A_394] {strides = array<i32>} : memref<2x2000xi32, #tpu.memory_space<vmem>>, vector<16xi32>,
          %sub3A_396 = vector.broadcast %mul3A_8 : i32 to vector<16xi32>
          %sub3A_397 = arith.subi %get3A_395, %sub3A_396 : vector<16xi32>
          %ge3A = arith.constant 0 : i32
          %ge3A_398 = vector.broadcast %ge3A : i32 to vector<16xi32>
          %ge3A_399 = arith.cmpi sge, %sub3A_397, %ge3A_398 : vector<16xi32>
          %lt3A_400 = arith.constant 20352 : i32
          %lt3A_401 = vector.broadcast %lt3A_400 : i32 to vector<16xi32>
          %lt3A_402 = arith.cmpi slt, %sub3A_397, %lt3A_401 : vector<16xi32>
          %and3A_403 = arith.andi %ge3A_399, %lt3A_402 : vector<16xi1>
          %jit3A_404 = arith.constant 1 : i32
          %jit3A_405 = arith.constant 0 : i32
          %broadcast_in_dim3A = vector.broadcast %jit3A_404 : i32 to vector<16xi32>
          %broadcast_in_dim3A_406 = vector.broadcast %jit3A_405 : i32 to vector<16xi32>
          %select_n3A_407 = arith.select %and3A_403, %broadcast_in_dim3A, %broadcast_in_dim3A_406 : vector<16xi1>, vector<16xi32>
          %mul3A_408 = arith.constant 5 : i32
          %mul3A_409 = arith.muli %scan3A_385, %mul3A_408 : i32
          %add3A_410 = arith.constant 0 : i32
          %add3A_411 = arith.addi %mul3A_409, %add3A_410 : i32
          %mul3A_412 = arith.constant 16 : i32
          %mul3A_413 = arith.muli %add3A_411, %mul3A_412 : i32
          %get3A_414 = arith.index_cast %and3A_191 : i32 to index
          %get3A_415 = arith.index_cast %mul3A_413 : i32 to index
          %get3A_416 = tpu.vector_load %arg8[%get3A_414, %get3A_415] {strides = array<i32>} : memref<2x2000xi32, #tpu.memory_space<vmem>>, vector<16xi32>,
          %cumsum3A = arith.constant true
          %cumsum3A_417 = vector.broadcast %cumsum3A : i1 to vector<16xi1>
          %cumsum3A_418 = tpu.scan <sum>, %select_n3A_407 masked %cumsum3A_417 : vector<16xi32>, vector<16xi1> -> vector<16xi32>
          %mul3A_419 = arith.constant 5 : i32
          %mul3A_420 = arith.muli %scan3A_385, %mul3A_419 : i32
          %add3A_421 = arith.constant 1 : i32
          %add3A_422 = arith.addi %mul3A_420, %add3A_421 : i32
          %mul3A_423 = arith.constant 16 : i32
          %mul3A_424 = arith.muli %add3A_422, %mul3A_423 : i32
          %get3A_425 = arith.index_cast %and3A_191 : i32 to index
          %get3A_426 = arith.index_cast %mul3A_424 : i32 to index
          %get3A_427 = tpu.vector_load %arg7[%get3A_425, %get3A_426] {strides = array<i32>} : memref<2x2000xi32, #tpu.memory_space<vmem>>, vector<16xi32>,
          %sub3A_428 = vector.broadcast %mul3A_8 : i32 to vector<16xi32>
          %sub3A_429 = arith.subi %get3A_427, %sub3A_428 : vector<16xi32>
          %ge3A_430 = arith.constant 0 : i32
          %ge3A_431 = vector.broadcast %ge3A_430 : i32 to vector<16xi32>
          %ge3A_432 = arith.cmpi sge, %sub3A_429, %ge3A_431 : vector<16xi32>
          %lt3A_433 = arith.constant 20352 : i32
          %lt3A_434 = vector.broadcast %lt3A_433 : i32 to vector<16xi32>
          %lt3A_435 = arith.cmpi slt, %sub3A_429, %lt3A_434 : vector<16xi32>
          %and3A_436 = arith.andi %ge3A_432, %lt3A_435 : vector<16xi1>
          %jit3A_437 = arith.constant 1 : i32
          %jit3A_438 = arith.constant 0 : i32
          %broadcast_in_dim3A_439 = vector.broadcast %jit3A_437 : i32 to vector<16xi32>
          %broadcast_in_dim3A_440 = vector.broadcast %jit3A_438 : i32 to vector<16xi32>
          %select_n3A_441 = arith.select %and3A_436, %broadcast_in_dim3A_439, %broadcast_in_dim3A_440 : vector<16xi1>, vector<16xi32>
          %mul3A_442 = arith.constant 5 : i32
          %mul3A_443 = arith.muli %scan3A_385, %mul3A_442 : i32
          %add3A_444 = arith.constant 1 : i32
          %add3A_445 = arith.addi %mul3A_443, %add3A_444 : i32
          %mul3A_446 = arith.constant 16 : i32
          %mul3A_447 = arith.muli %add3A_445, %mul3A_446 : i32
          %get3A_448 = arith.index_cast %and3A_191 : i32 to index
          %get3A_449 = arith.index_cast %mul3A_447 : i32 to index
          %get3A_450 = tpu.vector_load %arg8[%get3A_448, %get3A_449] {strides = array<i32>} : memref<2x2000xi32, #tpu.memory_space<vmem>>, vector<16xi32>,
          %cumsum3A_451 = arith.constant true
          %cumsum3A_452 = vector.broadcast %cumsum3A_451 : i1 to vector<16xi1>
          %cumsum3A_453 = tpu.scan <sum>, %select_n3A_441 masked %cumsum3A_452 : vector<16xi32>, vector<16xi1> -> vector<16xi32>
          %mul3A_454 = arith.constant 5 : i32
          %mul3A_455 = arith.muli %scan3A_385, %mul3A_454 : i32
          %add3A_456 = arith.constant 2 : i32
          %add3A_457 = arith.addi %mul3A_455, %add3A_456 : i32
          %mul3A_458 = arith.constant 16 : i32
          %mul3A_459 = arith.muli %add3A_457, %mul3A_458 : i32
          %get3A_460 = arith.index_cast %and3A_191 : i32 to index
          %get3A_461 = arith.index_cast %mul3A_459 : i32 to index
          %get3A_462 = tpu.vector_load %arg7[%get3A_460, %get3A_461] {strides = array<i32>} : memref<2x2000xi32, #tpu.memory_space<vmem>>, vector<16xi32>,
          %sub3A_463 = vector.broadcast %mul3A_8 : i32 to vector<16xi32>
          %sub3A_464 = arith.subi %get3A_462, %sub3A_463 : vector<16xi32>
          %ge3A_465 = arith.constant 0 : i32
          %ge3A_466 = vector.broadcast %ge3A_465 : i32 to vector<16xi32>
          %ge3A_467 = arith.cmpi sge, %sub3A_464, %ge3A_466 : vector<16xi32>
          %lt3A_468 = arith.constant 20352 : i32
          %lt3A_469 = vector.broadcast %lt3A_468 : i32 to vector<16xi32>
          %lt3A_470 = arith.cmpi slt, %sub3A_464, %lt3A_469 : vector<16xi32>
          %and3A_471 = arith.andi %ge3A_467, %lt3A_470 : vector<16xi1>
          %jit3A_472 = arith.constant 1 : i32
          %jit3A_473 = arith.constant 0 : i32
          %broadcast_in_dim3A_474 = vector.broadcast %jit3A_472 : i32 to vector<16xi32>
          %broadcast_in_dim3A_475 = vector.broadcast %jit3A_473 : i32 to vector<16xi32>
          %select_n3A_476 = arith.select %and3A_471, %broadcast_in_dim3A_474, %broadcast_in_dim3A_475 : vector<16xi1>, vector<16xi32>
          %mul3A_477 = arith.constant 5 : i32
          %mul3A_478 = arith.muli %scan3A_385, %mul3A_477 : i32
          %add3A_479 = arith.constant 2 : i32
          %add3A_480 = arith.addi %mul3A_478, %add3A_479 : i32
          %mul3A_481 = arith.constant 16 : i32
          %mul3A_482 = arith.muli %add3A_480, %mul3A_481 : i32
          %get3A_483 = arith.index_cast %and3A_191 : i32 to index
          %get3A_484 = arith.index_cast %mul3A_482 : i32 to index
          %get3A_485 = tpu.vector_load %arg8[%get3A_483, %get3A_484] {strides = array<i32>} : memref<2x2000xi32, #tpu.memory_space<vmem>>, vector<16xi32>,
          %cumsum3A_486 = arith.constant true
          %cumsum3A_487 = vector.broadcast %cumsum3A_486 : i1 to vector<16xi1>
          %cumsum3A_488 = tpu.scan <sum>, %select_n3A_476 masked %cumsum3A_487 : vector<16xi32>, vector<16xi1> -> vector<16xi32>
          %mul3A_489 = arith.constant 5 : i32
          %mul3A_490 = arith.muli %scan3A_385, %mul3A_489 : i32
          %add3A_491 = arith.constant 3 : i32
          %add3A_492 = arith.addi %mul3A_490, %add3A_491 : i32
          %mul3A_493 = arith.constant 16 : i32
          %mul3A_494 = arith.muli %add3A_492, %mul3A_493 : i32
          %get3A_495 = arith.index_cast %and3A_191 : i32 to index
          %get3A_496 = arith.index_cast %mul3A_494 : i32 to index
          %get3A_497 = tpu.vector_load %arg7[%get3A_495, %get3A_496] {strides = array<i32>} : memref<2x2000xi32, #tpu.memory_space<vmem>>, vector<16xi32>,
          %sub3A_498 = vector.broadcast %mul3A_8 : i32 to vector<16xi32>
          %sub3A_499 = arith.subi %get3A_497, %sub3A_498 : vector<16xi32>
          %ge3A_500 = arith.constant 0 : i32
          %ge3A_501 = vector.broadcast %ge3A_500 : i32 to vector<16xi32>
          %ge3A_502 = arith.cmpi sge, %sub3A_499, %ge3A_501 : vector<16xi32>
          %lt3A_503 = arith.constant 20352 : i32
          %lt3A_504 = vector.broadcast %lt3A_503 : i32 to vector<16xi32>
          %lt3A_505 = arith.cmpi slt, %sub3A_499, %lt3A_504 : vector<16xi32>
          %and3A_506 = arith.andi %ge3A_502, %lt3A_505 : vector<16xi1>
          %jit3A_507 = arith.constant 1 : i32
          %jit3A_508 = arith.constant 0 : i32
          %broadcast_in_dim3A_509 = vector.broadcast %jit3A_507 : i32 to vector<16xi32>
          %broadcast_in_dim3A_510 = vector.broadcast %jit3A_508 : i32 to vector<16xi32>
          %select_n3A_511 = arith.select %and3A_506, %broadcast_in_dim3A_509, %broadcast_in_dim3A_510 : vector<16xi1>, vector<16xi32>
          %mul3A_512 = arith.constant 5 : i32
          %mul3A_513 = arith.muli %scan3A_385, %mul3A_512 : i32
          %add3A_514 = arith.constant 3 : i32
          %add3A_515 = arith.addi %mul3A_513, %add3A_514 : i32
          %mul3A_516 = arith.constant 16 : i32
          %mul3A_517 = arith.muli %add3A_515, %mul3A_516 : i32
          %get3A_518 = arith.index_cast %and3A_191 : i32 to index
          %get3A_519 = arith.index_cast %mul3A_517 : i32 to index
          %get3A_520 = tpu.vector_load %arg8[%get3A_518, %get3A_519] {strides = array<i32>} : memref<2x2000xi32, #tpu.memory_space<vmem>>, vector<16xi32>,
          %cumsum3A_521 = arith.constant true
          %cumsum3A_522 = vector.broadcast %cumsum3A_521 : i1 to vector<16xi1>
          %cumsum3A_523 = tpu.scan <sum>, %select_n3A_511 masked %cumsum3A_522 : vector<16xi32>, vector<16xi1> -> vector<16xi32>
          %mul3A_524 = arith.constant 5 : i32
          %mul3A_525 = arith.muli %scan3A_385, %mul3A_524 : i32
          %add3A_526 = arith.constant 4 : i32
          %add3A_527 = arith.addi %mul3A_525, %add3A_526 : i32
          %mul3A_528 = arith.constant 16 : i32
          %mul3A_529 = arith.muli %add3A_527, %mul3A_528 : i32
          %get3A_530 = arith.index_cast %and3A_191 : i32 to index
          %get3A_531 = arith.index_cast %mul3A_529 : i32 to index
          %get3A_532 = tpu.vector_load %arg7[%get3A_530, %get3A_531] {strides = array<i32>} : memref<2x2000xi32, #tpu.memory_space<vmem>>, vector<16xi32>,
          %sub3A_533 = vector.broadcast %mul3A_8 : i32 to vector<16xi32>
          %sub3A_534 = arith.subi %get3A_532, %sub3A_533 : vector<16xi32>
          %ge3A_535 = arith.constant 0 : i32
          %ge3A_536 = vector.broadcast %ge3A_535 : i32 to vector<16xi32>
          %ge3A_537 = arith.cmpi sge, %sub3A_534, %ge3A_536 : vector<16xi32>
          %lt3A_538 = arith.constant 20352 : i32
          %lt3A_539 = vector.broadcast %lt3A_538 : i32 to vector<16xi32>
          %lt3A_540 = arith.cmpi slt, %sub3A_534, %lt3A_539 : vector<16xi32>
          %and3A_541 = arith.andi %ge3A_537, %lt3A_540 : vector<16xi1>
          %jit3A_542 = arith.constant 1 : i32
          %jit3A_543 = arith.constant 0 : i32
          %broadcast_in_dim3A_544 = vector.broadcast %jit3A_542 : i32 to vector<16xi32>
          %broadcast_in_dim3A_545 = vector.broadcast %jit3A_543 : i32 to vector<16xi32>
          %select_n3A_546 = arith.select %and3A_541, %broadcast_in_dim3A_544, %broadcast_in_dim3A_545 : vector<16xi1>, vector<16xi32>
          %mul3A_547 = arith.constant 5 : i32
          %mul3A_548 = arith.muli %scan3A_385, %mul3A_547 : i32
          %add3A_549 = arith.constant 4 : i32
          %add3A_550 = arith.addi %mul3A_548, %add3A_549 : i32
          %mul3A_551 = arith.constant 16 : i32
          %mul3A_552 = arith.muli %add3A_550, %mul3A_551 : i32
          %get3A_553 = arith.index_cast %and3A_191 : i32 to index
          %get3A_554 = arith.index_cast %mul3A_552 : i32 to index
          %get3A_555 = tpu.vector_load %arg8[%get3A_553, %get3A_554] {strides = array<i32>} : memref<2x2000xi32, #tpu.memory_space<vmem>>, vector<16xi32>,
          %cumsum3A_556 = arith.constant true
          %cumsum3A_557 = vector.broadcast %cumsum3A_556 : i1 to vector<16xi1>
          %cumsum3A_558 = tpu.scan <sum>, %select_n3A_546 masked %cumsum3A_557 : vector<16xi32>, vector<16xi1> -> vector<16xi32>
          %add3A_559 = vector.broadcast %scan3A_386 : i32 to vector<16xi32>
          %add3A_560 = arith.addi %add3A_559, %cumsum3A_418 : vector<16xi32>
          %sub3A_561 = arith.subi %add3A_560, %select_n3A_407 : vector<16xi32>
          tpu.vector_store_idx %arg9[%sub3A_561], %sub3A_397 masked %and3A_403 : memref<2256xi32, #tpu.memory_space<vmem>>[vector<16xi32>], vector<16xi32>, vector<16xi1>
          tpu.vector_store_idx %arg10[%sub3A_561], %get3A_416 masked %and3A_403 : memref<2256xi32, #tpu.memory_space<vmem>>[vector<16xi32>], vector<16xi32>, vector<16xi1>
          %slice3A = vector.extract_strided_slice %cumsum3A_418 {offsets = [15], sizes = [1], strides = [1]} : vector<16xi32> to vector<1xi32>
          %squeeze3A = vector.extract %slice3A[0] : i32 from vector<1xi32>
          %add3A_562 = arith.addi %scan3A_386, %squeeze3A : i32
          %add3A_563 = vector.broadcast %add3A_562 : i32 to vector<16xi32>
          %add3A_564 = arith.addi %add3A_563, %cumsum3A_453 : vector<16xi32>
          %sub3A_565 = arith.subi %add3A_564, %select_n3A_441 : vector<16xi32>
          tpu.vector_store_idx %arg9[%sub3A_565], %sub3A_429 masked %and3A_436 : memref<2256xi32, #tpu.memory_space<vmem>>[vector<16xi32>], vector<16xi32>, vector<16xi1>
          tpu.vector_store_idx %arg10[%sub3A_565], %get3A_450 masked %and3A_436 : memref<2256xi32, #tpu.memory_space<vmem>>[vector<16xi32>], vector<16xi32>, vector<16xi1>
          %slice3A_566 = vector.extract_strided_slice %cumsum3A_453 {offsets = [15], sizes = [1], strides = [1]} : vector<16xi32> to vector<1xi32>
          %squeeze3A_567 = vector.extract %slice3A_566[0] : i32 from vector<1xi32>
          %add3A_568 = arith.addi %add3A_562, %squeeze3A_567 : i32
          %add3A_569 = vector.broadcast %add3A_568 : i32 to vector<16xi32>
          %add3A_570 = arith.addi %add3A_569, %cumsum3A_488 : vector<16xi32>
          %sub3A_571 = arith.subi %add3A_570, %select_n3A_476 : vector<16xi32>
          tpu.vector_store_idx %arg9[%sub3A_571], %sub3A_464 masked %and3A_471 : memref<2256xi32, #tpu.memory_space<vmem>>[vector<16xi32>], vector<16xi32>, vector<16xi1>
          tpu.vector_store_idx %arg10[%sub3A_571], %get3A_485 masked %and3A_471 : memref<2256xi32, #tpu.memory_space<vmem>>[vector<16xi32>], vector<16xi32>, vector<16xi1>
          %slice3A_572 = vector.extract_strided_slice %cumsum3A_488 {offsets = [15], sizes = [1], strides = [1]} : vector<16xi32> to vector<1xi32>
          %squeeze3A_573 = vector.extract %slice3A_572[0] : i32 from vector<1xi32>
          %add3A_574 = arith.addi %add3A_568, %squeeze3A_573 : i32
          %add3A_575 = vector.broadcast %add3A_574 : i32 to vector<16xi32>
          %add3A_576 = arith.addi %add3A_575, %cumsum3A_523 : vector<16xi32>
          %sub3A_577 = arith.subi %add3A_576, %select_n3A_511 : vector<16xi32>
          tpu.vector_store_idx %arg9[%sub3A_577], %sub3A_499 masked %and3A_506 : memref<2256xi32, #tpu.memory_space<vmem>>[vector<16xi32>], vector<16xi32>, vector<16xi1>
          tpu.vector_store_idx %arg10[%sub3A_577], %get3A_520 masked %and3A_506 : memref<2256xi32, #tpu.memory_space<vmem>>[vector<16xi32>], vector<16xi32>, vector<16xi1>
          %slice3A_578 = vector.extract_strided_slice %cumsum3A_523 {offsets = [15], sizes = [1], strides = [1]} : vector<16xi32> to vector<1xi32>
          %squeeze3A_579 = vector.extract %slice3A_578[0] : i32 from vector<1xi32>
          %add3A_580 = arith.addi %add3A_574, %squeeze3A_579 : i32
          %add3A_581 = vector.broadcast %add3A_580 : i32 to vector<16xi32>
          %add3A_582 = arith.addi %add3A_581, %cumsum3A_558 : vector<16xi32>
          %sub3A_583 = arith.subi %add3A_582, %select_n3A_546 : vector<16xi32>
          tpu.vector_store_idx %arg9[%sub3A_583], %sub3A_534 masked %and3A_541 : memref<2256xi32, #tpu.memory_space<vmem>>[vector<16xi32>], vector<16xi32>, vector<16xi1>
          tpu.vector_store_idx %arg10[%sub3A_583], %get3A_555 masked %and3A_541 : memref<2256xi32, #tpu.memory_space<vmem>>[vector<16xi32>], vector<16xi32>, vector<16xi1>
          %slice3A_584 = vector.extract_strided_slice %cumsum3A_558 {offsets = [15], sizes = [1], strides = [1]} : vector<16xi32> to vector<1xi32>
          %squeeze3A_585 = vector.extract %slice3A_584[0] : i32 from vector<1xi32>
          %add3A_586 = arith.addi %add3A_580, %squeeze3A_585 : i32
          scf.yield %add3A_586 : i32
        }
        %scan3A_220 = arith.constant 25 : i32
        %jit3A_221 = arith.constant 128 : i32
        %div3A_222 = arith.divsi %scan3A_219, %jit3A_221 : i32
        %sign3A_223 = arith.constant 0 : i32
        %sign3A_224 = arith.cmpi sgt, %scan3A_219, %sign3A_223 : i32
        %sign3A_225 = arith.extui %sign3A_224 : i1 to i32
        %sign3A_226 = arith.constant 0 : i32
        %sign3A_227 = arith.cmpi slt, %scan3A_219, %sign3A_226 : i32
        %sign3A_228 = arith.extui %sign3A_227 : i1 to i32
        %sign3A_229 = arith.subi %sign3A_225, %sign3A_228 : i32
        %sign3A_230 = arith.constant 0 : i32
        %sign3A_231 = arith.cmpi sgt, %jit3A_221, %sign3A_230 : i32
        %sign3A_232 = arith.extui %sign3A_231 : i1 to i32
        %sign3A_233 = arith.constant 0 : i32
        %sign3A_234 = arith.cmpi slt, %jit3A_221, %sign3A_233 : i32
        %sign3A_235 = arith.extui %sign3A_234 : i1 to i32
        %sign3A_236 = arith.subi %sign3A_232, %sign3A_235 : i32
        %ne3A_237 = arith.cmpi ne, %sign3A_229, %sign3A_236 : i32
        %rem3A_238 = arith.remsi %scan3A_219, %jit3A_221 : i32
        %ne3A_239 = arith.constant 0 : i32
        %ne3A_240 = arith.cmpi ne, %rem3A_238, %ne3A_239 : i32
        %and3A_241 = arith.andi %ne3A_237, %ne3A_240 : i1
        %sub3A_242 = arith.constant 1 : i32
        %sub3A_243 = arith.subi %div3A_222, %sub3A_242 : i32
        %select_n3A_244 = arith.select %and3A_241, %sub3A_243, %div3A_222 : i32
        %while3A_245 = arith.constant 0 : i32
        %while3A_246 = arith.constant 0 : i32
        %while3A_247 = arith.subi %select_n3A_244, %while3A_246 : i32
        %while3A_248 = arith.addi %while3A_246, %while3A_247 : i32
        %while3A_249 = arith.constant 1 : i32
        %while3A_250 = arith.divsi %while3A_247, %while3A_249 : i32
        %while3A_251 = arith.muli %while3A_250, %while3A_249 : i32
        %while3A_252 = arith.addi %while3A_246, %while3A_251 : i32
        %while3A_253 = arith.constant 1 : i32
        scf.for %while3A_385 = %while3A_246 to %while3A_252 step %while3A_253  : i32 {
          %mul3A_386 = arith.constant 128 : i32
          %mul3A_387 = arith.muli %while3A_385, %mul3A_386 : i32
          %dma_start3A_388 = tpu.memref_slice %arg10[%mul3A_387] : memref<2256xi32, #tpu.memory_space<vmem>> -> memref<128xi32, #tpu.memory_space<vmem>>
          %dma_start3A_389 = arith.constant 0 : i32
          %dma_start3A_390 = arith.constant 0 : i32
          %dma_start3A_391 = tpu.memref_slice %arg2[%dma_start3A_389, %dma_start3A_390] : memref<100000x80xf32, #tpu.memory_space<hbm>> -> memref<100000x80xf32, #tpu.memory_space<hbm>>
          tpu.enqueue_indirect_dma source(%dma_start3A_391 : memref<100000x80xf32, #tpu.memory_space<hbm>>) target(%arg12 : memref<128x80xf32, #tpu.memory_space<vmem>>) offsets(%dma_start3A_388 : memref<128xi32, #tpu.memory_space<vmem>>) semaphore(%arg14 : memref<!tpu.dma_semaphore, #tpu.memory_space<semaphore_mem>>)
          %mul3A_392 = arith.constant 128 : i32
          %mul3A_393 = arith.muli %while3A_385, %mul3A_392 : i32
          %add3A_394 = arith.constant 0 : i32
          %add3A_395 = arith.addi %mul3A_393, %add3A_394 : i32
          %get3A_396 = arith.index_cast %add3A_395 : i32 to index
          %get3A_397 = tpu.vector_load %arg9[%get3A_396] {strides = array<i32>} : memref<2256xi32, #tpu.memory_space<vmem>>, vector<16xi32>,
          %swap3A_398 = arith.index_cast %while3A_385 : i32 to index
          %swap3A_399 = arith.constant 0 : index
          %swap3A_400 = tpu.vector_load %arg11[%swap3A_398, %swap3A_399] {strides = array<i32>} : memref<16x128xi32, #tpu.memory_space<vmem>>, vector<16xi32>,
          tpu.vector_store %arg11[%swap3A_398, %swap3A_399], %get3A_397 {strides = array<i32>} : memref<16x128xi32, #tpu.memory_space<vmem>>, vector<16xi32>,
          %mul3A_401 = arith.constant 128 : i32
          %mul3A_402 = arith.muli %while3A_385, %mul3A_401 : i32
          %add3A_403 = arith.constant 16 : i32
          %add3A_404 = arith.addi %mul3A_402, %add3A_403 : i32
          %get3A_405 = arith.index_cast %add3A_404 : i32 to index
          %get3A_406 = tpu.vector_load %arg9[%get3A_405] {strides = array<i32>} : memref<2256xi32, #tpu.memory_space<vmem>>, vector<16xi32>,
          %swap3A_407 = arith.index_cast %while3A_385 : i32 to index
          %swap3A_408 = arith.constant 16 : index
          %swap3A_409 = tpu.vector_load %arg11[%swap3A_407, %swap3A_408] {strides = array<i32>} : memref<16x128xi32, #tpu.memory_space<vmem>>, vector<16xi32>,
          tpu.vector_store %arg11[%swap3A_407, %swap3A_408], %get3A_406 {strides = array<i32>} : memref<16x128xi32, #tpu.memory_space<vmem>>, vector<16xi32>,
          %mul3A_410 = arith.constant 128 : i32
          %mul3A_411 = arith.muli %while3A_385, %mul3A_410 : i32
          %add3A_412 = arith.constant 32 : i32
          %add3A_413 = arith.addi %mul3A_411, %add3A_412 : i32
          %get3A_414 = arith.index_cast %add3A_413 : i32 to index
          %get3A_415 = tpu.vector_load %arg9[%get3A_414] {strides = array<i32>} : memref<2256xi32, #tpu.memory_space<vmem>>, vector<16xi32>,
          %swap3A_416 = arith.index_cast %while3A_385 : i32 to index
          %swap3A_417 = arith.constant 32 : index
          %swap3A_418 = tpu.vector_load %arg11[%swap3A_416, %swap3A_417] {strides = array<i32>} : memref<16x128xi32, #tpu.memory_space<vmem>>, vector<16xi32>,
          tpu.vector_store %arg11[%swap3A_416, %swap3A_417], %get3A_415 {strides = array<i32>} : memref<16x128xi32, #tpu.memory_space<vmem>>, vector<16xi32>,
          %mul3A_419 = arith.constant 128 : i32
          %mul3A_420 = arith.muli %while3A_385, %mul3A_419 : i32
          %add3A_421 = arith.constant 48 : i32
          %add3A_422 = arith.addi %mul3A_420, %add3A_421 : i32
          %get3A_423 = arith.index_cast %add3A_422 : i32 to index
          %get3A_424 = tpu.vector_load %arg9[%get3A_423] {strides = array<i32>} : memref<2256xi32, #tpu.memory_space<vmem>>, vector<16xi32>,
          %swap3A_425 = arith.index_cast %while3A_385 : i32 to index
          %swap3A_426 = arith.constant 48 : index
          %swap3A_427 = tpu.vector_load %arg11[%swap3A_425, %swap3A_426] {strides = array<i32>} : memref<16x128xi32, #tpu.memory_space<vmem>>, vector<16xi32>,
          tpu.vector_store %arg11[%swap3A_425, %swap3A_426], %get3A_424 {strides = array<i32>} : memref<16x128xi32, #tpu.memory_space<vmem>>, vector<16xi32>,
          %mul3A_428 = arith.constant 128 : i32
          %mul3A_429 = arith.muli %while3A_385, %mul3A_428 : i32
          %add3A_430 = arith.constant 64 : i32
          %add3A_431 = arith.addi %mul3A_429, %add3A_430 : i32
          %get3A_432 = arith.index_cast %add3A_431 : i32 to index
          %get3A_433 = tpu.vector_load %arg9[%get3A_432] {strides = array<i32>} : memref<2256xi32, #tpu.memory_space<vmem>>, vector<16xi32>,
          %swap3A_434 = arith.index_cast %while3A_385 : i32 to index
          %swap3A_435 = arith.constant 64 : index
          %swap3A_436 = tpu.vector_load %arg11[%swap3A_434, %swap3A_435] {strides = array<i32>} : memref<16x128xi32, #tpu.memory_space<vmem>>, vector<16xi32>,
          tpu.vector_store %arg11[%swap3A_434, %swap3A_435], %get3A_433 {strides = array<i32>} : memref<16x128xi32, #tpu.memory_space<vmem>>, vector<16xi32>,
          %mul3A_437 = arith.constant 128 : i32
          %mul3A_438 = arith.muli %while3A_385, %mul3A_437 : i32
          %add3A_439 = arith.constant 80 : i32
          %add3A_440 = arith.addi %mul3A_438, %add3A_439 : i32
          %get3A_441 = arith.index_cast %add3A_440 : i32 to index
          %get3A_442 = tpu.vector_load %arg9[%get3A_441] {strides = array<i32>} : memref<2256xi32, #tpu.memory_space<vmem>>, vector<16xi32>,
          %swap3A_443 = arith.index_cast %while3A_385 : i32 to index
          %swap3A_444 = arith.constant 80 : index
          %swap3A_445 = tpu.vector_load %arg11[%swap3A_443, %swap3A_444] {strides = array<i32>} : memref<16x128xi32, #tpu.memory_space<vmem>>, vector<16xi32>,
          tpu.vector_store %arg11[%swap3A_443, %swap3A_444], %get3A_442 {strides = array<i32>} : memref<16x128xi32, #tpu.memory_space<vmem>>, vector<16xi32>,
          %mul3A_446 = arith.constant 128 : i32
          %mul3A_447 = arith.muli %while3A_385, %mul3A_446 : i32
          %add3A_448 = arith.constant 96 : i32
          %add3A_449 = arith.addi %mul3A_447, %add3A_448 : i32
          %get3A_450 = arith.index_cast %add3A_449 : i32 to index
          %get3A_451 = tpu.vector_load %arg9[%get3A_450] {strides = array<i32>} : memref<2256xi32, #tpu.memory_space<vmem>>, vector<16xi32>,
          %swap3A_452 = arith.index_cast %while3A_385 : i32 to index
          %swap3A_453 = arith.constant 96 : index
          %swap3A_454 = tpu.vector_load %arg11[%swap3A_452, %swap3A_453] {strides = array<i32>} : memref<16x128xi32, #tpu.memory_space<vmem>>, vector<16xi32>,
          tpu.vector_store %arg11[%swap3A_452, %swap3A_453], %get3A_451 {strides = array<i32>} : memref<16x128xi32, #tpu.memory_space<vmem>>, vector<16xi32>,
          %mul3A_455 = arith.constant 128 : i32
          %mul3A_456 = arith.muli %while3A_385, %mul3A_455 : i32
          %add3A_457 = arith.constant 112 : i32
          %add3A_458 = arith.addi %mul3A_456, %add3A_457 : i32
          %get3A_459 = arith.index_cast %add3A_458 : i32 to index
          %get3A_460 = tpu.vector_load %arg9[%get3A_459] {strides = array<i32>} : memref<2256xi32, #tpu.memory_space<vmem>>, vector<16xi32>,
          %swap3A_461 = arith.index_cast %while3A_385 : i32 to index
          %swap3A_462 = arith.constant 112 : index
          %swap3A_463 = tpu.vector_load %arg11[%swap3A_461, %swap3A_462] {strides = array<i32>} : memref<16x128xi32, #tpu.memory_space<vmem>>, vector<16xi32>,
          tpu.vector_store %arg11[%swap3A_461, %swap3A_462], %get3A_460 {strides = array<i32>} : memref<16x128xi32, #tpu.memory_space<vmem>>, vector<16xi32>,
          %dma_wait3A_464 = tpu.memref_slice %arg10[%mul3A_387] : memref<2256xi32, #tpu.memory_space<vmem>> -> memref<128xi32, #tpu.memory_space<vmem>>
          %dma_wait3A_465 = arith.constant 0 : i32
          %dma_wait3A_466 = arith.constant 0 : i32
          %dma_wait3A_467 = tpu.memref_slice %arg2[%dma_wait3A_465, %dma_wait3A_466] : memref<100000x80xf32, #tpu.memory_space<hbm>> -> memref<100000x80xf32, #tpu.memory_space<hbm>>
          tpu.wait_indirect_dma semaphore(%arg14 : memref<!tpu.dma_semaphore, #tpu.memory_space<semaphore_mem>>) src(%dma_wait3A_467 : memref<100000x80xf32, #tpu.memory_space<hbm>>) dst(%arg12 : memref<128x80xf32, #tpu.memory_space<vmem>>)
          "tpu.region"() ({
            %run_scoped3A = tpu.sem_alloc : memref<!tpu.dma_semaphore, #tpu.memory_space<semaphore_mem>>
            %dma_start3A_468 = arith.constant 0 : i32
            %dma_start3A_469 = tpu.memref_slice %arg11[%while3A_385, %dma_start3A_468] : memref<16x128xi32, #tpu.memory_space<vmem>> -> memref<1x128xi32, #tpu.memory_space<vmem>>
            %dma_start3A_470 = tpu.memref_squeeze %dma_start3A_469 : memref<1x128xi32, #tpu.memory_space<vmem>> -> memref<128xi32, #tpu.memory_space<vmem>>
            %dma_start3A_471 = arith.constant 0 : i32
            %dma_start3A_472 = arith.constant 0 : i32
            %dma_start3A_473 = tpu.memref_slice %arg13[%dma_start3A_471, %dma_start3A_472] : memref<20480x80xf32, #tpu.memory_space<vmem_shared>> -> memref<20480x80xf32, #tpu.memory_space<vmem_shared>>
            tpu.enqueue_indirect_dma source(%arg12 : memref<128x80xf32, #tpu.memory_space<vmem>>) target(%dma_start3A_473 : memref<20480x80xf32, #tpu.memory_space<vmem_shared>>) offsets(%dma_start3A_470 : memref<128xi32, #tpu.memory_space<vmem>>) semaphore(%run_scoped3A : memref<!tpu.dma_semaphore, #tpu.memory_space<semaphore_mem>>) {add = true}
            %dma_wait3A_474 = arith.constant 0 : i32
            %dma_wait3A_475 = tpu.memref_slice %arg11[%while3A_385, %dma_wait3A_474] : memref<16x128xi32, #tpu.memory_space<vmem>> -> memref<1x128xi32, #tpu.memory_space<vmem>>
            %dma_wait3A_476 = tpu.memref_squeeze %dma_wait3A_475 : memref<1x128xi32, #tpu.memory_space<vmem>> -> memref<128xi32, #tpu.memory_space<vmem>>
            %dma_wait3A_477 = arith.constant 0 : i32
            %dma_wait3A_478 = arith.constant 0 : i32
            %dma_wait3A_479 = tpu.memref_slice %arg13[%dma_wait3A_477, %dma_wait3A_478] : memref<20480x80xf32, #tpu.memory_space<vmem_shared>> -> memref<20480x80xf32, #tpu.memory_space<vmem_shared>>
            tpu.wait_indirect_dma semaphore(%run_scoped3A : memref<!tpu.dma_semaphore, #tpu.memory_space<semaphore_mem>>) src(%arg12 : memref<128x80xf32, #tpu.memory_space<vmem>>) dst(%dma_wait3A_479 : memref<20480x80xf32, #tpu.memory_space<vmem_shared>>)
            tpu.yield
          }) : () -> ()
        }
        %while3A_254 = arith.constant 1 : i32
        scf.for %while3A_385 = %while3A_252 to %while3A_248 step %while3A_254  : i32 {
          %mul3A_386 = arith.constant 128 : i32
          %mul3A_387 = arith.muli %while3A_385, %mul3A_386 : i32
          %dma_start3A_388 = tpu.memref_slice %arg10[%mul3A_387] : memref<2256xi32, #tpu.memory_space<vmem>> -> memref<128xi32, #tpu.memory_space<vmem>>
          %dma_start3A_389 = arith.constant 0 : i32
          %dma_start3A_390 = arith.constant 0 : i32
          %dma_start3A_391 = tpu.memref_slice %arg2[%dma_start3A_389, %dma_start3A_390] : memref<100000x80xf32, #tpu.memory_space<hbm>> -> memref<100000x80xf32, #tpu.memory_space<hbm>>
          tpu.enqueue_indirect_dma source(%dma_start3A_391 : memref<100000x80xf32, #tpu.memory_space<hbm>>) target(%arg12 : memref<128x80xf32, #tpu.memory_space<vmem>>) offsets(%dma_start3A_388 : memref<128xi32, #tpu.memory_space<vmem>>) semaphore(%arg14 : memref<!tpu.dma_semaphore, #tpu.memory_space<semaphore_mem>>)
          %mul3A_392 = arith.constant 128 : i32
          %mul3A_393 = arith.muli %while3A_385, %mul3A_392 : i32
          %add3A_394 = arith.constant 0 : i32
          %add3A_395 = arith.addi %mul3A_393, %add3A_394 : i32
          %get3A_396 = arith.index_cast %add3A_395 : i32 to index
          %get3A_397 = tpu.vector_load %arg9[%get3A_396] {strides = array<i32>} : memref<2256xi32, #tpu.memory_space<vmem>>, vector<16xi32>,
          %swap3A_398 = arith.index_cast %while3A_385 : i32 to index
          %swap3A_399 = arith.constant 0 : index
          %swap3A_400 = tpu.vector_load %arg11[%swap3A_398, %swap3A_399] {strides = array<i32>} : memref<16x128xi32, #tpu.memory_space<vmem>>, vector<16xi32>,
          tpu.vector_store %arg11[%swap3A_398, %swap3A_399], %get3A_397 {strides = array<i32>} : memref<16x128xi32, #tpu.memory_space<vmem>>, vector<16xi32>,
          %mul3A_401 = arith.constant 128 : i32
          %mul3A_402 = arith.muli %while3A_385, %mul3A_401 : i32
          %add3A_403 = arith.constant 16 : i32
          %add3A_404 = arith.addi %mul3A_402, %add3A_403 : i32
          %get3A_405 = arith.index_cast %add3A_404 : i32 to index
          %get3A_406 = tpu.vector_load %arg9[%get3A_405] {strides = array<i32>} : memref<2256xi32, #tpu.memory_space<vmem>>, vector<16xi32>,
          %swap3A_407 = arith.index_cast %while3A_385 : i32 to index
          %swap3A_408 = arith.constant 16 : index
          %swap3A_409 = tpu.vector_load %arg11[%swap3A_407, %swap3A_408] {strides = array<i32>} : memref<16x128xi32, #tpu.memory_space<vmem>>, vector<16xi32>,
          tpu.vector_store %arg11[%swap3A_407, %swap3A_408], %get3A_406 {strides = array<i32>} : memref<16x128xi32, #tpu.memory_space<vmem>>, vector<16xi32>,
          %mul3A_410 = arith.constant 128 : i32
          %mul3A_411 = arith.muli %while3A_385, %mul3A_410 : i32
          %add3A_412 = arith.constant 32 : i32
          %add3A_413 = arith.addi %mul3A_411, %add3A_412 : i32
          %get3A_414 = arith.index_cast %add3A_413 : i32 to index
          %get3A_415 = tpu.vector_load %arg9[%get3A_414] {strides = array<i32>} : memref<2256xi32, #tpu.memory_space<vmem>>, vector<16xi32>,
          %swap3A_416 = arith.index_cast %while3A_385 : i32 to index
          %swap3A_417 = arith.constant 32 : index
          %swap3A_418 = tpu.vector_load %arg11[%swap3A_416, %swap3A_417] {strides = array<i32>} : memref<16x128xi32, #tpu.memory_space<vmem>>, vector<16xi32>,
          tpu.vector_store %arg11[%swap3A_416, %swap3A_417], %get3A_415 {strides = array<i32>} : memref<16x128xi32, #tpu.memory_space<vmem>>, vector<16xi32>,
          %mul3A_419 = arith.constant 128 : i32
          %mul3A_420 = arith.muli %while3A_385, %mul3A_419 : i32
          %add3A_421 = arith.constant 48 : i32
          %add3A_422 = arith.addi %mul3A_420, %add3A_421 : i32
          %get3A_423 = arith.index_cast %add3A_422 : i32 to index
          %get3A_424 = tpu.vector_load %arg9[%get3A_423] {strides = array<i32>} : memref<2256xi32, #tpu.memory_space<vmem>>, vector<16xi32>,
          %swap3A_425 = arith.index_cast %while3A_385 : i32 to index
          %swap3A_426 = arith.constant 48 : index
          %swap3A_427 = tpu.vector_load %arg11[%swap3A_425, %swap3A_426] {strides = array<i32>} : memref<16x128xi32, #tpu.memory_space<vmem>>, vector<16xi32>,
          tpu.vector_store %arg11[%swap3A_425, %swap3A_426], %get3A_424 {strides = array<i32>} : memref<16x128xi32, #tpu.memory_space<vmem>>, vector<16xi32>,
          %mul3A_428 = arith.constant 128 : i32
          %mul3A_429 = arith.muli %while3A_385, %mul3A_428 : i32
          %add3A_430 = arith.constant 64 : i32
          %add3A_431 = arith.addi %mul3A_429, %add3A_430 : i32
          %get3A_432 = arith.index_cast %add3A_431 : i32 to index
          %get3A_433 = tpu.vector_load %arg9[%get3A_432] {strides = array<i32>} : memref<2256xi32, #tpu.memory_space<vmem>>, vector<16xi32>,
          %swap3A_434 = arith.index_cast %while3A_385 : i32 to index
          %swap3A_435 = arith.constant 64 : index
          %swap3A_436 = tpu.vector_load %arg11[%swap3A_434, %swap3A_435] {strides = array<i32>} : memref<16x128xi32, #tpu.memory_space<vmem>>, vector<16xi32>,
          tpu.vector_store %arg11[%swap3A_434, %swap3A_435], %get3A_433 {strides = array<i32>} : memref<16x128xi32, #tpu.memory_space<vmem>>, vector<16xi32>,
          %mul3A_437 = arith.constant 128 : i32
          %mul3A_438 = arith.muli %while3A_385, %mul3A_437 : i32
          %add3A_439 = arith.constant 80 : i32
          %add3A_440 = arith.addi %mul3A_438, %add3A_439 : i32
          %get3A_441 = arith.index_cast %add3A_440 : i32 to index
          %get3A_442 = tpu.vector_load %arg9[%get3A_441] {strides = array<i32>} : memref<2256xi32, #tpu.memory_space<vmem>>, vector<16xi32>,
          %swap3A_443 = arith.index_cast %while3A_385 : i32 to index
          %swap3A_444 = arith.constant 80 : index
          %swap3A_445 = tpu.vector_load %arg11[%swap3A_443, %swap3A_444] {strides = array<i32>} : memref<16x128xi32, #tpu.memory_space<vmem>>, vector<16xi32>,
          tpu.vector_store %arg11[%swap3A_443, %swap3A_444], %get3A_442 {strides = array<i32>} : memref<16x128xi32, #tpu.memory_space<vmem>>, vector<16xi32>,
          %mul3A_446 = arith.constant 128 : i32
          %mul3A_447 = arith.muli %while3A_385, %mul3A_446 : i32
          %add3A_448 = arith.constant 96 : i32
          %add3A_449 = arith.addi %mul3A_447, %add3A_448 : i32
          %get3A_450 = arith.index_cast %add3A_449 : i32 to index
          %get3A_451 = tpu.vector_load %arg9[%get3A_450] {strides = array<i32>} : memref<2256xi32, #tpu.memory_space<vmem>>, vector<16xi32>,
          %swap3A_452 = arith.index_cast %while3A_385 : i32 to index
          %swap3A_453 = arith.constant 96 : index
          %swap3A_454 = tpu.vector_load %arg11[%swap3A_452, %swap3A_453] {strides = array<i32>} : memref<16x128xi32, #tpu.memory_space<vmem>>, vector<16xi32>,
          tpu.vector_store %arg11[%swap3A_452, %swap3A_453], %get3A_451 {strides = array<i32>} : memref<16x128xi32, #tpu.memory_space<vmem>>, vector<16xi32>,
          %mul3A_455 = arith.constant 128 : i32
          %mul3A_456 = arith.muli %while3A_385, %mul3A_455 : i32
          %add3A_457 = arith.constant 112 : i32
          %add3A_458 = arith.addi %mul3A_456, %add3A_457 : i32
          %get3A_459 = arith.index_cast %add3A_458 : i32 to index
          %get3A_460 = tpu.vector_load %arg9[%get3A_459] {strides = array<i32>} : memref<2256xi32, #tpu.memory_space<vmem>>, vector<16xi32>,
          %swap3A_461 = arith.index_cast %while3A_385 : i32 to index
          %swap3A_462 = arith.constant 112 : index
          %swap3A_463 = tpu.vector_load %arg11[%swap3A_461, %swap3A_462] {strides = array<i32>} : memref<16x128xi32, #tpu.memory_space<vmem>>, vector<16xi32>,
          tpu.vector_store %arg11[%swap3A_461, %swap3A_462], %get3A_460 {strides = array<i32>} : memref<16x128xi32, #tpu.memory_space<vmem>>, vector<16xi32>,
          %dma_wait3A_464 = tpu.memref_slice %arg10[%mul3A_387] : memref<2256xi32, #tpu.memory_space<vmem>> -> memref<128xi32, #tpu.memory_space<vmem>>
          %dma_wait3A_465 = arith.constant 0 : i32
          %dma_wait3A_466 = arith.constant 0 : i32
          %dma_wait3A_467 = tpu.memref_slice %arg2[%dma_wait3A_465, %dma_wait3A_466] : memref<100000x80xf32, #tpu.memory_space<hbm>> -> memref<100000x80xf32, #tpu.memory_space<hbm>>
          tpu.wait_indirect_dma semaphore(%arg14 : memref<!tpu.dma_semaphore, #tpu.memory_space<semaphore_mem>>) src(%dma_wait3A_467 : memref<100000x80xf32, #tpu.memory_space<hbm>>) dst(%arg12 : memref<128x80xf32, #tpu.memory_space<vmem>>)
          "tpu.region"() ({
            %run_scoped3A = tpu.sem_alloc : memref<!tpu.dma_semaphore, #tpu.memory_space<semaphore_mem>>
            %dma_start3A_468 = arith.constant 0 : i32
            %dma_start3A_469 = tpu.memref_slice %arg11[%while3A_385, %dma_start3A_468] : memref<16x128xi32, #tpu.memory_space<vmem>> -> memref<1x128xi32, #tpu.memory_space<vmem>>
            %dma_start3A_470 = tpu.memref_squeeze %dma_start3A_469 : memref<1x128xi32, #tpu.memory_space<vmem>> -> memref<128xi32, #tpu.memory_space<vmem>>
            %dma_start3A_471 = arith.constant 0 : i32
            %dma_start3A_472 = arith.constant 0 : i32
            %dma_start3A_473 = tpu.memref_slice %arg13[%dma_start3A_471, %dma_start3A_472] : memref<20480x80xf32, #tpu.memory_space<vmem_shared>> -> memref<20480x80xf32, #tpu.memory_space<vmem_shared>>
            tpu.enqueue_indirect_dma source(%arg12 : memref<128x80xf32, #tpu.memory_space<vmem>>) target(%dma_start3A_473 : memref<20480x80xf32, #tpu.memory_space<vmem_shared>>) offsets(%dma_start3A_470 : memref<128xi32, #tpu.memory_space<vmem>>) semaphore(%run_scoped3A : memref<!tpu.dma_semaphore, #tpu.memory_space<semaphore_mem>>) {add = true}
            %dma_wait3A_474 = arith.constant 0 : i32
            %dma_wait3A_475 = tpu.memref_slice %arg11[%while3A_385, %dma_wait3A_474] : memref<16x128xi32, #tpu.memory_space<vmem>> -> memref<1x128xi32, #tpu.memory_space<vmem>>
            %dma_wait3A_476 = tpu.memref_squeeze %dma_wait3A_475 : memref<1x128xi32, #tpu.memory_space<vmem>> -> memref<128xi32, #tpu.memory_space<vmem>>
            %dma_wait3A_477 = arith.constant 0 : i32
            %dma_wait3A_478 = arith.constant 0 : i32
            %dma_wait3A_479 = tpu.memref_slice %arg13[%dma_wait3A_477, %dma_wait3A_478] : memref<20480x80xf32, #tpu.memory_space<vmem_shared>> -> memref<20480x80xf32, #tpu.memory_space<vmem_shared>>
            tpu.wait_indirect_dma semaphore(%run_scoped3A : memref<!tpu.dma_semaphore, #tpu.memory_space<semaphore_mem>>) src(%arg12 : memref<128x80xf32, #tpu.memory_space<vmem>>) dst(%dma_wait3A_479 : memref<20480x80xf32, #tpu.memory_space<vmem_shared>>)
            tpu.yield
          }) : () -> ()
        }
        %mul3A_255 = arith.constant 128 : i32
        %mul3A_256 = arith.muli %select_n3A_244, %mul3A_255 : i32
        %add3A_257 = arith.constant 0 : i32
        %add3A_258 = arith.addi %mul3A_256, %add3A_257 : i32
        %get3A = arith.index_cast %add3A_258 : i32 to index
        %get3A_259 = tpu.vector_load %arg9[%get3A] {strides = array<i32>} : memref<2256xi32, #tpu.memory_space<vmem>>, vector<16xi32>,
        %swap3A_260 = arith.constant 0 : index
        %swap3A_261 = tpu.vector_load %arg9[%swap3A_260] {strides = array<i32>} : memref<2256xi32, #tpu.memory_space<vmem>>, vector<16xi32>,
        tpu.vector_store %arg9[%swap3A_260], %get3A_259 {strides = array<i32>} : memref<2256xi32, #tpu.memory_space<vmem>>, vector<16xi32>,
        %mul3A_262 = arith.constant 128 : i32
        %mul3A_263 = arith.muli %select_n3A_244, %mul3A_262 : i32
        %add3A_264 = arith.constant 0 : i32
        %add3A_265 = arith.addi %mul3A_263, %add3A_264 : i32
        %get3A_266 = arith.index_cast %add3A_265 : i32 to index
        %get3A_267 = tpu.vector_load %arg10[%get3A_266] {strides = array<i32>} : memref<2256xi32, #tpu.memory_space<vmem>>, vector<16xi32>,
        %swap3A_268 = arith.constant 0 : index
        %swap3A_269 = tpu.vector_load %arg10[%swap3A_268] {strides = array<i32>} : memref<2256xi32, #tpu.memory_space<vmem>>, vector<16xi32>,
        tpu.vector_store %arg10[%swap3A_268], %get3A_267 {strides = array<i32>} : memref<2256xi32, #tpu.memory_space<vmem>>, vector<16xi32>,
        %mul3A_270 = arith.constant 128 : i32
        %mul3A_271 = arith.muli %select_n3A_244, %mul3A_270 : i32
        %add3A_272 = arith.constant 16 : i32
        %add3A_273 = arith.addi %mul3A_271, %add3A_272 : i32
        %get3A_274 = arith.index_cast %add3A_273 : i32 to index
        %get3A_275 = tpu.vector_load %arg9[%get3A_274] {strides = array<i32>} : memref<2256xi32, #tpu.memory_space<vmem>>, vector<16xi32>,
        %swap3A_276 = arith.constant 16 : index
        %swap3A_277 = tpu.vector_load %arg9[%swap3A_276] {strides = array<i32>} : memref<2256xi32, #tpu.memory_space<vmem>>, vector<16xi32>,
        tpu.vector_store %arg9[%swap3A_276], %get3A_275 {strides = array<i32>} : memref<2256xi32, #tpu.memory_space<vmem>>, vector<16xi32>,
        %mul3A_278 = arith.constant 128 : i32
        %mul3A_279 = arith.muli %select_n3A_244, %mul3A_278 : i32
        %add3A_280 = arith.constant 16 : i32
        %add3A_281 = arith.addi %mul3A_279, %add3A_280 : i32
        %get3A_282 = arith.index_cast %add3A_281 : i32 to index
        %get3A_283 = tpu.vector_load %arg10[%get3A_282] {strides = array<i32>} : memref<2256xi32, #tpu.memory_space<vmem>>, vector<16xi32>,
        %swap3A_284 = arith.constant 16 : index
        %swap3A_285 = tpu.vector_load %arg10[%swap3A_284] {strides = array<i32>} : memref<2256xi32, #tpu.memory_space<vmem>>, vector<16xi32>,
        tpu.vector_store %arg10[%swap3A_284], %get3A_283 {strides = array<i32>} : memref<2256xi32, #tpu.memory_space<vmem>>, vector<16xi32>,
        %mul3A_286 = arith.constant 128 : i32
        %mul3A_287 = arith.muli %select_n3A_244, %mul3A_286 : i32
        %add3A_288 = arith.constant 32 : i32
        %add3A_289 = arith.addi %mul3A_287, %add3A_288 : i32
        %get3A_290 = arith.index_cast %add3A_289 : i32 to index
        %get3A_291 = tpu.vector_load %arg9[%get3A_290] {strides = array<i32>} : memref<2256xi32, #tpu.memory_space<vmem>>, vector<16xi32>,
        %swap3A_292 = arith.constant 32 : index
        %swap3A_293 = tpu.vector_load %arg9[%swap3A_292] {strides = array<i32>} : memref<2256xi32, #tpu.memory_space<vmem>>, vector<16xi32>,
        tpu.vector_store %arg9[%swap3A_292], %get3A_291 {strides = array<i32>} : memref<2256xi32, #tpu.memory_space<vmem>>, vector<16xi32>,
        %mul3A_294 = arith.constant 128 : i32
        %mul3A_295 = arith.muli %select_n3A_244, %mul3A_294 : i32
        %add3A_296 = arith.constant 32 : i32
        %add3A_297 = arith.addi %mul3A_295, %add3A_296 : i32
        %get3A_298 = arith.index_cast %add3A_297 : i32 to index
        %get3A_299 = tpu.vector_load %arg10[%get3A_298] {strides = array<i32>} : memref<2256xi32, #tpu.memory_space<vmem>>, vector<16xi32>,
        %swap3A_300 = arith.constant 32 : index
        %swap3A_301 = tpu.vector_load %arg10[%swap3A_300] {strides = array<i32>} : memref<2256xi32, #tpu.memory_space<vmem>>, vector<16xi32>,
        tpu.vector_store %arg10[%swap3A_300], %get3A_299 {strides = array<i32>} : memref<2256xi32, #tpu.memory_space<vmem>>, vector<16xi32>,
        %mul3A_302 = arith.constant 128 : i32
        %mul3A_303 = arith.muli %select_n3A_244, %mul3A_302 : i32
        %add3A_304 = arith.constant 48 : i32
        %add3A_305 = arith.addi %mul3A_303, %add3A_304 : i32
        %get3A_306 = arith.index_cast %add3A_305 : i32 to index
        %get3A_307 = tpu.vector_load %arg9[%get3A_306] {strides = array<i32>} : memref<2256xi32, #tpu.memory_space<vmem>>, vector<16xi32>,
        %swap3A_308 = arith.constant 48 : index
        %swap3A_309 = tpu.vector_load %arg9[%swap3A_308] {strides = array<i32>} : memref<2256xi32, #tpu.memory_space<vmem>>, vector<16xi32>,
        tpu.vector_store %arg9[%swap3A_308], %get3A_307 {strides = array<i32>} : memref<2256xi32, #tpu.memory_space<vmem>>, vector<16xi32>,
        %mul3A_310 = arith.constant 128 : i32
        %mul3A_311 = arith.muli %select_n3A_244, %mul3A_310 : i32
        %add3A_312 = arith.constant 48 : i32
        %add3A_313 = arith.addi %mul3A_311, %add3A_312 : i32
        %get3A_314 = arith.index_cast %add3A_313 : i32 to index
        %get3A_315 = tpu.vector_load %arg10[%get3A_314] {strides = array<i32>} : memref<2256xi32, #tpu.memory_space<vmem>>, vector<16xi32>,
        %swap3A_316 = arith.constant 48 : index
        %swap3A_317 = tpu.vector_load %arg10[%swap3A_316] {strides = array<i32>} : memref<2256xi32, #tpu.memory_space<vmem>>, vector<16xi32>,
        tpu.vector_store %arg10[%swap3A_316], %get3A_315 {strides = array<i32>} : memref<2256xi32, #tpu.memory_space<vmem>>, vector<16xi32>,
        %mul3A_318 = arith.constant 128 : i32
        %mul3A_319 = arith.muli %select_n3A_244, %mul3A_318 : i32
        %add3A_320 = arith.constant 64 : i32
        %add3A_321 = arith.addi %mul3A_319, %add3A_320 : i32
        %get3A_322 = arith.index_cast %add3A_321 : i32 to index
        %get3A_323 = tpu.vector_load %arg9[%get3A_322] {strides = array<i32>} : memref<2256xi32, #tpu.memory_space<vmem>>, vector<16xi32>,
        %swap3A_324 = arith.constant 64 : index
        %swap3A_325 = tpu.vector_load %arg9[%swap3A_324] {strides = array<i32>} : memref<2256xi32, #tpu.memory_space<vmem>>, vector<16xi32>,
        tpu.vector_store %arg9[%swap3A_324], %get3A_323 {strides = array<i32>} : memref<2256xi32, #tpu.memory_space<vmem>>, vector<16xi32>,
        %mul3A_326 = arith.constant 128 : i32
        %mul3A_327 = arith.muli %select_n3A_244, %mul3A_326 : i32
        %add3A_328 = arith.constant 64 : i32
        %add3A_329 = arith.addi %mul3A_327, %add3A_328 : i32
        %get3A_330 = arith.index_cast %add3A_329 : i32 to index
        %get3A_331 = tpu.vector_load %arg10[%get3A_330] {strides = array<i32>} : memref<2256xi32, #tpu.memory_space<vmem>>, vector<16xi32>,
        %swap3A_332 = arith.constant 64 : index
        %swap3A_333 = tpu.vector_load %arg10[%swap3A_332] {strides = array<i32>} : memref<2256xi32, #tpu.memory_space<vmem>>, vector<16xi32>,
        tpu.vector_store %arg10[%swap3A_332], %get3A_331 {strides = array<i32>} : memref<2256xi32, #tpu.memory_space<vmem>>, vector<16xi32>,
        %mul3A_334 = arith.constant 128 : i32
        %mul3A_335 = arith.muli %select_n3A_244, %mul3A_334 : i32
        %add3A_336 = arith.constant 80 : i32
        %add3A_337 = arith.addi %mul3A_335, %add3A_336 : i32
        %get3A_338 = arith.index_cast %add3A_337 : i32 to index
        %get3A_339 = tpu.vector_load %arg9[%get3A_338] {strides = array<i32>} : memref<2256xi32, #tpu.memory_space<vmem>>, vector<16xi32>,
        %swap3A_340 = arith.constant 80 : index
        %swap3A_341 = tpu.vector_load %arg9[%swap3A_340] {strides = array<i32>} : memref<2256xi32, #tpu.memory_space<vmem>>, vector<16xi32>,
        tpu.vector_store %arg9[%swap3A_340], %get3A_339 {strides = array<i32>} : memref<2256xi32, #tpu.memory_space<vmem>>, vector<16xi32>,
        %mul3A_342 = arith.constant 128 : i32
        %mul3A_343 = arith.muli %select_n3A_244, %mul3A_342 : i32
        %add3A_344 = arith.constant 80 : i32
        %add3A_345 = arith.addi %mul3A_343, %add3A_344 : i32
        %get3A_346 = arith.index_cast %add3A_345 : i32 to index
        %get3A_347 = tpu.vector_load %arg10[%get3A_346] {strides = array<i32>} : memref<2256xi32, #tpu.memory_space<vmem>>, vector<16xi32>,
        %swap3A_348 = arith.constant 80 : index
        %swap3A_349 = tpu.vector_load %arg10[%swap3A_348] {strides = array<i32>} : memref<2256xi32, #tpu.memory_space<vmem>>, vector<16xi32>,
        tpu.vector_store %arg10[%swap3A_348], %get3A_347 {strides = array<i32>} : memref<2256xi32, #tpu.memory_space<vmem>>, vector<16xi32>,
        %mul3A_350 = arith.constant 128 : i32
        %mul3A_351 = arith.muli %select_n3A_244, %mul3A_350 : i32
        %add3A_352 = arith.constant 96 : i32
        %add3A_353 = arith.addi %mul3A_351, %add3A_352 : i32
        %get3A_354 = arith.index_cast %add3A_353 : i32 to index
        %get3A_355 = tpu.vector_load %arg9[%get3A_354] {strides = array<i32>} : memref<2256xi32, #tpu.memory_space<vmem>>, vector<16xi32>,
        %swap3A_356 = arith.constant 96 : index
        %swap3A_357 = tpu.vector_load %arg9[%swap3A_356] {strides = array<i32>} : memref<2256xi32, #tpu.memory_space<vmem>>, vector<16xi32>,
        tpu.vector_store %arg9[%swap3A_356], %get3A_355 {strides = array<i32>} : memref<2256xi32, #tpu.memory_space<vmem>>, vector<16xi32>,
        %mul3A_358 = arith.constant 128 : i32
        %mul3A_359 = arith.muli %select_n3A_244, %mul3A_358 : i32
        %add3A_360 = arith.constant 96 : i32
        %add3A_361 = arith.addi %mul3A_359, %add3A_360 : i32
        %get3A_362 = arith.index_cast %add3A_361 : i32 to index
        %get3A_363 = tpu.vector_load %arg10[%get3A_362] {strides = array<i32>} : memref<2256xi32, #tpu.memory_space<vmem>>, vector<16xi32>,
        %swap3A_364 = arith.constant 96 : index
        %swap3A_365 = tpu.vector_load %arg10[%swap3A_364] {strides = array<i32>} : memref<2256xi32, #tpu.memory_space<vmem>>, vector<16xi32>,
        tpu.vector_store %arg10[%swap3A_364], %get3A_363 {strides = array<i32>} : memref<2256xi32, #tpu.memory_space<vmem>>, vector<16xi32>,
        %mul3A_366 = arith.constant 128 : i32
        %mul3A_367 = arith.muli %select_n3A_244, %mul3A_366 : i32
        %add3A_368 = arith.constant 112 : i32
        %add3A_369 = arith.addi %mul3A_367, %add3A_368 : i32
        %get3A_370 = arith.index_cast %add3A_369 : i32 to index
        %get3A_371 = tpu.vector_load %arg9[%get3A_370] {strides = array<i32>} : memref<2256xi32, #tpu.memory_space<vmem>>, vector<16xi32>,
        %swap3A_372 = arith.constant 112 : index
        %swap3A_373 = tpu.vector_load %arg9[%swap3A_372] {strides = array<i32>} : memref<2256xi32, #tpu.memory_space<vmem>>, vector<16xi32>,
        tpu.vector_store %arg9[%swap3A_372], %get3A_371 {strides = array<i32>} : memref<2256xi32, #tpu.memory_space<vmem>>, vector<16xi32>,
        %mul3A_374 = arith.constant 128 : i32
        %mul3A_375 = arith.muli %select_n3A_244, %mul3A_374 : i32
        %add3A_376 = arith.constant 112 : i32
        %add3A_377 = arith.addi %mul3A_375, %add3A_376 : i32
        %get3A_378 = arith.index_cast %add3A_377 : i32 to index
        %get3A_379 = tpu.vector_load %arg10[%get3A_378] {strides = array<i32>} : memref<2256xi32, #tpu.memory_space<vmem>>, vector<16xi32>,
        %swap3A_380 = arith.constant 112 : index
        %swap3A_381 = tpu.vector_load %arg10[%swap3A_380] {strides = array<i32>} : memref<2256xi32, #tpu.memory_space<vmem>>, vector<16xi32>,
        tpu.vector_store %arg10[%swap3A_380], %get3A_379 {strides = array<i32>} : memref<2256xi32, #tpu.memory_space<vmem>>, vector<16xi32>,
        %mul3A_382 = arith.constant 128 : i32
        %mul3A_383 = arith.muli %select_n3A_244, %mul3A_382 : i32
        %sub3A_384 = arith.subi %scan3A_219, %mul3A_383 : i32
        scf.yield %sub3A_384 : i32
      }
      %scan3A_42 = arith.constant 50 : i32
      %add3A_43 = arith.constant 20352 : i32
      %add3A_44 = vector.broadcast %add3A_43 : i32 to vector<16xi32>
      %add3A_45 = arith.addi %add3A_44, %iota3A : vector<16xi32>
      %add3A_46 = arith.constant 0 : i32
      %add3A_47 = arith.addi %scan3A_41, %add3A_46 : i32
      %swap3A = arith.index_cast %add3A_47 : i32 to index
      %swap3A_48 = tpu.vector_load %arg9[%swap3A] {strides = array<i32>} : memref<2256xi32, #tpu.memory_space<vmem>>, vector<16xi32>,
      tpu.vector_store %arg9[%swap3A], %add3A_45 {strides = array<i32>} : memref<2256xi32, #tpu.memory_space<vmem>>, vector<16xi32>,
      %add3A_49 = arith.constant 0 : i32
      %add3A_50 = vector.broadcast %add3A_49 : i32 to vector<16xi32>
      %add3A_51 = arith.addi %add3A_50, %iota3A : vector<16xi32>
      %add3A_52 = arith.constant 0 : i32
      %add3A_53 = arith.addi %scan3A_41, %add3A_52 : i32
      %swap3A_54 = arith.index_cast %add3A_53 : i32 to index
      %swap3A_55 = tpu.vector_load %arg10[%swap3A_54] {strides = array<i32>} : memref<2256xi32, #tpu.memory_space<vmem>>, vector<16xi32>,
      tpu.vector_store %arg10[%swap3A_54], %add3A_51 {strides = array<i32>} : memref<2256xi32, #tpu.memory_space<vmem>>, vector<16xi32>,
      %add3A_56 = arith.constant 20368 : i32
      %add3A_57 = vector.broadcast %add3A_56 : i32 to vector<16xi32>
      %add3A_58 = arith.addi %add3A_57, %iota3A : vector<16xi32>
      %add3A_59 = arith.constant 16 : i32
      %add3A_60 = arith.addi %scan3A_41, %add3A_59 : i32
      %swap3A_61 = arith.index_cast %add3A_60 : i32 to index
      %swap3A_62 = tpu.vector_load %arg9[%swap3A_61] {strides = array<i32>} : memref<2256xi32, #tpu.memory_space<vmem>>, vector<16xi32>,
      tpu.vector_store %arg9[%swap3A_61], %add3A_58 {strides = array<i32>} : memref<2256xi32, #tpu.memory_space<vmem>>, vector<16xi32>,
      %add3A_63 = arith.constant 16 : i32
      %add3A_64 = vector.broadcast %add3A_63 : i32 to vector<16xi32>
      %add3A_65 = arith.addi %add3A_64, %iota3A : vector<16xi32>
      %add3A_66 = arith.constant 16 : i32
      %add3A_67 = arith.addi %scan3A_41, %add3A_66 : i32
      %swap3A_68 = arith.index_cast %add3A_67 : i32 to index
      %swap3A_69 = tpu.vector_load %arg10[%swap3A_68] {strides = array<i32>} : memref<2256xi32, #tpu.memory_space<vmem>>, vector<16xi32>,
      tpu.vector_store %arg10[%swap3A_68], %add3A_65 {strides = array<i32>} : memref<2256xi32, #tpu.memory_space<vmem>>, vector<16xi32>,
      %add3A_70 = arith.constant 20384 : i32
      %add3A_71 = vector.broadcast %add3A_70 : i32 to vector<16xi32>
      %add3A_72 = arith.addi %add3A_71, %iota3A : vector<16xi32>
      %add3A_73 = arith.constant 32 : i32
      %add3A_74 = arith.addi %scan3A_41, %add3A_73 : i32
      %swap3A_75 = arith.index_cast %add3A_74 : i32 to index
      %swap3A_76 = tpu.vector_load %arg9[%swap3A_75] {strides = array<i32>} : memref<2256xi32, #tpu.memory_space<vmem>>, vector<16xi32>,
      tpu.vector_store %arg9[%swap3A_75], %add3A_72 {strides = array<i32>} : memref<2256xi32, #tpu.memory_space<vmem>>, vector<16xi32>,
      %add3A_77 = arith.constant 32 : i32
      %add3A_78 = vector.broadcast %add3A_77 : i32 to vector<16xi32>
      %add3A_79 = arith.addi %add3A_78, %iota3A : vector<16xi32>
      %add3A_80 = arith.constant 32 : i32
      %add3A_81 = arith.addi %scan3A_41, %add3A_80 : i32
      %swap3A_82 = arith.index_cast %add3A_81 : i32 to index
      %swap3A_83 = tpu.vector_load %arg10[%swap3A_82] {strides = array<i32>} : memref<2256xi32, #tpu.memory_space<vmem>>, vector<16xi32>,
      tpu.vector_store %arg10[%swap3A_82], %add3A_79 {strides = array<i32>} : memref<2256xi32, #tpu.memory_space<vmem>>, vector<16xi32>,
      %add3A_84 = arith.constant 20400 : i32
      %add3A_85 = vector.broadcast %add3A_84 : i32 to vector<16xi32>
      %add3A_86 = arith.addi %add3A_85, %iota3A : vector<16xi32>
      %add3A_87 = arith.constant 48 : i32
      %add3A_88 = arith.addi %scan3A_41, %add3A_87 : i32
      %swap3A_89 = arith.index_cast %add3A_88 : i32 to index
      %swap3A_90 = tpu.vector_load %arg9[%swap3A_89] {strides = array<i32>} : memref<2256xi32, #tpu.memory_space<vmem>>, vector<16xi32>,
      tpu.vector_store %arg9[%swap3A_89], %add3A_86 {strides = array<i32>} : memref<2256xi32, #tpu.memory_space<vmem>>, vector<16xi32>,
      %add3A_91 = arith.constant 48 : i32
      %add3A_92 = vector.broadcast %add3A_91 : i32 to vector<16xi32>
      %add3A_93 = arith.addi %add3A_92, %iota3A : vector<16xi32>
      %add3A_94 = arith.constant 48 : i32
      %add3A_95 = arith.addi %scan3A_41, %add3A_94 : i32
      %swap3A_96 = arith.index_cast %add3A_95 : i32 to index
      %swap3A_97 = tpu.vector_load %arg10[%swap3A_96] {strides = array<i32>} : memref<2256xi32, #tpu.memory_space<vmem>>, vector<16xi32>,
      tpu.vector_store %arg10[%swap3A_96], %add3A_93 {strides = array<i32>} : memref<2256xi32, #tpu.memory_space<vmem>>, vector<16xi32>,
      %add3A_98 = arith.constant 20416 : i32
      %add3A_99 = vector.broadcast %add3A_98 : i32 to vector<16xi32>
      %add3A_100 = arith.addi %add3A_99, %iota3A : vector<16xi32>
      %add3A_101 = arith.constant 64 : i32
      %add3A_102 = arith.addi %scan3A_41, %add3A_101 : i32
      %swap3A_103 = arith.index_cast %add3A_102 : i32 to index
      %swap3A_104 = tpu.vector_load %arg9[%swap3A_103] {strides = array<i32>} : memref<2256xi32, #tpu.memory_space<vmem>>, vector<16xi32>,
      tpu.vector_store %arg9[%swap3A_103], %add3A_100 {strides = array<i32>} : memref<2256xi32, #tpu.memory_space<vmem>>, vector<16xi32>,
      %add3A_105 = arith.constant 64 : i32
      %add3A_106 = vector.broadcast %add3A_105 : i32 to vector<16xi32>
      %add3A_107 = arith.addi %add3A_106, %iota3A : vector<16xi32>
      %add3A_108 = arith.constant 64 : i32
      %add3A_109 = arith.addi %scan3A_41, %add3A_108 : i32
      %swap3A_110 = arith.index_cast %add3A_109 : i32 to index
      %swap3A_111 = tpu.vector_load %arg10[%swap3A_110] {strides = array<i32>} : memref<2256xi32, #tpu.memory_space<vmem>>, vector<16xi32>,
      tpu.vector_store %arg10[%swap3A_110], %add3A_107 {strides = array<i32>} : memref<2256xi32, #tpu.memory_space<vmem>>, vector<16xi32>,
      %add3A_112 = arith.constant 20432 : i32
      %add3A_113 = vector.broadcast %add3A_112 : i32 to vector<16xi32>
      %add3A_114 = arith.addi %add3A_113, %iota3A : vector<16xi32>
      %add3A_115 = arith.constant 80 : i32
      %add3A_116 = arith.addi %scan3A_41, %add3A_115 : i32
      %swap3A_117 = arith.index_cast %add3A_116 : i32 to index
      %swap3A_118 = tpu.vector_load %arg9[%swap3A_117] {strides = array<i32>} : memref<2256xi32, #tpu.memory_space<vmem>>, vector<16xi32>,
      tpu.vector_store %arg9[%swap3A_117], %add3A_114 {strides = array<i32>} : memref<2256xi32, #tpu.memory_space<vmem>>, vector<16xi32>,
      %add3A_119 = arith.constant 80 : i32
      %add3A_120 = vector.broadcast %add3A_119 : i32 to vector<16xi32>
      %add3A_121 = arith.addi %add3A_120, %iota3A : vector<16xi32>
      %add3A_122 = arith.constant 80 : i32
      %add3A_123 = arith.addi %scan3A_41, %add3A_122 : i32
      %swap3A_124 = arith.index_cast %add3A_123 : i32 to index
      %swap3A_125 = tpu.vector_load %arg10[%swap3A_124] {strides = array<i32>} : memref<2256xi32, #tpu.memory_space<vmem>>, vector<16xi32>,
      tpu.vector_store %arg10[%swap3A_124], %add3A_121 {strides = array<i32>} : memref<2256xi32, #tpu.memory_space<vmem>>, vector<16xi32>,
      %add3A_126 = arith.constant 20448 : i32
      %add3A_127 = vector.broadcast %add3A_126 : i32 to vector<16xi32>
      %add3A_128 = arith.addi %add3A_127, %iota3A : vector<16xi32>
      %add3A_129 = arith.constant 96 : i32
      %add3A_130 = arith.addi %scan3A_41, %add3A_129 : i32
      %swap3A_131 = arith.index_cast %add3A_130 : i32 to index
      %swap3A_132 = tpu.vector_load %arg9[%swap3A_131] {strides = array<i32>} : memref<2256xi32, #tpu.memory_space<vmem>>, vector<16xi32>,
      tpu.vector_store %arg9[%swap3A_131], %add3A_128 {strides = array<i32>} : memref<2256xi32, #tpu.memory_space<vmem>>, vector<16xi32>,
      %add3A_133 = arith.constant 96 : i32
      %add3A_134 = vector.broadcast %add3A_133 : i32 to vector<16xi32>
      %add3A_135 = arith.addi %add3A_134, %iota3A : vector<16xi32>
      %add3A_136 = arith.constant 96 : i32
      %add3A_137 = arith.addi %scan3A_41, %add3A_136 : i32
      %swap3A_138 = arith.index_cast %add3A_137 : i32 to index
      %swap3A_139 = tpu.vector_load %arg10[%swap3A_138] {strides = array<i32>} : memref<2256xi32, #tpu.memory_space<vmem>>, vector<16xi32>,
      tpu.vector_store %arg10[%swap3A_138], %add3A_135 {strides = array<i32>} : memref<2256xi32, #tpu.memory_space<vmem>>, vector<16xi32>,
      %add3A_140 = arith.constant 20464 : i32
      %add3A_141 = vector.broadcast %add3A_140 : i32 to vector<16xi32>
      %add3A_142 = arith.addi %add3A_141, %iota3A : vector<16xi32>
      %add3A_143 = arith.constant 112 : i32
      %add3A_144 = arith.addi %scan3A_41, %add3A_143 : i32
      %swap3A_145 = arith.index_cast %add3A_144 : i32 to index
      %swap3A_146 = tpu.vector_load %arg9[%swap3A_145] {strides = array<i32>} : memref<2256xi32, #tpu.memory_space<vmem>>, vector<16xi32>,
      tpu.vector_store %arg9[%swap3A_145], %add3A_142 {strides = array<i32>} : memref<2256xi32, #tpu.memory_space<vmem>>, vector<16xi32>,
      %add3A_147 = arith.constant 112 : i32
      %add3A_148 = vector.broadcast %add3A_147 : i32 to vector<16xi32>
      %add3A_149 = arith.addi %add3A_148, %iota3A : vector<16xi32>
      %add3A_150 = arith.constant 112 : i32
      %add3A_151 = arith.addi %scan3A_41, %add3A_150 : i32
      %swap3A_152 = arith.index_cast %add3A_151 : i32 to index
      %swap3A_153 = tpu.vector_load %arg10[%swap3A_152] {strides = array<i32>} : memref<2256xi32, #tpu.memory_space<vmem>>, vector<16xi32>,
      tpu.vector_store %arg10[%swap3A_152], %add3A_149 {strides = array<i32>} : memref<2256xi32, #tpu.memory_space<vmem>>, vector<16xi32>,
      %add3A_154 = arith.constant 127 : i32
      %add3A_155 = arith.addi %scan3A_41, %add3A_154 : i32
      %jit3A = arith.constant 128 : i32
      %div3A = arith.divsi %add3A_155, %jit3A : i32
      %sign3A = arith.constant 0 : i32
      %sign3A_156 = arith.cmpi sgt, %add3A_155, %sign3A : i32
      %sign3A_157 = arith.extui %sign3A_156 : i1 to i32
      %sign3A_158 = arith.constant 0 : i32
      %sign3A_159 = arith.cmpi slt, %add3A_155, %sign3A_158 : i32
      %sign3A_160 = arith.extui %sign3A_159 : i1 to i32
      %sign3A_161 = arith.subi %sign3A_157, %sign3A_160 : i32
      %sign3A_162 = arith.constant 0 : i32
      %sign3A_163 = arith.cmpi sgt, %jit3A, %sign3A_162 : i32
      %sign3A_164 = arith.extui %sign3A_163 : i1 to i32
      %sign3A_165 = arith.constant 0 : i32
      %sign3A_166 = arith.cmpi slt, %jit3A, %sign3A_165 : i32
      %sign3A_167 = arith.extui %sign3A_166 : i1 to i32
      %sign3A_168 = arith.subi %sign3A_164, %sign3A_167 : i32
      %ne3A = arith.cmpi ne, %sign3A_161, %sign3A_168 : i32
      %rem3A = arith.remsi %add3A_155, %jit3A : i32
      %ne3A_169 = arith.constant 0 : i32
      %ne3A_170 = arith.cmpi ne, %rem3A, %ne3A_169 : i32
      %and3A = arith.andi %ne3A, %ne3A_170 : i1
      %sub3A = arith.constant 1 : i32
      %sub3A_171 = arith.subi %div3A, %sub3A : i32
      %select_n3A = arith.select %and3A, %sub3A_171, %div3A : i32
      %while3A = arith.constant 0 : i32
      %while3A_172 = arith.constant 0 : i32
      %while3A_173 = arith.subi %select_n3A, %while3A_172 : i32
      %while3A_174 = arith.addi %while3A_172, %while3A_173 : i32
      %while3A_175 = arith.constant 1 : i32
      %while3A_176 = arith.divsi %while3A_173, %while3A_175 : i32
      %while3A_177 = arith.muli %while3A_176, %while3A_175 : i32
      %while3A_178 = arith.addi %while3A_172, %while3A_177 : i32
      %while3A_179 = arith.constant 1 : i32
      scf.for %while3A_188 = %while3A_172 to %while3A_178 step %while3A_179  : i32 {
        %mul3A_189 = arith.constant 128 : i32
        %mul3A_190 = arith.muli %while3A_188, %mul3A_189 : i32
        %dma_start3A_191 = tpu.memref_slice %arg10[%mul3A_190] : memref<2256xi32, #tpu.memory_space<vmem>> -> memref<128xi32, #tpu.memory_space<vmem>>
        %dma_start3A_192 = arith.constant 0 : i32
        %dma_start3A_193 = arith.constant 0 : i32
        %dma_start3A_194 = tpu.memref_slice %arg2[%dma_start3A_192, %dma_start3A_193] : memref<100000x80xf32, #tpu.memory_space<hbm>> -> memref<100000x80xf32, #tpu.memory_space<hbm>>
        tpu.enqueue_indirect_dma source(%dma_start3A_194 : memref<100000x80xf32, #tpu.memory_space<hbm>>) target(%arg12 : memref<128x80xf32, #tpu.memory_space<vmem>>) offsets(%dma_start3A_191 : memref<128xi32, #tpu.memory_space<vmem>>) semaphore(%arg14 : memref<!tpu.dma_semaphore, #tpu.memory_space<semaphore_mem>>)
        %mul3A_195 = arith.constant 128 : i32
        %mul3A_196 = arith.muli %while3A_188, %mul3A_195 : i32
        %add3A_197 = arith.constant 0 : i32
        %add3A_198 = arith.addi %mul3A_196, %add3A_197 : i32
        %get3A = arith.index_cast %add3A_198 : i32 to index
        %get3A_199 = tpu.vector_load %arg9[%get3A] {strides = array<i32>} : memref<2256xi32, #tpu.memory_space<vmem>>, vector<16xi32>,
        %swap3A_200 = arith.index_cast %while3A_188 : i32 to index
        %swap3A_201 = arith.constant 0 : index
        %swap3A_202 = tpu.vector_load %arg11[%swap3A_200, %swap3A_201] {strides = array<i32>} : memref<16x128xi32, #tpu.memory_space<vmem>>, vector<16xi32>,
        tpu.vector_store %arg11[%swap3A_200, %swap3A_201], %get3A_199 {strides = array<i32>} : memref<16x128xi32, #tpu.memory_space<vmem>>, vector<16xi32>,
        %mul3A_203 = arith.constant 128 : i32
        %mul3A_204 = arith.muli %while3A_188, %mul3A_203 : i32
        %add3A_205 = arith.constant 16 : i32
        %add3A_206 = arith.addi %mul3A_204, %add3A_205 : i32
        %get3A_207 = arith.index_cast %add3A_206 : i32 to index
        %get3A_208 = tpu.vector_load %arg9[%get3A_207] {strides = array<i32>} : memref<2256xi32, #tpu.memory_space<vmem>>, vector<16xi32>,
        %swap3A_209 = arith.index_cast %while3A_188 : i32 to index
        %swap3A_210 = arith.constant 16 : index
        %swap3A_211 = tpu.vector_load %arg11[%swap3A_209, %swap3A_210] {strides = array<i32>} : memref<16x128xi32, #tpu.memory_space<vmem>>, vector<16xi32>,
        tpu.vector_store %arg11[%swap3A_209, %swap3A_210], %get3A_208 {strides = array<i32>} : memref<16x128xi32, #tpu.memory_space<vmem>>, vector<16xi32>,
        %mul3A_212 = arith.constant 128 : i32
        %mul3A_213 = arith.muli %while3A_188, %mul3A_212 : i32
        %add3A_214 = arith.constant 32 : i32
        %add3A_215 = arith.addi %mul3A_213, %add3A_214 : i32
        %get3A_216 = arith.index_cast %add3A_215 : i32 to index
        %get3A_217 = tpu.vector_load %arg9[%get3A_216] {strides = array<i32>} : memref<2256xi32, #tpu.memory_space<vmem>>, vector<16xi32>,
        %swap3A_218 = arith.index_cast %while3A_188 : i32 to index
        %swap3A_219 = arith.constant 32 : index
        %swap3A_220 = tpu.vector_load %arg11[%swap3A_218, %swap3A_219] {strides = array<i32>} : memref<16x128xi32, #tpu.memory_space<vmem>>, vector<16xi32>,
        tpu.vector_store %arg11[%swap3A_218, %swap3A_219], %get3A_217 {strides = array<i32>} : memref<16x128xi32, #tpu.memory_space<vmem>>, vector<16xi32>,
        %mul3A_221 = arith.constant 128 : i32
        %mul3A_222 = arith.muli %while3A_188, %mul3A_221 : i32
        %add3A_223 = arith.constant 48 : i32
        %add3A_224 = arith.addi %mul3A_222, %add3A_223 : i32
        %get3A_225 = arith.index_cast %add3A_224 : i32 to index
        %get3A_226 = tpu.vector_load %arg9[%get3A_225] {strides = array<i32>} : memref<2256xi32, #tpu.memory_space<vmem>>, vector<16xi32>,
        %swap3A_227 = arith.index_cast %while3A_188 : i32 to index
        %swap3A_228 = arith.constant 48 : index
        %swap3A_229 = tpu.vector_load %arg11[%swap3A_227, %swap3A_228] {strides = array<i32>} : memref<16x128xi32, #tpu.memory_space<vmem>>, vector<16xi32>,
        tpu.vector_store %arg11[%swap3A_227, %swap3A_228], %get3A_226 {strides = array<i32>} : memref<16x128xi32, #tpu.memory_space<vmem>>, vector<16xi32>,
        %mul3A_230 = arith.constant 128 : i32
        %mul3A_231 = arith.muli %while3A_188, %mul3A_230 : i32
        %add3A_232 = arith.constant 64 : i32
        %add3A_233 = arith.addi %mul3A_231, %add3A_232 : i32
        %get3A_234 = arith.index_cast %add3A_233 : i32 to index
        %get3A_235 = tpu.vector_load %arg9[%get3A_234] {strides = array<i32>} : memref<2256xi32, #tpu.memory_space<vmem>>, vector<16xi32>,
        %swap3A_236 = arith.index_cast %while3A_188 : i32 to index
        %swap3A_237 = arith.constant 64 : index
        %swap3A_238 = tpu.vector_load %arg11[%swap3A_236, %swap3A_237] {strides = array<i32>} : memref<16x128xi32, #tpu.memory_space<vmem>>, vector<16xi32>,
        tpu.vector_store %arg11[%swap3A_236, %swap3A_237], %get3A_235 {strides = array<i32>} : memref<16x128xi32, #tpu.memory_space<vmem>>, vector<16xi32>,
        %mul3A_239 = arith.constant 128 : i32
        %mul3A_240 = arith.muli %while3A_188, %mul3A_239 : i32
        %add3A_241 = arith.constant 80 : i32
        %add3A_242 = arith.addi %mul3A_240, %add3A_241 : i32
        %get3A_243 = arith.index_cast %add3A_242 : i32 to index
        %get3A_244 = tpu.vector_load %arg9[%get3A_243] {strides = array<i32>} : memref<2256xi32, #tpu.memory_space<vmem>>, vector<16xi32>,
        %swap3A_245 = arith.index_cast %while3A_188 : i32 to index
        %swap3A_246 = arith.constant 80 : index
        %swap3A_247 = tpu.vector_load %arg11[%swap3A_245, %swap3A_246] {strides = array<i32>} : memref<16x128xi32, #tpu.memory_space<vmem>>, vector<16xi32>,
        tpu.vector_store %arg11[%swap3A_245, %swap3A_246], %get3A_244 {strides = array<i32>} : memref<16x128xi32, #tpu.memory_space<vmem>>, vector<16xi32>,
        %mul3A_248 = arith.constant 128 : i32
        %mul3A_249 = arith.muli %while3A_188, %mul3A_248 : i32
        %add3A_250 = arith.constant 96 : i32
        %add3A_251 = arith.addi %mul3A_249, %add3A_250 : i32
        %get3A_252 = arith.index_cast %add3A_251 : i32 to index
        %get3A_253 = tpu.vector_load %arg9[%get3A_252] {strides = array<i32>} : memref<2256xi32, #tpu.memory_space<vmem>>, vector<16xi32>,
        %swap3A_254 = arith.index_cast %while3A_188 : i32 to index
        %swap3A_255 = arith.constant 96 : index
        %swap3A_256 = tpu.vector_load %arg11[%swap3A_254, %swap3A_255] {strides = array<i32>} : memref<16x128xi32, #tpu.memory_space<vmem>>, vector<16xi32>,
        tpu.vector_store %arg11[%swap3A_254, %swap3A_255], %get3A_253 {strides = array<i32>} : memref<16x128xi32, #tpu.memory_space<vmem>>, vector<16xi32>,
        %mul3A_257 = arith.constant 128 : i32
        %mul3A_258 = arith.muli %while3A_188, %mul3A_257 : i32
        %add3A_259 = arith.constant 112 : i32
        %add3A_260 = arith.addi %mul3A_258, %add3A_259 : i32
        %get3A_261 = arith.index_cast %add3A_260 : i32 to index
        %get3A_262 = tpu.vector_load %arg9[%get3A_261] {strides = array<i32>} : memref<2256xi32, #tpu.memory_space<vmem>>, vector<16xi32>,
        %swap3A_263 = arith.index_cast %while3A_188 : i32 to index
        %swap3A_264 = arith.constant 112 : index
        %swap3A_265 = tpu.vector_load %arg11[%swap3A_263, %swap3A_264] {strides = array<i32>} : memref<16x128xi32, #tpu.memory_space<vmem>>, vector<16xi32>,
        tpu.vector_store %arg11[%swap3A_263, %swap3A_264], %get3A_262 {strides = array<i32>} : memref<16x128xi32, #tpu.memory_space<vmem>>, vector<16xi32>,
        %dma_wait3A = tpu.memref_slice %arg10[%mul3A_190] : memref<2256xi32, #tpu.memory_space<vmem>> -> memref<128xi32, #tpu.memory_space<vmem>>
        %dma_wait3A_266 = arith.constant 0 : i32
        %dma_wait3A_267 = arith.constant 0 : i32
        %dma_wait3A_268 = tpu.memref_slice %arg2[%dma_wait3A_266, %dma_wait3A_267] : memref<100000x80xf32, #tpu.memory_space<hbm>> -> memref<100000x80xf32, #tpu.memory_space<hbm>>
        tpu.wait_indirect_dma semaphore(%arg14 : memref<!tpu.dma_semaphore, #tpu.memory_space<semaphore_mem>>) src(%dma_wait3A_268 : memref<100000x80xf32, #tpu.memory_space<hbm>>) dst(%arg12 : memref<128x80xf32, #tpu.memory_space<vmem>>)
        "tpu.region"() ({
          %run_scoped3A = tpu.sem_alloc : memref<!tpu.dma_semaphore, #tpu.memory_space<semaphore_mem>>
          %dma_start3A_269 = arith.constant 0 : i32
          %dma_start3A_270 = tpu.memref_slice %arg11[%while3A_188, %dma_start3A_269] : memref<16x128xi32, #tpu.memory_space<vmem>> -> memref<1x128xi32, #tpu.memory_space<vmem>>
          %dma_start3A_271 = tpu.memref_squeeze %dma_start3A_270 : memref<1x128xi32, #tpu.memory_space<vmem>> -> memref<128xi32, #tpu.memory_space<vmem>>
          %dma_start3A_272 = arith.constant 0 : i32
          %dma_start3A_273 = arith.constant 0 : i32
          %dma_start3A_274 = tpu.memref_slice %arg13[%dma_start3A_272, %dma_start3A_273] : memref<20480x80xf32, #tpu.memory_space<vmem_shared>> -> memref<20480x80xf32, #tpu.memory_space<vmem_shared>>
          tpu.enqueue_indirect_dma source(%arg12 : memref<128x80xf32, #tpu.memory_space<vmem>>) target(%dma_start3A_274 : memref<20480x80xf32, #tpu.memory_space<vmem_shared>>) offsets(%dma_start3A_271 : memref<128xi32, #tpu.memory_space<vmem>>) semaphore(%run_scoped3A : memref<!tpu.dma_semaphore, #tpu.memory_space<semaphore_mem>>) {add = true}
          %dma_wait3A_275 = arith.constant 0 : i32
          %dma_wait3A_276 = tpu.memref_slice %arg11[%while3A_188, %dma_wait3A_275] : memref<16x128xi32, #tpu.memory_space<vmem>> -> memref<1x128xi32, #tpu.memory_space<vmem>>
          %dma_wait3A_277 = tpu.memref_squeeze %dma_wait3A_276 : memref<1x128xi32, #tpu.memory_space<vmem>> -> memref<128xi32, #tpu.memory_space<vmem>>
          %dma_wait3A_278 = arith.constant 0 : i32
          %dma_wait3A_279 = arith.constant 0 : i32
          %dma_wait3A_280 = tpu.memref_slice %arg13[%dma_wait3A_278, %dma_wait3A_279] : memref<20480x80xf32, #tpu.memory_space<vmem_shared>> -> memref<20480x80xf32, #tpu.memory_space<vmem_shared>>
          tpu.wait_indirect_dma semaphore(%run_scoped3A : memref<!tpu.dma_semaphore, #tpu.memory_space<semaphore_mem>>) src(%arg12 : memref<128x80xf32, #tpu.memory_space<vmem>>) dst(%dma_wait3A_280 : memref<20480x80xf32, #tpu.memory_space<vmem_shared>>)
          tpu.yield
        }) : () -> ()
      }
      %while3A_180 = arith.constant 1 : i32
      scf.for %while3A_188 = %while3A_178 to %while3A_174 step %while3A_180  : i32 {
        %mul3A_189 = arith.constant 128 : i32
        %mul3A_190 = arith.muli %while3A_188, %mul3A_189 : i32
        %dma_start3A_191 = tpu.memref_slice %arg10[%mul3A_190] : memref<2256xi32, #tpu.memory_space<vmem>> -> memref<128xi32, #tpu.memory_space<vmem>>
        %dma_start3A_192 = arith.constant 0 : i32
        %dma_start3A_193 = arith.constant 0 : i32
        %dma_start3A_194 = tpu.memref_slice %arg2[%dma_start3A_192, %dma_start3A_193] : memref<100000x80xf32, #tpu.memory_space<hbm>> -> memref<100000x80xf32, #tpu.memory_space<hbm>>
        tpu.enqueue_indirect_dma source(%dma_start3A_194 : memref<100000x80xf32, #tpu.memory_space<hbm>>) target(%arg12 : memref<128x80xf32, #tpu.memory_space<vmem>>) offsets(%dma_start3A_191 : memref<128xi32, #tpu.memory_space<vmem>>) semaphore(%arg14 : memref<!tpu.dma_semaphore, #tpu.memory_space<semaphore_mem>>)
        %mul3A_195 = arith.constant 128 : i32
        %mul3A_196 = arith.muli %while3A_188, %mul3A_195 : i32
        %add3A_197 = arith.constant 0 : i32
        %add3A_198 = arith.addi %mul3A_196, %add3A_197 : i32
        %get3A = arith.index_cast %add3A_198 : i32 to index
        %get3A_199 = tpu.vector_load %arg9[%get3A] {strides = array<i32>} : memref<2256xi32, #tpu.memory_space<vmem>>, vector<16xi32>,
        %swap3A_200 = arith.index_cast %while3A_188 : i32 to index
        %swap3A_201 = arith.constant 0 : index
        %swap3A_202 = tpu.vector_load %arg11[%swap3A_200, %swap3A_201] {strides = array<i32>} : memref<16x128xi32, #tpu.memory_space<vmem>>, vector<16xi32>,
        tpu.vector_store %arg11[%swap3A_200, %swap3A_201], %get3A_199 {strides = array<i32>} : memref<16x128xi32, #tpu.memory_space<vmem>>, vector<16xi32>,
        %mul3A_203 = arith.constant 128 : i32
        %mul3A_204 = arith.muli %while3A_188, %mul3A_203 : i32
        %add3A_205 = arith.constant 16 : i32
        %add3A_206 = arith.addi %mul3A_204, %add3A_205 : i32
        %get3A_207 = arith.index_cast %add3A_206 : i32 to index
        %get3A_208 = tpu.vector_load %arg9[%get3A_207] {strides = array<i32>} : memref<2256xi32, #tpu.memory_space<vmem>>, vector<16xi32>,
        %swap3A_209 = arith.index_cast %while3A_188 : i32 to index
        %swap3A_210 = arith.constant 16 : index
        %swap3A_211 = tpu.vector_load %arg11[%swap3A_209, %swap3A_210] {strides = array<i32>} : memref<16x128xi32, #tpu.memory_space<vmem>>, vector<16xi32>,
        tpu.vector_store %arg11[%swap3A_209, %swap3A_210], %get3A_208 {strides = array<i32>} : memref<16x128xi32, #tpu.memory_space<vmem>>, vector<16xi32>,
        %mul3A_212 = arith.constant 128 : i32
        %mul3A_213 = arith.muli %while3A_188, %mul3A_212 : i32
        %add3A_214 = arith.constant 32 : i32
        %add3A_215 = arith.addi %mul3A_213, %add3A_214 : i32
        %get3A_216 = arith.index_cast %add3A_215 : i32 to index
        %get3A_217 = tpu.vector_load %arg9[%get3A_216] {strides = array<i32>} : memref<2256xi32, #tpu.memory_space<vmem>>, vector<16xi32>,
        %swap3A_218 = arith.index_cast %while3A_188 : i32 to index
        %swap3A_219 = arith.constant 32 : index
        %swap3A_220 = tpu.vector_load %arg11[%swap3A_218, %swap3A_219] {strides = array<i32>} : memref<16x128xi32, #tpu.memory_space<vmem>>, vector<16xi32>,
        tpu.vector_store %arg11[%swap3A_218, %swap3A_219], %get3A_217 {strides = array<i32>} : memref<16x128xi32, #tpu.memory_space<vmem>>, vector<16xi32>,
        %mul3A_221 = arith.constant 128 : i32
        %mul3A_222 = arith.muli %while3A_188, %mul3A_221 : i32
        %add3A_223 = arith.constant 48 : i32
        %add3A_224 = arith.addi %mul3A_222, %add3A_223 : i32
        %get3A_225 = arith.index_cast %add3A_224 : i32 to index
        %get3A_226 = tpu.vector_load %arg9[%get3A_225] {strides = array<i32>} : memref<2256xi32, #tpu.memory_space<vmem>>, vector<16xi32>,
        %swap3A_227 = arith.index_cast %while3A_188 : i32 to index
        %swap3A_228 = arith.constant 48 : index
        %swap3A_229 = tpu.vector_load %arg11[%swap3A_227, %swap3A_228] {strides = array<i32>} : memref<16x128xi32, #tpu.memory_space<vmem>>, vector<16xi32>,
        tpu.vector_store %arg11[%swap3A_227, %swap3A_228], %get3A_226 {strides = array<i32>} : memref<16x128xi32, #tpu.memory_space<vmem>>, vector<16xi32>,
        %mul3A_230 = arith.constant 128 : i32
        %mul3A_231 = arith.muli %while3A_188, %mul3A_230 : i32
        %add3A_232 = arith.constant 64 : i32
        %add3A_233 = arith.addi %mul3A_231, %add3A_232 : i32
        %get3A_234 = arith.index_cast %add3A_233 : i32 to index
        %get3A_235 = tpu.vector_load %arg9[%get3A_234] {strides = array<i32>} : memref<2256xi32, #tpu.memory_space<vmem>>, vector<16xi32>,
        %swap3A_236 = arith.index_cast %while3A_188 : i32 to index
        %swap3A_237 = arith.constant 64 : index
        %swap3A_238 = tpu.vector_load %arg11[%swap3A_236, %swap3A_237] {strides = array<i32>} : memref<16x128xi32, #tpu.memory_space<vmem>>, vector<16xi32>,
        tpu.vector_store %arg11[%swap3A_236, %swap3A_237], %get3A_235 {strides = array<i32>} : memref<16x128xi32, #tpu.memory_space<vmem>>, vector<16xi32>,
        %mul3A_239 = arith.constant 128 : i32
        %mul3A_240 = arith.muli %while3A_188, %mul3A_239 : i32
        %add3A_241 = arith.constant 80 : i32
        %add3A_242 = arith.addi %mul3A_240, %add3A_241 : i32
        %get3A_243 = arith.index_cast %add3A_242 : i32 to index
        %get3A_244 = tpu.vector_load %arg9[%get3A_243] {strides = array<i32>} : memref<2256xi32, #tpu.memory_space<vmem>>, vector<16xi32>,
        %swap3A_245 = arith.index_cast %while3A_188 : i32 to index
        %swap3A_246 = arith.constant 80 : index
        %swap3A_247 = tpu.vector_load %arg11[%swap3A_245, %swap3A_246] {strides = array<i32>} : memref<16x128xi32, #tpu.memory_space<vmem>>, vector<16xi32>,
        tpu.vector_store %arg11[%swap3A_245, %swap3A_246], %get3A_244 {strides = array<i32>} : memref<16x128xi32, #tpu.memory_space<vmem>>, vector<16xi32>,
        %mul3A_248 = arith.constant 128 : i32
        %mul3A_249 = arith.muli %while3A_188, %mul3A_248 : i32
        %add3A_250 = arith.constant 96 : i32
        %add3A_251 = arith.addi %mul3A_249, %add3A_250 : i32
        %get3A_252 = arith.index_cast %add3A_251 : i32 to index
        %get3A_253 = tpu.vector_load %arg9[%get3A_252] {strides = array<i32>} : memref<2256xi32, #tpu.memory_space<vmem>>, vector<16xi32>,
        %swap3A_254 = arith.index_cast %while3A_188 : i32 to index
        %swap3A_255 = arith.constant 96 : index
        %swap3A_256 = tpu.vector_load %arg11[%swap3A_254, %swap3A_255] {strides = array<i32>} : memref<16x128xi32, #tpu.memory_space<vmem>>, vector<16xi32>,
        tpu.vector_store %arg11[%swap3A_254, %swap3A_255], %get3A_253 {strides = array<i32>} : memref<16x128xi32, #tpu.memory_space<vmem>>, vector<16xi32>,
        %mul3A_257 = arith.constant 128 : i32
        %mul3A_258 = arith.muli %while3A_188, %mul3A_257 : i32
        %add3A_259 = arith.constant 112 : i32
        %add3A_260 = arith.addi %mul3A_258, %add3A_259 : i32
        %get3A_261 = arith.index_cast %add3A_260 : i32 to index
        %get3A_262 = tpu.vector_load %arg9[%get3A_261] {strides = array<i32>} : memref<2256xi32, #tpu.memory_space<vmem>>, vector<16xi32>,
        %swap3A_263 = arith.index_cast %while3A_188 : i32 to index
        %swap3A_264 = arith.constant 112 : index
        %swap3A_265 = tpu.vector_load %arg11[%swap3A_263, %swap3A_264] {strides = array<i32>} : memref<16x128xi32, #tpu.memory_space<vmem>>, vector<16xi32>,
        tpu.vector_store %arg11[%swap3A_263, %swap3A_264], %get3A_262 {strides = array<i32>} : memref<16x128xi32, #tpu.memory_space<vmem>>, vector<16xi32>,
        %dma_wait3A = tpu.memref_slice %arg10[%mul3A_190] : memref<2256xi32, #tpu.memory_space<vmem>> -> memref<128xi32, #tpu.memory_space<vmem>>
        %dma_wait3A_266 = arith.constant 0 : i32
        %dma_wait3A_267 = arith.constant 0 : i32
        %dma_wait3A_268 = tpu.memref_slice %arg2[%dma_wait3A_266, %dma_wait3A_267] : memref<100000x80xf32, #tpu.memory_space<hbm>> -> memref<100000x80xf32, #tpu.memory_space<hbm>>
        tpu.wait_indirect_dma semaphore(%arg14 : memref<!tpu.dma_semaphore, #tpu.memory_space<semaphore_mem>>) src(%dma_wait3A_268 : memref<100000x80xf32, #tpu.memory_space<hbm>>) dst(%arg12 : memref<128x80xf32, #tpu.memory_space<vmem>>)
        "tpu.region"() ({
          %run_scoped3A = tpu.sem_alloc : memref<!tpu.dma_semaphore, #tpu.memory_space<semaphore_mem>>
          %dma_start3A_269 = arith.constant 0 : i32
          %dma_start3A_270 = tpu.memref_slice %arg11[%while3A_188, %dma_start3A_269] : memref<16x128xi32, #tpu.memory_space<vmem>> -> memref<1x128xi32, #tpu.memory_space<vmem>>
          %dma_start3A_271 = tpu.memref_squeeze %dma_start3A_270 : memref<1x128xi32, #tpu.memory_space<vmem>> -> memref<128xi32, #tpu.memory_space<vmem>>
          %dma_start3A_272 = arith.constant 0 : i32
          %dma_start3A_273 = arith.constant 0 : i32
          %dma_start3A_274 = tpu.memref_slice %arg13[%dma_start3A_272, %dma_start3A_273] : memref<20480x80xf32, #tpu.memory_space<vmem_shared>> -> memref<20480x80xf32, #tpu.memory_space<vmem_shared>>
          tpu.enqueue_indirect_dma source(%arg12 : memref<128x80xf32, #tpu.memory_space<vmem>>) target(%dma_start3A_274 : memref<20480x80xf32, #tpu.memory_space<vmem_shared>>) offsets(%dma_start3A_271 : memref<128xi32, #tpu.memory_space<vmem>>) semaphore(%run_scoped3A : memref<!tpu.dma_semaphore, #tpu.memory_space<semaphore_mem>>) {add = true}
          %dma_wait3A_275 = arith.constant 0 : i32
          %dma_wait3A_276 = tpu.memref_slice %arg11[%while3A_188, %dma_wait3A_275] : memref<16x128xi32, #tpu.memory_space<vmem>> -> memref<1x128xi32, #tpu.memory_space<vmem>>
          %dma_wait3A_277 = tpu.memref_squeeze %dma_wait3A_276 : memref<1x128xi32, #tpu.memory_space<vmem>> -> memref<128xi32, #tpu.memory_space<vmem>>
          %dma_wait3A_278 = arith.constant 0 : i32
          %dma_wait3A_279 = arith.constant 0 : i32
          %dma_wait3A_280 = tpu.memref_slice %arg13[%dma_wait3A_278, %dma_wait3A_279] : memref<20480x80xf32, #tpu.memory_space<vmem_shared>> -> memref<20480x80xf32, #tpu.memory_space<vmem_shared>>
          tpu.wait_indirect_dma semaphore(%run_scoped3A : memref<!tpu.dma_semaphore, #tpu.memory_space<semaphore_mem>>) src(%arg12 : memref<128x80xf32, #tpu.memory_space<vmem>>) dst(%dma_wait3A_280 : memref<20480x80xf32, #tpu.memory_space<vmem_shared>>)
          tpu.yield
        }) : () -> ()
      }
      %barrier3A_181 = arith.constant 0 : index
      tpu.barrier barrier_id(%barrier3A_181)
      %mul3A_182 = arith.constant 1272 : i32
      %mul3A_183 = arith.muli %arg1, %mul3A_182 : i32
      %mul3A_184 = arith.constant 1272 : i32
      %mul3A_185 = arith.muli %arg1, %mul3A_184 : i32
      %add3A_186 = arith.addi %mul3A_8, %mul3A_185 : i32
      "tpu.region"() ({
        %run_scoped3A = tpu.sem_alloc : memref<!tpu.dma_semaphore, #tpu.memory_space<semaphore_mem>>
        %dma_start3A_188 = arith.constant 0 : i32
        %dma_start3A_189 = tpu.memref_slice %arg6[%add3A_186, %dma_start3A_188] : memref<407040x80xf32, #tpu.memory_space<hbm>> -> memref<1272x80xf32, #tpu.memory_space<hbm>>
        %dma_start3A_190 = arith.constant 0 : i32
        %dma_start3A_191 = tpu.memref_slice %arg13[%mul3A_183, %dma_start3A_190] : memref<20480x80xf32, #tpu.memory_space<vmem_shared>> -> memref<1272x80xf32, #tpu.memory_space<vmem_shared>>
        tpu.enqueue_dma source(%dma_start3A_191 : memref<1272x80xf32, #tpu.memory_space<vmem_shared>>) target(%dma_start3A_189 : memref<1272x80xf32, #tpu.memory_space<hbm>>) target_semaphore(%run_scoped3A : memref<!tpu.dma_semaphore, #tpu.memory_space<semaphore_mem>>)
        %dma_wait3A = arith.constant 0 : i32
        %dma_wait3A_192 = tpu.memref_slice %arg6[%add3A_186, %dma_wait3A] : memref<407040x80xf32, #tpu.memory_space<hbm>> -> memref<1272x80xf32, #tpu.memory_space<hbm>>
        %dma_wait3A_193 = arith.constant 0 : i32
        %dma_wait3A_194 = tpu.memref_slice %arg13[%mul3A_183, %dma_wait3A_193] : memref<20480x80xf32, #tpu.memory_space<vmem_shared>> -> memref<1272x80xf32, #tpu.memory_space<vmem_shared>>
        tpu.wait_dma2 semaphore(%run_scoped3A : memref<!tpu.dma_semaphore, #tpu.memory_space<semaphore_mem>>) src(%dma_wait3A_194 : memref<1272x80xf32, #tpu.memory_space<vmem_shared>>) dst(%dma_wait3A_192 : memref<1272x80xf32, #tpu.memory_space<hbm>>)
        tpu.yield
      }) : () -> ()
      %barrier3A_187 = arith.constant 0 : index
      tpu.barrier barrier_id(%barrier3A_187)
    }
    %scan3A_4 = arith.constant 10 : i32
    return
  }
}

module attributes {stable_mosaic.version = 14 : i64} {
  func.func @_tc1_body(%arg0: i32, %arg1: memref<2000x32xf32, #tpu.memory_space<vmem>>, %arg2: memref<2000x8xf32, #tpu.memory_space<vmem>>, %arg3: memref<4x8x80xf32, #tpu.memory_space<vmem>>, %arg4: memref<8x80xf32, #tpu.memory_space<vmem>>, %arg5: memref<2000x80xf32, #tpu.memory_space<vmem>>, %arg6: memref<2000x4xf32, #tpu.memory_space<vmem>>) attributes {dimension_semantics = [#tpu.dimension_semantics<arbitrary>], iteration_bounds = array<i64: 50>, scalar_prefetch = 0 : i64, scratch_operands = 0 : i64, tpu.core_type = #tpu.core_type<tc>, window_params = [{transform_indices = @transform_0, window_bounds = array<i64: 2000, 32>}, {transform_indices = @transform_1, window_bounds = array<i64: 2000, 8>}, {pipeline_mode = #tpu.pipeline_mode<synchronous>, transform_indices = @transform_2, window_bounds = array<i64: 4, 8, 80>}, {pipeline_mode = #tpu.pipeline_mode<synchronous>, transform_indices = @transform_3, window_bounds = array<i64: 8, 80>}, {transform_indices = @transform_4, window_bounds = array<i64: 2000, 80>}, {transform_indices = @transform_5, window_bounds = array<i64: 2000, 4>}]} {
    %get3A = arith.constant 0 : index
    %get3A_0 = arith.constant 0 : index
    %get3A_1 = vector.load %arg1[%get3A, %get3A_0] : memref<2000x32xf32, #tpu.memory_space<vmem>>, vector<2000x32xf32>
    %get3A_2 = arith.constant 0 : index
    %get3A_3 = arith.constant 0 : index
    %get3A_4 = vector.load %arg2[%get3A_2, %get3A_3] : memref<2000x8xf32, #tpu.memory_space<vmem>>, vector<2000x8xf32>
    %broadcast_in_dim3A = arith.constant 0.000000e+00 : f32
    %broadcast_in_dim3A_5 = vector.broadcast %broadcast_in_dim3A : f32 to vector<2000x80xf32>
    %slice3A = vector.extract_strided_slice %get3A_1 {offsets = [0, 0], sizes = [2000, 8], strides = [1, 1]} : vector<2000x32xf32> to vector<2000x8xf32>
    %slice3A_6 = vector.extract_strided_slice %slice3A {offsets = [0, 6], sizes = [2000, 1], strides = [1, 1]} : vector<2000x8xf32> to vector<2000x1xf32>
    %max3A = arith.constant 1.000000e+00 : f32
    %max3A_7 = vector.broadcast %max3A : f32 to vector<2000x1xf32>
    %max3A_8 = arith.maximumf %slice3A_6, %max3A_7 : vector<2000x1xf32>
    %div3A = arith.constant 1.000000e+00 : f32
    %div3A_9 = vector.broadcast %div3A : f32 to vector<2000x1xf32>
    %div3A_10 = arith.divf %div3A_9, %max3A_8 : vector<2000x1xf32>
    %mul3A = vector.broadcast %div3A_10 : vector<2000x1xf32> to vector<2000x8xf32>
    %mul3A_11 = arith.mulf %slice3A, %mul3A : vector<2000x8xf32>
    %get3A_12 = arith.constant 0 : index
    %get3A_13 = arith.constant 0 : index
    %get3A_14 = arith.constant 0 : index
    %get3A_15 = vector.load %arg3[%get3A_12, %get3A_13, %get3A_14] : memref<4x8x80xf32, #tpu.memory_space<vmem>>, vector<1x8x80xf32>
    %get3A_16 = vector.shape_cast %get3A_15 : vector<1x8x80xf32> to vector<8x80xf32>
    %dot_general3A = arith.constant dense<0.000000e+00> : vector<2000x80xf32>
    %dot_general3A_17 = tpu.matmul %mul3A_11, %get3A_16, %dot_general3A {dimension_numbers = #tpu.dot_dimension_numbers<[1], [0], [0], [1], [0, 0, 1, 1], [], []>, transpose_lhs_hint = false} : vector<2000x8xf32>, vector<8x80xf32>, vector<2000x80xf32> -> vector<2000x80xf32>
    %add3A = arith.addf %broadcast_in_dim3A_5, %dot_general3A_17 : vector<2000x80xf32>
    %slice3A_18 = vector.extract_strided_slice %get3A_1 {offsets = [0, 8], sizes = [2000, 8], strides = [1, 1]} : vector<2000x32xf32> to vector<2000x8xf32>
    %slice3A_19 = vector.extract_strided_slice %slice3A_18 {offsets = [0, 6], sizes = [2000, 1], strides = [1, 1]} : vector<2000x8xf32> to vector<2000x1xf32>
    %max3A_20 = arith.constant 1.000000e+00 : f32
    %max3A_21 = vector.broadcast %max3A_20 : f32 to vector<2000x1xf32>
    %max3A_22 = arith.maximumf %slice3A_19, %max3A_21 : vector<2000x1xf32>
    %div3A_23 = arith.constant 1.000000e+00 : f32
    %div3A_24 = vector.broadcast %div3A_23 : f32 to vector<2000x1xf32>
    %div3A_25 = arith.divf %div3A_24, %max3A_22 : vector<2000x1xf32>
    %mul3A_26 = vector.broadcast %div3A_25 : vector<2000x1xf32> to vector<2000x8xf32>
    %mul3A_27 = arith.mulf %slice3A_18, %mul3A_26 : vector<2000x8xf32>
    %get3A_28 = arith.constant 1 : index
    %get3A_29 = arith.constant 0 : index
    %get3A_30 = arith.constant 0 : index
    %get3A_31 = vector.load %arg3[%get3A_28, %get3A_29, %get3A_30] : memref<4x8x80xf32, #tpu.memory_space<vmem>>, vector<1x8x80xf32>
    %get3A_32 = vector.shape_cast %get3A_31 : vector<1x8x80xf32> to vector<8x80xf32>
    %dot_general3A_33 = arith.constant dense<0.000000e+00> : vector<2000x80xf32>
    %dot_general3A_34 = tpu.matmul %mul3A_27, %get3A_32, %dot_general3A_33 {dimension_numbers = #tpu.dot_dimension_numbers<[1], [0], [0], [1], [0, 0, 1, 1], [], []>, transpose_lhs_hint = false} : vector<2000x8xf32>, vector<8x80xf32>, vector<2000x80xf32> -> vector<2000x80xf32>
    %add3A_35 = arith.addf %add3A, %dot_general3A_34 : vector<2000x80xf32>
    %slice3A_36 = vector.extract_strided_slice %get3A_1 {offsets = [0, 16], sizes = [2000, 8], strides = [1, 1]} : vector<2000x32xf32> to vector<2000x8xf32>
    %slice3A_37 = vector.extract_strided_slice %slice3A_36 {offsets = [0, 6], sizes = [2000, 1], strides = [1, 1]} : vector<2000x8xf32> to vector<2000x1xf32>
    %max3A_38 = arith.constant 1.000000e+00 : f32
    %max3A_39 = vector.broadcast %max3A_38 : f32 to vector<2000x1xf32>
    %max3A_40 = arith.maximumf %slice3A_37, %max3A_39 : vector<2000x1xf32>
    %div3A_41 = arith.constant 1.000000e+00 : f32
    %div3A_42 = vector.broadcast %div3A_41 : f32 to vector<2000x1xf32>
    %div3A_43 = arith.divf %div3A_42, %max3A_40 : vector<2000x1xf32>
    %mul3A_44 = vector.broadcast %div3A_43 : vector<2000x1xf32> to vector<2000x8xf32>
    %mul3A_45 = arith.mulf %slice3A_36, %mul3A_44 : vector<2000x8xf32>
    %get3A_46 = arith.constant 2 : index
    %get3A_47 = arith.constant 0 : index
    %get3A_48 = arith.constant 0 : index
    %get3A_49 = vector.load %arg3[%get3A_46, %get3A_47, %get3A_48] : memref<4x8x80xf32, #tpu.memory_space<vmem>>, vector<1x8x80xf32>
    %get3A_50 = vector.shape_cast %get3A_49 : vector<1x8x80xf32> to vector<8x80xf32>
    %dot_general3A_51 = arith.constant dense<0.000000e+00> : vector<2000x80xf32>
    %dot_general3A_52 = tpu.matmul %mul3A_45, %get3A_50, %dot_general3A_51 {dimension_numbers = #tpu.dot_dimension_numbers<[1], [0], [0], [1], [0, 0, 1, 1], [], []>, transpose_lhs_hint = false} : vector<2000x8xf32>, vector<8x80xf32>, vector<2000x80xf32> -> vector<2000x80xf32>
    %add3A_53 = arith.addf %add3A_35, %dot_general3A_52 : vector<2000x80xf32>
    %slice3A_54 = vector.extract_strided_slice %get3A_1 {offsets = [0, 24], sizes = [2000, 8], strides = [1, 1]} : vector<2000x32xf32> to vector<2000x8xf32>
    %slice3A_55 = vector.extract_strided_slice %slice3A_54 {offsets = [0, 6], sizes = [2000, 1], strides = [1, 1]} : vector<2000x8xf32> to vector<2000x1xf32>
    %max3A_56 = arith.constant 1.000000e+00 : f32
    %max3A_57 = vector.broadcast %max3A_56 : f32 to vector<2000x1xf32>
    %max3A_58 = arith.maximumf %slice3A_55, %max3A_57 : vector<2000x1xf32>
    %div3A_59 = arith.constant 1.000000e+00 : f32
    %div3A_60 = vector.broadcast %div3A_59 : f32 to vector<2000x1xf32>
    %div3A_61 = arith.divf %div3A_60, %max3A_58 : vector<2000x1xf32>
    %mul3A_62 = vector.broadcast %div3A_61 : vector<2000x1xf32> to vector<2000x8xf32>
    %mul3A_63 = arith.mulf %slice3A_54, %mul3A_62 : vector<2000x8xf32>
    %get3A_64 = arith.constant 3 : index
    %get3A_65 = arith.constant 0 : index
    %get3A_66 = arith.constant 0 : index
    %get3A_67 = vector.load %arg3[%get3A_64, %get3A_65, %get3A_66] : memref<4x8x80xf32, #tpu.memory_space<vmem>>, vector<1x8x80xf32>
    %get3A_68 = vector.shape_cast %get3A_67 : vector<1x8x80xf32> to vector<8x80xf32>
    %dot_general3A_69 = arith.constant dense<0.000000e+00> : vector<2000x80xf32>
    %dot_general3A_70 = tpu.matmul %mul3A_63, %get3A_68, %dot_general3A_69 {dimension_numbers = #tpu.dot_dimension_numbers<[1], [0], [0], [1], [0, 0, 1, 1], [], []>, transpose_lhs_hint = false} : vector<2000x8xf32>, vector<8x80xf32>, vector<2000x80xf32> -> vector<2000x80xf32>
    %add3A_71 = arith.addf %add3A_53, %dot_general3A_70 : vector<2000x80xf32>
    %get3A_72 = arith.constant 0 : index
    %get3A_73 = arith.constant 0 : index
    %get3A_74 = vector.load %arg4[%get3A_72, %get3A_73] : memref<8x80xf32, #tpu.memory_space<vmem>>, vector<8x80xf32>
    %dot_general3A_75 = arith.constant dense<0.000000e+00> : vector<2000x80xf32>
    %dot_general3A_76 = tpu.matmul %get3A_4, %get3A_74, %dot_general3A_75 {dimension_numbers = #tpu.dot_dimension_numbers<[1], [0], [0], [1], [0, 0, 1, 1], [], []>, transpose_lhs_hint = false} : vector<2000x8xf32>, vector<8x80xf32>, vector<2000x80xf32> -> vector<2000x80xf32>
    %add3A_77 = arith.addf %add3A_71, %dot_general3A_76 : vector<2000x80xf32>
    %max3A_78 = arith.constant 0.000000e+00 : f32
    %max3A_79 = vector.broadcast %max3A_78 : f32 to vector<2000x80xf32>
    %max3A_80 = arith.maximumf %add3A_77, %max3A_79 : vector<2000x80xf32>
    %swap3A = arith.constant 0 : index
    %swap3A_81 = arith.constant 0 : index
    %swap3A_82 = vector.load %arg5[%swap3A, %swap3A_81] : memref<2000x80xf32, #tpu.memory_space<vmem>>, vector<2000x80xf32>
    tpu.vector_store %arg5[%swap3A, %swap3A_81], %max3A_80 {strides = array<i32>} : memref<2000x80xf32, #tpu.memory_space<vmem>>, vector<2000x80xf32>,
    %concatenate3A = tpu.concatenate %div3A_10, %div3A_25, %div3A_43, %div3A_61 in 1 : vector<2000x1xf32>, vector<2000x1xf32>, vector<2000x1xf32>, vector<2000x1xf32> -> vector<2000x4xf32>
    %swap3A_83 = arith.constant 0 : index
    %swap3A_84 = arith.constant 0 : index
    %swap3A_85 = vector.load %arg6[%swap3A_83, %swap3A_84] : memref<2000x4xf32, #tpu.memory_space<vmem>>, vector<2000x4xf32>
    tpu.vector_store %arg6[%swap3A_83, %swap3A_84], %concatenate3A {strides = array<i32>} : memref<2000x4xf32, #tpu.memory_space<vmem>>, vector<2000x4xf32>,
    return
  }
  func.func @transform_0(%arg0: i32) -> (i32, i32) {
    %c0_i32 = arith.constant 0 : i32
    %c0_i32_0 = arith.constant 0 : i32
    return %arg0, %c0_i32 : i32, i32
  }
  func.func @transform_1(%arg0: i32) -> (i32, i32) {
    %c0_i32 = arith.constant 0 : i32
    %c0_i32_0 = arith.constant 0 : i32
    return %arg0, %c0_i32 : i32, i32
  }
  func.func @transform_2(%arg0: i32) -> (i32, i32, i32) {
    %c0_i32 = arith.constant 0 : i32
    %c0_i32_0 = arith.constant 0 : i32
    %c0_i32_1 = arith.constant 0 : i32
    %c0_i32_2 = arith.constant 0 : i32
    return %c0_i32, %c0_i32_0, %c0_i32_1 : i32, i32, i32
  }
  func.func @transform_3(%arg0: i32) -> (i32, i32) {
    %c0_i32 = arith.constant 0 : i32
    %c0_i32_0 = arith.constant 0 : i32
    %c0_i32_1 = arith.constant 0 : i32
    return %c0_i32, %c0_i32_0 : i32, i32
  }
  func.func @transform_4(%arg0: i32) -> (i32, i32) {
    %c0_i32 = arith.constant 0 : i32
    %c0_i32_0 = arith.constant 0 : i32
    return %arg0, %c0_i32 : i32, i32
  }
  func.func @transform_5(%arg0: i32) -> (i32, i32) {
    %c0_i32 = arith.constant 0 : i32
    %c0_i32_0 = arith.constant 0 : i32
    return %arg0, %c0_i32 : i32, i32
  }
}

module attributes {stable_mosaic.version = 14 : i64} {
  func.func @_tc2_body(%arg0: i32, %arg1: memref<2000x320xf32, #tpu.memory_space<vmem>>, %arg2: memref<2000x4xf32, #tpu.memory_space<vmem>>, %arg3: memref<2000x80xf32, #tpu.memory_space<vmem>>, %arg4: memref<2000x1xi32, #tpu.memory_space<vmem>>, %arg5: memref<4x80x80xf32, #tpu.memory_space<vmem>>, %arg6: memref<80x80xf32, #tpu.memory_space<vmem>>, %arg7: memref<1x80xf32, #tpu.memory_space<vmem>>, %arg8: memref<80x15xf32, #tpu.memory_space<vmem>>, %arg9: memref<1x15xf32, #tpu.memory_space<vmem>>, %arg10: memref<128x15xf32, #tpu.memory_space<vmem>>) attributes {dimension_semantics = [#tpu.dimension_semantics<arbitrary>], iteration_bounds = array<i64: 50>, scalar_prefetch = 0 : i64, scratch_operands = 0 : i64, tpu.core_type = #tpu.core_type<tc>, window_params = [{transform_indices = @transform_0, window_bounds = array<i64: 2000, 320>}, {transform_indices = @transform_1, window_bounds = array<i64: 2000, 4>}, {transform_indices = @transform_2, window_bounds = array<i64: 2000, 80>}, {transform_indices = @transform_3, window_bounds = array<i64: 2000, 1>}, {pipeline_mode = #tpu.pipeline_mode<synchronous>, transform_indices = @transform_4, window_bounds = array<i64: 4, 80, 80>}, {pipeline_mode = #tpu.pipeline_mode<synchronous>, transform_indices = @transform_5, window_bounds = array<i64: 80, 80>}, {pipeline_mode = #tpu.pipeline_mode<synchronous>, transform_indices = @transform_6, window_bounds = array<i64: 1, 80>}, {pipeline_mode = #tpu.pipeline_mode<synchronous>, transform_indices = @transform_7, window_bounds = array<i64: 80, 15>}, {pipeline_mode = #tpu.pipeline_mode<synchronous>, transform_indices = @transform_8, window_bounds = array<i64: 1, 15>}, {pipeline_mode = #tpu.pipeline_mode<synchronous>, transform_indices = @transform_9, window_bounds = array<i64: 128, 15>}]} {
    %get3A = arith.constant 0 : index
    %get3A_0 = arith.constant 0 : index
    %get3A_1 = vector.load %arg1[%get3A, %get3A_0] : memref<2000x320xf32, #tpu.memory_space<vmem>>, vector<2000x320xf32>
    %get3A_2 = arith.constant 0 : index
    %get3A_3 = arith.constant 0 : index
    %get3A_4 = vector.load %arg2[%get3A_2, %get3A_3] : memref<2000x4xf32, #tpu.memory_space<vmem>>, vector<2000x4xf32>
    %get3A_5 = arith.constant 0 : index
    %get3A_6 = arith.constant 0 : index
    %get3A_7 = vector.load %arg3[%get3A_5, %get3A_6] : memref<2000x80xf32, #tpu.memory_space<vmem>>, vector<2000x80xf32>
    %broadcast_in_dim3A = arith.constant 0.000000e+00 : f32
    %broadcast_in_dim3A_8 = vector.broadcast %broadcast_in_dim3A : f32 to vector<2000x80xf32>
    %slice3A = vector.extract_strided_slice %get3A_1 {offsets = [0, 0], sizes = [2000, 80], strides = [1, 1]} : vector<2000x320xf32> to vector<2000x80xf32>
    %slice3A_9 = vector.extract_strided_slice %get3A_4 {offsets = [0, 0], sizes = [2000, 1], strides = [1, 1]} : vector<2000x4xf32> to vector<2000x1xf32>
    %mul3A = vector.broadcast %slice3A_9 : vector<2000x1xf32> to vector<2000x80xf32>
    %mul3A_10 = arith.mulf %slice3A, %mul3A : vector<2000x80xf32>
    %get3A_11 = arith.constant 0 : index
    %get3A_12 = arith.constant 0 : index
    %get3A_13 = arith.constant 0 : index
    %get3A_14 = vector.load %arg5[%get3A_11, %get3A_12, %get3A_13] : memref<4x80x80xf32, #tpu.memory_space<vmem>>, vector<1x80x80xf32>
    %get3A_15 = vector.shape_cast %get3A_14 : vector<1x80x80xf32> to vector<80x80xf32>
    %dot_general3A = arith.constant dense<0.000000e+00> : vector<2000x80xf32>
    %dot_general3A_16 = tpu.matmul %mul3A_10, %get3A_15, %dot_general3A {dimension_numbers = #tpu.dot_dimension_numbers<[1], [0], [0], [1], [0, 0, 1, 1], [], []>, transpose_lhs_hint = false} : vector<2000x80xf32>, vector<80x80xf32>, vector<2000x80xf32> -> vector<2000x80xf32>
    %add3A = arith.addf %broadcast_in_dim3A_8, %dot_general3A_16 : vector<2000x80xf32>
    %slice3A_17 = vector.extract_strided_slice %get3A_1 {offsets = [0, 80], sizes = [2000, 80], strides = [1, 1]} : vector<2000x320xf32> to vector<2000x80xf32>
    %slice3A_18 = vector.extract_strided_slice %get3A_4 {offsets = [0, 1], sizes = [2000, 1], strides = [1, 1]} : vector<2000x4xf32> to vector<2000x1xf32>
    %mul3A_19 = vector.broadcast %slice3A_18 : vector<2000x1xf32> to vector<2000x80xf32>
    %mul3A_20 = arith.mulf %slice3A_17, %mul3A_19 : vector<2000x80xf32>
    %get3A_21 = arith.constant 1 : index
    %get3A_22 = arith.constant 0 : index
    %get3A_23 = arith.constant 0 : index
    %get3A_24 = vector.load %arg5[%get3A_21, %get3A_22, %get3A_23] : memref<4x80x80xf32, #tpu.memory_space<vmem>>, vector<1x80x80xf32>
    %get3A_25 = vector.shape_cast %get3A_24 : vector<1x80x80xf32> to vector<80x80xf32>
    %dot_general3A_26 = arith.constant dense<0.000000e+00> : vector<2000x80xf32>
    %dot_general3A_27 = tpu.matmul %mul3A_20, %get3A_25, %dot_general3A_26 {dimension_numbers = #tpu.dot_dimension_numbers<[1], [0], [0], [1], [0, 0, 1, 1], [], []>, transpose_lhs_hint = false} : vector<2000x80xf32>, vector<80x80xf32>, vector<2000x80xf32> -> vector<2000x80xf32>
    %add3A_28 = arith.addf %add3A, %dot_general3A_27 : vector<2000x80xf32>
    %slice3A_29 = vector.extract_strided_slice %get3A_1 {offsets = [0, 160], sizes = [2000, 80], strides = [1, 1]} : vector<2000x320xf32> to vector<2000x80xf32>
    %slice3A_30 = vector.extract_strided_slice %get3A_4 {offsets = [0, 2], sizes = [2000, 1], strides = [1, 1]} : vector<2000x4xf32> to vector<2000x1xf32>
    %mul3A_31 = vector.broadcast %slice3A_30 : vector<2000x1xf32> to vector<2000x80xf32>
    %mul3A_32 = arith.mulf %slice3A_29, %mul3A_31 : vector<2000x80xf32>
    %get3A_33 = arith.constant 2 : index
    %get3A_34 = arith.constant 0 : index
    %get3A_35 = arith.constant 0 : index
    %get3A_36 = vector.load %arg5[%get3A_33, %get3A_34, %get3A_35] : memref<4x80x80xf32, #tpu.memory_space<vmem>>, vector<1x80x80xf32>
    %get3A_37 = vector.shape_cast %get3A_36 : vector<1x80x80xf32> to vector<80x80xf32>
    %dot_general3A_38 = arith.constant dense<0.000000e+00> : vector<2000x80xf32>
    %dot_general3A_39 = tpu.matmul %mul3A_32, %get3A_37, %dot_general3A_38 {dimension_numbers = #tpu.dot_dimension_numbers<[1], [0], [0], [1], [0, 0, 1, 1], [], []>, transpose_lhs_hint = false} : vector<2000x80xf32>, vector<80x80xf32>, vector<2000x80xf32> -> vector<2000x80xf32>
    %add3A_40 = arith.addf %add3A_28, %dot_general3A_39 : vector<2000x80xf32>
    %slice3A_41 = vector.extract_strided_slice %get3A_1 {offsets = [0, 240], sizes = [2000, 80], strides = [1, 1]} : vector<2000x320xf32> to vector<2000x80xf32>
    %slice3A_42 = vector.extract_strided_slice %get3A_4 {offsets = [0, 3], sizes = [2000, 1], strides = [1, 1]} : vector<2000x4xf32> to vector<2000x1xf32>
    %mul3A_43 = vector.broadcast %slice3A_42 : vector<2000x1xf32> to vector<2000x80xf32>
    %mul3A_44 = arith.mulf %slice3A_41, %mul3A_43 : vector<2000x80xf32>
    %get3A_45 = arith.constant 3 : index
    %get3A_46 = arith.constant 0 : index
    %get3A_47 = arith.constant 0 : index
    %get3A_48 = vector.load %arg5[%get3A_45, %get3A_46, %get3A_47] : memref<4x80x80xf32, #tpu.memory_space<vmem>>, vector<1x80x80xf32>
    %get3A_49 = vector.shape_cast %get3A_48 : vector<1x80x80xf32> to vector<80x80xf32>
    %dot_general3A_50 = arith.constant dense<0.000000e+00> : vector<2000x80xf32>
    %dot_general3A_51 = tpu.matmul %mul3A_44, %get3A_49, %dot_general3A_50 {dimension_numbers = #tpu.dot_dimension_numbers<[1], [0], [0], [1], [0, 0, 1, 1], [], []>, transpose_lhs_hint = false} : vector<2000x80xf32>, vector<80x80xf32>, vector<2000x80xf32> -> vector<2000x80xf32>
    %add3A_52 = arith.addf %add3A_40, %dot_general3A_51 : vector<2000x80xf32>
    %get3A_53 = arith.constant 0 : index
    %get3A_54 = arith.constant 0 : index
    %get3A_55 = vector.load %arg6[%get3A_53, %get3A_54] : memref<80x80xf32, #tpu.memory_space<vmem>>, vector<80x80xf32>
    %dot_general3A_56 = arith.constant dense<0.000000e+00> : vector<2000x80xf32>
    %dot_general3A_57 = tpu.matmul %get3A_7, %get3A_55, %dot_general3A_56 {dimension_numbers = #tpu.dot_dimension_numbers<[1], [0], [0], [1], [0, 0, 1, 1], [], []>, transpose_lhs_hint = false} : vector<2000x80xf32>, vector<80x80xf32>, vector<2000x80xf32> -> vector<2000x80xf32>
    %add3A_58 = arith.addf %add3A_52, %dot_general3A_57 : vector<2000x80xf32>
    %get3A_59 = arith.constant 0 : index
    %get3A_60 = arith.constant 0 : index
    %get3A_61 = vector.load %arg7[%get3A_59, %get3A_60] : memref<1x80xf32, #tpu.memory_space<vmem>>, vector<1x80xf32>
    %add3A_62 = vector.broadcast %get3A_61 : vector<1x80xf32> to vector<2000x80xf32>
    %add3A_63 = arith.addf %add3A_58, %add3A_62 : vector<2000x80xf32>
    %max3A = arith.constant 0.000000e+00 : f32
    %max3A_64 = vector.broadcast %max3A : f32 to vector<2000x80xf32>
    %max3A_65 = arith.maximumf %add3A_63, %max3A_64 : vector<2000x80xf32>
    %get3A_66 = arith.constant 0 : index
    %get3A_67 = arith.constant 0 : index
    %get3A_68 = vector.load %arg8[%get3A_66, %get3A_67] : memref<80x15xf32, #tpu.memory_space<vmem>>, vector<80x15xf32>
    %dot_general3A_69 = arith.constant dense<0.000000e+00> : vector<2000x15xf32>
    %dot_general3A_70 = tpu.matmul %max3A_65, %get3A_68, %dot_general3A_69 {dimension_numbers = #tpu.dot_dimension_numbers<[1], [0], [0], [1], [0, 0, 1, 1], [], []>, transpose_lhs_hint = false} : vector<2000x80xf32>, vector<80x15xf32>, vector<2000x15xf32> -> vector<2000x15xf32>
    %get3A_71 = arith.constant 0 : index
    %get3A_72 = arith.constant 0 : index
    %get3A_73 = vector.load %arg4[%get3A_71, %get3A_72] : memref<2000x1xi32, #tpu.memory_space<vmem>>, vector<2000x1xi32>
    %iota3A = tpu.iota {dimensions = array<i32: 1>} : vector<1x128xi32>
    %eq3A = vector.broadcast %get3A_73 : vector<2000x1xi32> to vector<2000x128xi32>
    %eq3A_74 = vector.broadcast %iota3A : vector<1x128xi32> to vector<2000x128xi32>
    %eq3A_75 = arith.cmpi eq, %eq3A, %eq3A_74 : vector<2000x128xi32>
    %convert_element_type3A = arith.extui %eq3A_75 : vector<2000x128xi1> to vector<2000x128xi32>
    %convert_element_type3A_76 = arith.sitofp %convert_element_type3A : vector<2000x128xi32> to vector<2000x128xf32>
    %dot_general3A_77 = arith.constant dense<0.000000e+00> : vector<128x15xf32>
    %dot_general3A_78 = tpu.matmul %convert_element_type3A_76, %dot_general3A_70, %dot_general3A_77 {dimension_numbers = #tpu.dot_dimension_numbers<[0], [0], [1], [1], [0, 1, 1, 1], [], []>, transpose_lhs_hint = false} : vector<2000x128xf32>, vector<2000x15xf32>, vector<128x15xf32> -> vector<128x15xf32>
    %eq3A_79 = arith.constant 0 : i32
    %eq3A_80 = arith.cmpi eq, %arg0, %eq3A_79 : i32
    %convert_element_type3A_81 = arith.extui %eq3A_80 : i1 to i32
    %cond3A = arith.constant 0 : i32
    %cond3A_82 = arith.cmpi ne, %convert_element_type3A_81, %cond3A : i32
    scf.if %cond3A_82 {
      %get3A_89 = arith.constant 0 : index
      %get3A_90 = arith.constant 0 : index
      %get3A_91 = vector.load %arg9[%get3A_89, %get3A_90] : memref<1x15xf32, #tpu.memory_space<vmem>>, vector<1x15xf32>
      %broadcast_in_dim3A_92 = vector.shape_cast %get3A_91 : vector<1x15xf32> to vector<1x15xf32>
      %broadcast_in_dim3A_93 = vector.broadcast %broadcast_in_dim3A_92 : vector<1x15xf32> to vector<128x15xf32>
      %swap3A_94 = arith.constant 0 : index
      %swap3A_95 = arith.constant 0 : index
      %swap3A_96 = vector.load %arg10[%swap3A_94, %swap3A_95] : memref<128x15xf32, #tpu.memory_space<vmem>>, vector<128x15xf32>
      tpu.vector_store %arg10[%swap3A_94, %swap3A_95], %broadcast_in_dim3A_93 {strides = array<i32>} : memref<128x15xf32, #tpu.memory_space<vmem>>, vector<128x15xf32>,
    } else {
    }
    %get3A_83 = arith.constant 0 : index
    %get3A_84 = arith.constant 0 : index
    %get3A_85 = vector.load %arg10[%get3A_83, %get3A_84] : memref<128x15xf32, #tpu.memory_space<vmem>>, vector<128x15xf32>
    %add3A_86 = arith.addf %get3A_85, %dot_general3A_78 : vector<128x15xf32>
    %swap3A = arith.constant 0 : index
    %swap3A_87 = arith.constant 0 : index
    %swap3A_88 = vector.load %arg10[%swap3A, %swap3A_87] : memref<128x15xf32, #tpu.memory_space<vmem>>, vector<128x15xf32>
    tpu.vector_store %arg10[%swap3A, %swap3A_87], %add3A_86 {strides = array<i32>} : memref<128x15xf32, #tpu.memory_space<vmem>>, vector<128x15xf32>,
    return
  }
  func.func @transform_0(%arg0: i32) -> (i32, i32) {
    %c0_i32 = arith.constant 0 : i32
    %c0_i32_0 = arith.constant 0 : i32
    return %arg0, %c0_i32 : i32, i32
  }
  func.func @transform_1(%arg0: i32) -> (i32, i32) {
    %c0_i32 = arith.constant 0 : i32
    %c0_i32_0 = arith.constant 0 : i32
    return %arg0, %c0_i32 : i32, i32
  }
  func.func @transform_2(%arg0: i32) -> (i32, i32) {
    %c0_i32 = arith.constant 0 : i32
    %c0_i32_0 = arith.constant 0 : i32
    return %arg0, %c0_i32 : i32, i32
  }
  func.func @transform_3(%arg0: i32) -> (i32, i32) {
    %c0_i32 = arith.constant 0 : i32
    %c0_i32_0 = arith.constant 0 : i32
    return %arg0, %c0_i32 : i32, i32
  }
  func.func @transform_4(%arg0: i32) -> (i32, i32, i32) {
    %c0_i32 = arith.constant 0 : i32
    %c0_i32_0 = arith.constant 0 : i32
    %c0_i32_1 = arith.constant 0 : i32
    %c0_i32_2 = arith.constant 0 : i32
    return %c0_i32, %c0_i32_0, %c0_i32_1 : i32, i32, i32
  }
  func.func @transform_5(%arg0: i32) -> (i32, i32) {
    %c0_i32 = arith.constant 0 : i32
    %c0_i32_0 = arith.constant 0 : i32
    %c0_i32_1 = arith.constant 0 : i32
    return %c0_i32, %c0_i32_0 : i32, i32
  }
  func.func @transform_6(%arg0: i32) -> (i32, i32) {
    %c0_i32 = arith.constant 0 : i32
    %c0_i32_0 = arith.constant 0 : i32
    %c0_i32_1 = arith.constant 0 : i32
    return %c0_i32, %c0_i32_0 : i32, i32
  }
  func.func @transform_7(%arg0: i32) -> (i32, i32) {
    %c0_i32 = arith.constant 0 : i32
    %c0_i32_0 = arith.constant 0 : i32
    %c0_i32_1 = arith.constant 0 : i32
    return %c0_i32, %c0_i32_0 : i32, i32
  }
  func.func @transform_8(%arg0: i32) -> (i32, i32) {
    %c0_i32 = arith.constant 0 : i32
    %c0_i32_0 = arith.constant 0 : i32
    %c0_i32_1 = arith.constant 0 : i32
    return %c0_i32, %c0_i32_0 : i32, i32
  }
  func.func @transform_9(%arg0: i32) -> (i32, i32) {
    %c0_i32 = arith.constant 0 : i32
    %c0_i32_0 = arith.constant 0 : i32
    %c0_i32_1 = arith.constant 0 : i32
    return %c0_i32, %c0_i32_0 : i32, i32
  }
}

</mosaic_0001>

<sc_bundles>
// kernel: kernel.6.cloned.1.call-start
scs
__scs_entry_jumppad:
0x0: {  	(pc) =	sbr.rel $0x88, $3  }
0x1: {  	(tag) =	ssettag $0x0;
	lr =	simm.s32 $0x1  }
0x2: {  	[smem:$0x3F95] =	sst lr;
	_ =	strace $0xD0000000  }
0x3: {  	_ = 	snop  }
0x4: {  	_ = 	snop  }
0x5: {  	_ = 	snop  }
0x6: {  	_ = 	snop  }
0x7: {  	_ = 	snop  }
__scs_overlays_trampoline_lowered:
0x8: {  	[smem:$0x3FA4] =	sst s0  }
0x9: {  	[smem:$0x3FA5] =	sst s1  }
0xa: {  	[smem:$0x3FA6] =	sst s2  }
0xb: {  	[smem:$0x3FA7] =	sst s3  }
0xc: {  	[smem:$0x3FA8] =	sst s4  }
0xd: {  	[smem:$0x3FA9] =	sst s5  }
0xe: {  	[smem:$0x3FAA] =	sst s6  }
0xf: {  	[smem:$0x3FAB] =	sst s7  }
0x10: {  	[smem:$0x3FAC] =	sst s8  }
0x11: {  	[smem:$0x3FAD] =	sst s9;
	s0 =	simm.s32 @!p0 $0x0  }
0x12: {  	s1 =	sld [smem:$0x3F93];
	s0 =	simm.s32 @p0 $0x1  }
0x13: {  	[smem:$0x3FAE] =	sst s0;
	s0 =	simm.s32 @!p1 $0x0  }
0x14: {  	s2 =	sld [smem:$0x3F92];
	s0 =	simm.s32 @p1 $0x1  }
0x15: {  	[smem:$0x3FAF] =	sst s0;
	s0 =	simm.s32 @!p2 $0x0  }
0x16: {  	s3 =	sld [smem:$0x3FDB];
	s0 =	simm.s32 @p2 $0x1  }
0x17: {  	s4 =	simm.s32 $0x1BF5;
	[smem:$0x3FB1] =	sst s0  }
0x18: {  	s0 =	sld [smem:$0x3F94];
	_ =	swait.ge [sflag:s4], $0x0  }
0x19: {  	s7 =	sld [smem:$0x3F95]  }
0x1a: {  	s8 =	sadd.s32 $0xFFFFE003, lr  }
0x1b: {  	s9 =	sadd.s32 $0xFFFFFEF7, lr;
	s5 =	simm.s32 $0xFFFFFFFF;
	p2 =	slt.u32 s8, $0xFFFFF086  }
0x1c: {  	p1 =	slt.u32 s9, $0xF7A;
	s5 =	simm.s32 @!p2 $0x0  }
0x1d: {  	s5 =	simm.s32 @p1 $0x1;
	p0 =	seq.s32 s7, s2  }
0x1e: {  	s7 =	smul.u32 @!p0 $0xF7A, s2;
	p2 =	seq.s32 @!p0 s5, $0x0  }
0x1f: {  	s9 =	smul.u32 $0xF7A, s1;
	s8 =	simm.s32 @!p0 $0x1BF5;
	p2 =	por !p2, p0  }
0x20: {  	[sflag:s8] =	ssyncset.s32 @!p0 $0xFFFFF086;
	s6 =	sadd.s32 @!p0 s3, s7;
	s7 =	simm.s32 @!p0 $0x108  }
0x21: {  	s3 =	sadd.s32 s3, s9;
	s6 =	sadd.s32 @!p0 $0x88, s6;
	s7 =	simm.s32 @p2 $0x1082  }
0x22: {  	[simem:s7], [sflag:s8] =	dma.local @!p0 [hbm:s6], $0xF7A  }
0x23: {  	s9 =	sor.u32 $0xD0000000, s2;
	s6 =	simm.s32 $0x108;
	_ =	swait.ge @!p0 [sflag:s8], $0x0  }
0x24: {  	s3 =	sadd.s32 $0x88, s3;
	s6 =	simm.s32 @!p1 $0x1082;
	[sflag:s4] =	ssyncset.s32 $0xFFFFF086  }
0x25: {  	[simem:s6], [sflag:s4] =	dma.local [hbm:s3], $0xF7A  }
0x26: {  	[smem:$0x3F95] =	sst s1;
	(tag) =	ssettag s2;
	_ =	strace s9  }
0x27: {  	s1 =	sld [smem:$0x3FA5]  }
0x28: {  	s2 =	sld [smem:$0x3FA6]  }
0x29: {  	s4 =	sld [smem:$0x3FA8]  }
0x2a: {  	p0 =	seq.s32 s5, $0x0;
	s5 =	sld [smem:$0x3FA9]  }
0x2b: {  	s6 =	sld [smem:$0x3FAA]  }
0x2c: {  	s7 =	sld [smem:$0x3FAB]  }
0x2d: {  	s3 =	simm.s32 $0x108;
	s8 =	sld [smem:$0x3FAC]  }
0x2e: {  	s3 =	simm.s32 @!p0 $0x1082;
	s9 =	sld [smem:$0x3FAD]  }
0x2f: {  	lr =	sadd.s32 s0, s3;
	s0 =	sld [smem:$0x3FA4]  }
0x30: {  	s3 =	sld [smem:$0x3FA7]  }
0x31: {  	[smem:$0x3FB0] =	sst s10  }
0x32: {  	s10 =	sld [smem:$0x3FAE];
	_ =	sdelay $0x3  }
0x33: {  	p0 =	seq.s32 s10, $0x1;
	s10 =	sld [smem:$0x3FB0];
	_ =	sdelay $0x3  }
0x34: {  	[smem:$0x3FB0] =	sst s10  }
0x35: {  	s10 =	sld [smem:$0x3FAF];
	_ =	sdelay $0x3  }
0x36: {  	p1 =	seq.s32 s10, $0x1;
	s10 =	sld [smem:$0x3FB0];
	_ =	sdelay $0x3  }
0x37: {  	[smem:$0x3FB0] =	sst s10  }
0x38: {  	s10 =	sld [smem:$0x3FB1]  }
0x39: {  	_ = 	snop;
	(pc) =	sbr.ind lr, $3  }
0x3a: {  	_ = 	snop  }
0x3b: {  	_ = 	snop  }
0x3c: {  	p2 =	seq.s32 s10, $0x1;
	s10 =	sld [smem:$0x3FB0]  }
0x3d: {  	_ =	shalt  }
0x3e: {  	_ =	shalt  }
0x3f: {  	_ =	shalt  }
0x40: {  	_ =	shalt  }
0x41: {  	_ =	shalt  }
0x42: {  	_ =	shalt  }
0x43: {  	_ =	shalt  }
0x44: {  	_ =	shalt  }
0x45: {  	_ =	shalt  }
0x46: {  	_ =	shalt  }
0x47: {  	_ =	shalt  }
0x48: {  	_ =	shalt  }
0x49: {  	_ =	shalt  }
0x4a: {  	_ =	shalt  }
0x4b: {  	_ =	shalt  }
0x4c: {  	_ =	shalt  }
0x4d: {  	_ =	shalt  }
0x4e: {  	_ =	shalt  }
0x4f: {  	_ =	shalt  }
0x50: {  	_ =	shalt  }
0x51: {  	_ =	shalt  }
0x52: {  	_ =	shalt  }
0x53: {  	_ =	shalt  }
0x54: {  	_ =	shalt  }
0x55: {  	_ =	shalt  }
0x56: {  	_ =	shalt  }
0x57: {  	_ =	shalt  }
0x58: {  	_ =	shalt  }
0x59: {  	_ =	shalt  }
0x5a: {  	_ =	shalt  }
0x5b: {  	_ =	shalt  }
0x5c: {  	_ =	shalt  }
0x5d: {  	_ =	shalt  }
0x5e: {  	_ =	shalt  }
0x5f: {  	_ =	shalt  }
0x60: {  	_ =	shalt  }
0x61: {  	_ =	shalt  }
0x62: {  	_ =	shalt  }
0x63: {  	_ =	shalt  }
0x64: {  	_ =	shalt  }
0x65: {  	_ =	shalt  }
0x66: {  	_ =	shalt  }
0x67: {  	_ =	shalt  }
0x68: {  	_ =	shalt  }
0x69: {  	_ =	shalt  }
0x6a: {  	_ =	shalt  }
0x6b: {  	_ =	shalt  }
0x6c: {  	_ =	shalt  }
0x6d: {  	_ =	shalt  }
0x6e: {  	_ =	shalt  }
0x6f: {  	_ =	shalt  }
0x70: {  	_ =	shalt  }
0x71: {  	_ =	shalt  }
0x72: {  	_ =	shalt  }
0x73: {  	_ =	shalt  }
0x74: {  	_ =	shalt  }
0x75: {  	_ =	shalt  }
0x76: {  	_ =	shalt  }
0x77: {  	_ =	shalt  }
0x78: {  	_ =	shalt  }
0x79: {  	_ =	shalt  }
0x7a: {  	_ =	shalt  }
0x7b: {  	_ =	shalt  }
0x7c: {  	_ =	shalt  }
0x7d: {  	_ =	shalt  }
0x7e: {  	_ =	shalt  }
0x7f: {  	_ =	shalt  }
0x80: {  	_ =	shalt  }
0x81: {  	_ =	shalt  }
0x82: {  	_ =	shalt  }
0x83: {  	_ =	shalt  }
0x84: {  	_ =	shalt  }
0x85: {  	_ =	shalt  }
0x86: {  	_ =	shalt  }
0x87: {  	_ =	shalt  }
.Lfunc_end0:
.L_simem_size_0:
called_computation_lowered:
.L_overlay_start_0:
0x88: {  	s2 =	sld [smem:$0x3FD9]  }
0x89: {  	s3 =	sld [smem:$0x3FFE];
	_ =	sdelay $0x1  }
0x8a: {  	s1 =	srdreg.scid  }
0x8b: {  	s0 =	sand.u32 $0x1, s1  }
0x8c: {  	s17 =	sshll.u32 s0, $0xA;
	s2 =	sadd.s32 s3, s2  }
0x8d: {  	s2 =	sadd.s32 s2, s17  }
0x8e: {  	[smem:$0x3FBC] =	sst s2  }
0x8f: {  	_ = 	snop  }
0x90: {  	s2 =	sld [smem:$0x3FD0];
	(tm) =	ssettm $0x1  }
0x91: {  	s18 =	sld [smem:$0x3FFB];
	_ =	sdelay $0x3  }
0x92: {  	_ =	strace s18  }
0x93: {  	s3 =	sld [smem:$0x3FFC];
	_ =	sdelay $0x3  }
0x94: {  	_ =	strace s3  }
0x95: {  	s3 =	sld [smem:$0x3FFD];
	_ =	sdelay $0x3  }
0x96: {  	_ =	strace s3  }
0x97: {  	_ =	strace $0x8FFFFFFF  }
0x98: {  	s19 =	sld [smem:$0x3FDB];
	_ =	sdelay $0x1  }
0x99: {  	s4 =	simm.s32 $_scs_section_size  }
0x9a: {  	s5 =	simm.s32 $_size__tile_overlayer_lowered;
	s6 =	simm.s32 $_tile_overlayer_lowered  }
0x9b: {  	s22 =	simm.s32 $0x1BFF;
	s21 =	sshll.u32 s6, $0x1;
	s3 =	sadd.s32 s4, s19  }
0x9c: {  	s7 =	simm.s32 $0x0;
	s20 =	sshll.u32 s5, $0x1;
	s5 =	sadd.s32 s21, s3  }
0x9d: {  	[timem:s7], [sflag:s22] =	dma.local [hbm:s5], s20  }
0x9e: {  	_ =	swait.ge [sflag:s22], s20  }
0x9f: {  	s4 =	ssub.s32 $0x0, s20;
	[sflag:s22] =	ssyncset.done $0x0  }
0xa0: {  	[sflag:s22] =	ssyncadd.s32 s4;
	_ =	sdelay $0x1  }
0xa1: {  	s23 =	simm.s32 $0x1B8B  }
0xa2: {  	_ =	swait.ge [sflag:s23], $0x1  }
0xa3: {  	[sflag:s23] =	ssyncset.done $0x0  }
0xa4: {  	s25 =	simm.s32 $0x1B8E;
	s24 =	sld [smem:$0x3FFE];
	[sflag:s23] =	ssyncadd.s32 $0xFFFFFFFF  }
0xa5: {  	s26 =	simm.s32 $execute0_lowered;
	[smem:$0x3FD2] =	sst s25  }
0xa6: {  	s5 =	sshll.u32 s26, $0x1;
	_ =	strace $0x80000046;
	[dreg:$0x1] =	wrdreg $0xFFFFFFFF  }
0xa7: {  	s28 =	simm.s32 $_size_execute0_lowered;
	s3 =	sadd.s32 s3, s5;
	[dreg:$0x0] =	wrdreg $0x0  }
0xa8: {  	s5 =	sshll.u32 s28, $0x1;
	[dreg:$0x2] =	wrdreg s3  }
0xa9: {  	[dreg:$0x3] =	wrdreg s5  }
0xaa: {  	[dreg:$0x4] =	wrdreg $0xC0  }
0xab: {  	_ =	task [dreg:s7], $0x5FFFF  }
0xac: {  	[dreg:$0x1] =	wrdreg $0xFFFFFFFF  }
0xad: {  	[dreg:$0x0] =	wrdreg $0x60  }
0xae: {  	[dreg:$0x2] =	wrdreg s24  }
0xaf: {  	[dreg:$0x3] =	wrdreg s2  }
0xb0: {  	[dreg:$0x4] =	wrdreg $0x3CE00  }
0xb1: {  	[dreg:$0x5] =	wrdreg $0x9  }
0xb2: {  	_ =	task.clear_ibuf [dreg:s7], $0x6FFFF;
	_ =	strace $0x90000046  }
0xb3: {  	s29 =	simm.s32 $0x9;
	_ =	strace $0x80000048  }
0xb4: {  	_ =	swait.ge [sflag:s29], $0x1  }
0xb5: {  	[sflag:s29] =	ssyncadd.s32 $0xFFFFFFFF  }
0xb6: {  	_ =	strace $0x90000048  }
0xb7: {  	_ =	sfence  }
0xb8: {  	s30 =	sld [smem:$0x0];
	_ =	sdelay $0x2  }
0xb9: {  	s31 =	sshll.u32 s1, $0xD;
	s1 =	sshrl.u32 s1, $0x2  }
0xba: {  	s3 =	sand.u32 $0x4000, s31;
	s1 =	sadd.s32 s1, s30  }
0xbb: {  	s0 =	sor.u32 s3, s0;
	s1 =	sshll.u32 s1, $0x11  }
0xbc: {  	s0 =	sor.u32 s1, s0  }
0xbd: {  	s0 =	sadd.s32 $0x8F2B, s0  }
0xbe: {  	[sflag:s0] =	ssyncadd.remote.s32 $0x1  }
0xbf: {  	_ =	sfence.sel $0xFFFF  }
0xc0: {  	[dreg:$0x0] =	wrdreg $0xFFFFFFFF;
	(pc) =	sbr.abs _section_cstart, $3  }
0xc1: {  	[dreg:$0x1] =	wrdreg $0xFFFFFFFF  }
0xc2: {  	_ =	task.clear_ibuf [dreg:s7], $0x2FFFF;
	_ =	strace $0x9FFFFFFF  }
0xc3: {  	(tm) =	ssettm $0x7FFFFFFF  }
tec
execute0_lowered:
.L_overlay_start_1:
0x0: {  	(tag) =	ssettag $0x1  }
0x1: {  	s0 =	rddreg [dreg:$0x0]  }
0x2: {  	s1 =	rddreg [dreg:$0x1]  }
0x3: {  	s2 =	rddreg [dreg:$0x2];
	s4 =	simm.s32 $0x0;
	s3 =	stileid.u32  }
0x4: {  	s7 =	srdreg.scid;
	s17 =	simm.s32 $0x1;
	s18 =	simm.s32 $0x2  }
0x5: {  	s19 =	simm.s32 $0x1F40;
	s20 =	simm.s32 $0x2810;
	s21 =	simm.s32 $0x80  }
0x6: {  	s22 =	simm.s32 $0x38E0;
	s24 =	simm.s32 $0x0;
	s9 =	smul.u32 $0x30E0, s3  }
0x7: {  	s5 =	sadd.s32 $0x189C00, s0;
	s10 =	sand.u32 $0x1, s7;
	s7 =	smul.u32 $0x186A0, s3  }
0x8: {  	[smem:$0x7FF] =	sst s4;
	s6 =	sadd.s32 $0x1D3200, s0;
	s13 =	smul.u32 $0x62000, s3  }
0x9: {  	s8 =	sadd.s32 $0x1A2400, s0;
	s16 =	smul.u32 $0x61C00, s3;
	s30 =	sshll.u32 s3, $0x6  }
0xa: {  	v2 =	vlaneseq.u32;
	_ =	strace $0x80000047;
	s28 =	ssub.s32 $0x2, s10;
	s15 =	smul.u32 $0x30E00, s10  }
0xb: {  	v1 =	vimm.s32 $0x0;
	v3 =	vor.u32 $0x30E00, v2;
	s0 =	sadd.s32 s9, s0;
	s11 =	sshrl.u32 s28, $0x1;
	s12 =	sshrl.u32 s7, $0x3  }
.Ltmp0:
0xc: {  	v4 =	vor.u32 $0x30E10, v2;
	v5 =	vor.u32 $0x10, v2;
	v6 =	vor.u32 $0x30E20, v2;
	s29 =	sshrl.u32 s13, $0x2;
	s31 =	sshrl.u32 s16, $0x2;
	(pc) =	sbr.rel .LBB2_1-.Ltmp0, $4  }
0xd: {  	v7 =	vor.u32 $0x20, v2;
	v8 =	vor.u32 $0x30E30, v2;
	v9 =	vor.u32 $0x30, v2;
	s16 =	simm.s32 $0x3;
	s14 =	ssub.s32 s28, s11;
	s9 =	sadd.s32 s6, s12  }
0xe: {  	v10 =	vor.u32 $0x30E40, v2;
	v11 =	vor.u32 $0x40, v2;
	v12 =	vor.u32 $0x30E50, v2;
	s10 =	sadd.s32 s8, s12;
	s11 =	sadd.s32 s29, s2;
	s0 =	sadd.s32 s15, s0  }
0xf: {  	v13 =	vor.u32 $0x50, v2;
	v14 =	vor.u32 $0x30E60, v2;
	v15 =	vor.u32 $0x60, v2;
	s12 =	sor.u32 $0x1C03, s30;
	s13 =	sadd.s32 $0x204000, s0;
	s0 =	sadd.s32 s31, s2  }
0x10: {  	v16 =	vor.u32 $0x30E70, v2;
	v17 =	vor.u32 $0x70, v2;
	v0 =	vmov s15;
	s15 =	simm.s32 $0xFA0;
	s14 =	smax.u32 s14, $0x1;
	s23 =	sshrl.u32 s0, $0x3  }
.LBB2_14:
0x11: {  	[sflag:s16] =	ssyncadd.s32 $0xFFFFFC00  }
.LBB2_15:
0x12: {  	[bflag:$0x0] =	sbarrier.arrive $0xFFFF;
	s24 =	sadd.s32 $0x1, s24  }
0x13: {  	[hbm:s13], [sflag:s12] =	dma.local [spmem:s23], $0x30E0  }
0x14: {  	p0 =	sne.s32 s24, s14  }
.Ltmp1:
0x15: {  	_ =	swait.ge [sflag:s16], $0x30E0;
	(pc) =	sbr.rel @!p0 .LBB2_16-.Ltmp1, $3  }
0x16: {  	[sflag:s16] =	ssyncset.done $0x0  }
0x17: {  	[sflag:s16] =	ssyncadd.s32 $0xFFFFCF20  }
0x18: {  	[bflag:$0x0] =	sbarrier.arrive $0xFFFF;
	_ =	sdelay $0x1  }
.LBB2_1:
0x19: {  	[tilespmem:s4], [sflag:$0x2] =	stream.linear.gather [hbm4b:s9+s4], $0x7D0, $0x38;
	[tilespmem:$0x1C4E0] =	vst v63  }
0x1a: {  	s0 =	sadd.s32 $0x0, s11  }
0x1b: {  	s0 =	sshrl.u32 s0, $0x3  }
0x1c: {  	[tilespmem:s15], [sflag:$0x2] =	stream.linear.gather [hbm4b:s10+s4], $0x7D0, $0x38;
	[tilespmem:$0x1C4E0] =	vst v63  }
0x1d: {  	[spmem:s0], [sflag:s12] =	dma.local [hbm:s1], $0x80  }
0x1e: {  	s0 =	simm.s32 $0x1000;
	_ =	swait.ge [sflag:s16], $0x80  }
.LBB2_2:
0x1f: {  	s25 =	sshra.s32 s0, $0x2;
	[sflag:s16] =	ssyncset.done $0x0;
	p0 =	sne.s32 s0, $0x61000  }
.Ltmp2:
0x20: {  	s25 =	sadd.s32 s25, s11;
	[sflag:s16] =	ssyncadd.s32 $0xFFFFFF80;
	(pc) =	sbr.rel @p0 .LBB2_2-.Ltmp2, $4  }
0x21: {  	s0 =	sadd.s32 $0x1000, s0;
	s25 =	sshrl.u32 s25, $0x3  }
0x22: {  	[spmem:s25], [sflag:s12] =	dma.local [hbm:s1], $0x80  }
0x23: {  	_ = 	snop  }
0x24: {  	_ =	swait.ge [sflag:s16], $0x80  }
.Ltmp3:
0x25: {  	(pc) =	sbr.rel .LBB2_4-.Ltmp3, $4  }
0x26: {  	[sflag:s16] =	ssyncset.done $0x0  }
0x27: {  	[sflag:s16] =	ssyncadd.s32 $0xFFFFFF80  }
0x28: {  	[bflag:$0x0] =	sbarrier.arrive $0xFFFF  }
0x29: {  	s25 =	simm.s32 $0x0;
	p0 =	por $0x0, $0x0;
	s0 =	simm.s32 $0x0  }
.LBB2_9:
0x2a: {  	[sflag:s16] =	ssyncadd.s32 $0xFFFFFC00  }
.LBB2_10:
0x2b: {  	s0 =	sshll.u32 s28, $0x7  }
0x2c: {  	v18 =	vld [tilespmem:s0+$0x1F40];
	_ =	sdelay $0x4  }
0x2d: {  	[tilespmem:$0x1F40] =	vst v18  }
0x2e: {  	v18 =	vld [tilespmem:s0+$0x2810];
	_ =	sdelay $0x4  }
0x2f: {  	[tilespmem:$0x2810] =	vst v18  }
0x30: {  	v18 =	vld [tilespmem:s0+$0x1F50];
	_ =	sdelay $0x4  }
0x31: {  	[tilespmem:$0x1F50] =	vst v18  }
0x32: {  	v18 =	vld [tilespmem:s0+$0x2820];
	_ =	sdelay $0x4  }
0x33: {  	[tilespmem:$0x2820] =	vst v18  }
0x34: {  	v18 =	vld [tilespmem:s0+$0x1F60];
	_ =	sdelay $0x4  }
0x35: {  	[tilespmem:$0x1F60] =	vst v18  }
0x36: {  	v18 =	vld [tilespmem:s0+$0x2830];
	_ =	sdelay $0x4  }
0x37: {  	[tilespmem:$0x2830] =	vst v18  }
0x38: {  	v18 =	vld [tilespmem:s0+$0x1F70];
	_ =	sdelay $0x4  }
0x39: {  	[tilespmem:$0x1F70] =	vst v18  }
0x3a: {  	v18 =	vld [tilespmem:s0+$0x2840];
	_ =	sdelay $0x4  }
0x3b: {  	[tilespmem:$0x2840] =	vst v18  }
0x3c: {  	v18 =	vld [tilespmem:s0+$0x1F80];
	_ =	sdelay $0x4  }
0x3d: {  	[tilespmem:$0x1F80] =	vst v18  }
0x3e: {  	v18 =	vld [tilespmem:s0+$0x2850];
	_ =	sdelay $0x4  }
0x3f: {  	[tilespmem:$0x2850] =	vst v18  }
0x40: {  	v18 =	vld [tilespmem:s0+$0x1F90];
	_ =	sdelay $0x4  }
0x41: {  	[tilespmem:$0x1F90] =	vst v18  }
0x42: {  	v18 =	vld [tilespmem:s0+$0x2860];
	_ =	sdelay $0x4  }
0x43: {  	[tilespmem:$0x2860] =	vst v18  }
0x44: {  	v18 =	vld [tilespmem:s0+$0x1FA0];
	_ =	sdelay $0x4  }
0x45: {  	[tilespmem:$0x1FA0] =	vst v18  }
0x46: {  	v18 =	vld [tilespmem:s0+$0x2870];
	_ =	sdelay $0x4  }
0x47: {  	[tilespmem:$0x2870] =	vst v18  }
0x48: {  	v18 =	vld [tilespmem:s0+$0x1FB0];
	_ =	sdelay $0x4  }
0x49: {  	[tilespmem:$0x1FB0] =	vst v18  }
0x4a: {  	p1 =	sne.s32 s25, $0x32;
	v18 =	vld [tilespmem:s0+$0x2880]  }
.Ltmp4:
0x4b: {  	_ = 	snop;
	(pc) =	sbr.rel @!p1 .LBB2_11-.Ltmp4, $2  }
0x4c: {  	_ =	sdelay $0x2  }
0x4d: {  	p0 =	por !p0, !p0;
	s0 =	ssub.s32 s26, s0;
	[tilespmem:$0x2880] =	vst v18  }
.LBB2_4:
0x4e: {  	s26 =	simm.s32 $0x1;
	s28 =	smov.u32 s25  }
0x4f: {  	_ =	swait.ge [sflag:s18], $0x7D0;
	s25 =	sadd.s32 $0x1, s25;
	s26 =	simm.s32 @!p0 $0x0  }
0x50: {  	p1 =	seq.s32 s28, $0x31;
	[sflag:s18] =	ssyncset.done $0x0;
	s26 =	smul.u32 $0x1F40, s26  }
0x51: {  	s28 =	sand.u32 $0x1, s28;
	s29 =	smul.u32 @!p1 $0x7D0, s25;
	[sflag:s18] =	ssyncadd.s32 $0xFFFFF830  }
0x52: {  	s28 =	sxor.u32 @!p1 $0x1, s28;
	_ =	swait.ge [sflag:s18], $0x7D0  }
0x53: {  	s28 =	smul.u32 @!p1 $0x7D0, s28;
	s26 =	sshrl.u32 s26, $0x2;
	s29 =	sadd.s32 @!p1 s7, s29  }
0x54: {  	[sflag:s18] =	ssyncset.done $0x0;
	s30 =	sadd.s32 $0x40, s26;
	s29 =	sshrl.u32 @!p1 s29, $0x3  }
0x55: {  	s3 =	simm.s32 @!p1 $0x0;
	[sflag:s18] =	ssyncadd.s32 $0xFFFFF830;
	s31 =	sadd.s32 @!p1 s6, s29;
	v19 =	vmov s30  }
0x56: {  	[tilespmem:s28], [sflag:$0x2] =	stream.linear.gather @!p1 [hbm4b:s31+s3], $0x7D0, $0x38;
	[tilespmem:$0x1C4E0] =	vst v63  }
0x57: {  	s29 =	sadd.s32 @!p1 s8, s29;
	s28 =	sadd.s32 @!p1 $0xFA0, s28  }
0x58: {  	[tilespmem:s28], [sflag:$0x2] =	stream.linear.gather @!p1 [hbm4b:s29+s3], $0x7D0, $0x38;
	[tilespmem:$0x1C4E0] =	vst v63  }
0x59: {  	s3 =	simm.s32 $0x0  }
0x5a: {  	v18 =	vld.idx.msk [tilespmem:v19+s3+$0xFFFFFFC0 ss:$0x1], $0xffff;
	_ =	sdelay $0x1  }
0x5b: {  	v20 =	vld.idx.msk [tilespmem:v19+s3+$0xFFFFFFD0 ss:$0x1], $0xffff;
	_ =	sdelay $0x1  }
0x5c: {  	v21 =	vld.idx.msk [tilespmem:v19+s3+$0xFFFFFFE0 ss:$0x1], $0xffff  }
0x5d: {  	v22 =	vsub.s32 v18, v0  }
0x5e: {  	v18 =	vld.idx.msk [tilespmem:v19+s3+$0xFFFFFFF0 ss:$0x1], $0xffff;
	vm3 =	vlt.u32 v22, $0x30E00  }
0x5f: {  	v23 =	vsub.s32 v20, v0;
	v20 =	vsel vm3, $0x1, v1  }
0x60: {  	vm1 =	vlt.u32 v23, $0x30E00;
	(xrf0) =	vadd.scan.msk.s32 $0xffff, v20  }
0x61: {  	v24 =	vsub.s32 v21, v0;
	v20 =	vsel vm1, $0x1, v1  }
0x62: {  	vm2 =	vlt.u32 v24, $0x30E00;
	(xrf0) =	vadd.scan.msk.s32 $0xffff, v20  }
0x63: {  	v25 =	vsub.s32 v18, v0;
	v18 =	vsel vm2, $0x1, v1  }
0x64: {  	v20 =	vld.idx.msk [tilespmem:v19+s3+$0x0 ss:$0x1], $0xffff;
	vm4 =	vlt.u32 v25, $0x30E00;
	(xrf0) =	vadd.scan.msk.s32 $0xffff, v18  }
0x65: {  	v18 =	vsel vm4, $0x1, v1  }
0x66: {  	(xrf0) =	vadd.scan.msk.s32 $0xffff, v18;
	v21, _, _ =	vpop (xrf0)  }
0x67: {  	(v2sf) =	vpush v21, $0xF  }
0x68: {  	v26, _, _ =	vpop (xrf0)  }
0x69: {  	v27 =	vsub.s32 v20, v0;
	(v2sf) =	vpush v26, $0xF  }
0x6a: {  	vm0 =	vlt.u32 v27, $0x30E00;
	v28, _, _ =	vpop (xrf0)  }
0x6b: {  	v18 =	vsel vm0, $0x1, v1;
	(v2sf) =	vpush v28, $0xF  }
0x6c: {  	(xrf0) =	vadd.scan.msk.s32 $0xffff, v18;
	v29, _, _ =	vpop (xrf0)  }
0x6d: {  	(v2sf) =	vpush v29, $0xF;
	_ =	sdelay $0x3  }
0x6e: {  	s26 =	sadd.s32 $0xFC0, s26  }
0x6f: {  	v18 =	vmov s26;
	v30, _, _ =	vpop (xrf0)  }
0x70: {  	(v2sf) =	vpush v30, $0xF  }
0x71: {  	v20 =	vsel vm3, $0xFFFFFFFF, v1  }
0x72: {  	v20 =	vadd.s32 s0, v20  }
0x73: {  	v32 =	vsel vm1, $0xFFFFFFFF, v1;
	v21 =	vadd.s32 v21, v20;
	s31 =	spop (v2sf)  }
0x74: {  	v26 =	vadd.s32 v32, v26;
	v31 =	vld.idx.msk [tilespmem:v18+s3+$0xFFFFFFE0 ss:$0x1], $0xffff;
	s26 =	sadd.s32 s0, s31  }
0x75: {  	v33 =	vsel vm2, $0xFFFFFFFF, v1;
	v20 =	vld.idx.msk [tilespmem:v18+s3+$0x20 ss:$0x1], $0xffff;
	s30 =	spop (v2sf);
	v26 =	vadd.s32 s26, v26  }
0x76: {  	v28 =	vadd.s32 v33, v28;
	v61 =	vld.idx.msk [tilespmem:v18+s3+$0xFFFFFFF0 ss:$0x1], $0xffff;
	s0 =	sadd.s32 s26, s30  }
0x77: {  	v35 =	vsel vm4, $0xFFFFFFFF, v1;
	v34 =	vld.idx.msk [tilespmem:v18+s3+$0x10 ss:$0x1], $0xffff;
	s31 =	spop (v2sf);
	v28 =	vadd.s32 s0, v28  }
0x78: {  	v62 =	vld.idx.msk [tilespmem:v18+s3+$0x0 ss:$0x1], $0xffff;
	[tilespmem:v21+s19+$0x0] =	vst.idx.msk vm3, v22;
	v22 =	vadd.s32 v35, v29;
	s0 =	sadd.s32 s0, s31  }
0x79: {  	v63 =	vsel vm0, $0xFFFFFFFF, v1;
	[tilespmem:v21+s20+$0x0] =	vst.idx.msk vm3, v31;
	s30 =	spop (v2sf);
	v22 =	vadd.s32 s0, v22  }
0x7a: {  	v21 =	vadd.s32 v63, v30;
	s0 =	sadd.s32 s0, s30;
	[tilespmem:v26+s19+$0x0] =	vst.idx.msk vm1, v23  }
0x7b: {  	v21 =	vadd.s32 s0, v21;
	[tilespmem:v26+s20+$0x0] =	vst.idx.msk vm1, v61  }
0x7c: {  	[tilespmem:v28+s19+$0x0] =	vst.idx.msk vm2, v24  }
0x7d: {  	[tilespmem:v28+s20+$0x0] =	vst.idx.msk vm2, v62  }
0x7e: {  	[tilespmem:v22+s19+$0x0] =	vst.idx.msk vm4, v25  }
0x7f: {  	s31 =	spop (v2sf);
	[tilespmem:v22+s20+$0x0] =	vst.idx.msk vm4, v34  }
0x80: {  	s28 =	simm.s32 $0x140;
	s29 =	simm.s32 $0x280;
	s26 =	sadd.s32 s0, s31;
	[tilespmem:v21+s19+$0x0] =	vst.idx.msk vm0, v27  }
.LBB2_5:
0x81: {  	p1 =	sne.s32 s29, $0x1E00  }
0x82: {  	s30 =	sshra.s32 s28, $0x2;
	[tilespmem:v21+s20+$0x0] =	vst.idx.msk vm0, v20;
	s28 =	smov.u32 s29;
	s29 =	sadd.s32 $0x140, s29  }
0x83: {  	v20 =	vld.idx.msk [tilespmem:v19+s30+$0xFFFFFFC0 ss:$0x1], $0xffff  }
0x84: {  	v21 =	vld.idx.msk [tilespmem:v19+s30+$0xFFFFFFD0 ss:$0x1], $0xffff  }
0x85: {  	v22 =	vld.idx.msk [tilespmem:v19+s30+$0xFFFFFFE0 ss:$0x1], $0xffff  }
0x86: {  	v23 =	vld.idx.msk [tilespmem:v19+s30+$0xFFFFFFF0 ss:$0x1], $0xffff  }
0x87: {  	v24 =	vld.idx.msk [tilespmem:v19+s30+$0x0 ss:$0x1], $0xffff;
	_ =	sdelay $0x1  }
0x88: {  	v25 =	vsub.s32 v20, v0  }
0x89: {  	vm4 =	vlt.u32 v25, $0x30E00;
	v21 =	vsub.s32 v21, v0  }
0x8a: {  	v20 =	vsel vm4, $0x1, v1;
	vm2 =	vlt.u32 v21, $0x30E00;
	v22 =	vsub.s32 v22, v0  }
0x8b: {  	v26 =	vsel vm2, $0x1, v1;
	vm1 =	vlt.u32 v22, $0x30E00;
	v23 =	vsub.s32 v23, v0;
	(xrf0) =	vadd.scan.msk.s32 $0xffff, v20  }
0x8c: {  	v20 =	vsel vm1, $0x1, v1;
	vm3 =	vlt.u32 v23, $0x30E00;
	v24 =	vsub.s32 v24, v0;
	(xrf0) =	vadd.scan.msk.s32 $0xffff, v26  }
0x8d: {  	v26 =	vsel vm3, $0x1, v1;
	vm0 =	vlt.u32 v24, $0x30E00;
	(xrf0) =	vadd.scan.msk.s32 $0xffff, v20  }
0x8e: {  	v20 =	vsel vm0, $0x1, v1;
	(xrf0) =	vadd.scan.msk.s32 $0xffff, v26  }
0x8f: {  	(xrf0) =	vadd.scan.msk.s32 $0xffff, v20  }
0x90: {  	v20 =	vsel vm4, $0xFFFFFFFF, v1  }
0x91: {  	v20 =	vadd.s32 s26, v20;
	v26, _, _ =	vpop (xrf0)  }
0x92: {  	v27 =	vadd.s32 v26, v20;
	v28, _, _ =	vpop (xrf0);
	(v2sf) =	vpush v26, $0xF  }
0x93: {  	v26, _, _ =	vpop (xrf0);
	(v2sf) =	vpush v28, $0xF  }
0x94: {  	v29, _, _ =	vpop (xrf0);
	(v2sf) =	vpush v26, $0xF  }
0x95: {  	v30, _, _ =	vpop (xrf0);
	(v2sf) =	vpush v29, $0xF  }
0x96: {  	(v2sf) =	vpush v30, $0xF;
	_ =	sdelay $0xa  }
0x97: {  	v32 =	vsel vm2, $0xFFFFFFFF, v1;
	v31 =	vld.idx.msk [tilespmem:v18+s30+$0xFFFFFFE0 ss:$0x1], $0xffff;
	s0 =	spop (v2sf)  }
0x98: {  	v28 =	vadd.s32 v32, v28;
	v20 =	vld.idx.msk [tilespmem:v18+s30+$0x20 ss:$0x1], $0xffff;
	s0 =	sadd.s32 s26, s0;
	s3 =	spop (v2sf)  }
0x99: {  	v33 =	vsel vm1, $0xFFFFFFFF, v1;
	v32 =	vld.idx.msk [tilespmem:v18+s30+$0xFFFFFFF0 ss:$0x1], $0xffff;
	v28 =	vadd.s32 s0, v28;
	s0 =	sadd.s32 s0, s3;
	s3 =	spop (v2sf)  }
0x9a: {  	v26 =	vadd.s32 v33, v26;
	v34 =	vld.idx.msk [tilespmem:v18+s30+$0x10 ss:$0x1], $0xffff;
	s3 =	sadd.s32 s0, s3;
	s26 =	spop (v2sf)  }
0x9b: {  	v35 =	vsel vm3, $0xFFFFFFFF, v1;
	v26 =	vadd.s32 s0, v26;
	v33 =	vld.idx.msk [tilespmem:v18+s30+$0x0 ss:$0x1], $0xffff;
	s0 =	sadd.s32 s3, s26;
	s26 =	spop (v2sf)  }
0x9c: {  	[tilespmem:v27+s19+$0x0] =	vst.idx.msk vm4, v25;
	v25 =	vadd.s32 v35, v29;
	s26 =	sadd.s32 s0, s26  }
0x9d: {  	v29 =	vsel vm0, $0xFFFFFFFF, v1;
	[tilespmem:v27+s20+$0x0] =	vst.idx.msk vm4, v31;
	v25 =	vadd.s32 s3, v25  }
0x9e: {  	[tilespmem:v28+s19+$0x0] =	vst.idx.msk vm2, v21;
	v21 =	vadd.s32 v29, v30  }
0x9f: {  	[tilespmem:v28+s20+$0x0] =	vst.idx.msk vm2, v32;
	v21 =	vadd.s32 s0, v21  }
.Ltmp5:
0xa0: {  	[tilespmem:v26+s19+$0x0] =	vst.idx.msk vm1, v22;
	(pc) =	sbr.rel @p1 .LBB2_5-.Ltmp5, $4  }
0xa1: {  	[tilespmem:v26+s20+$0x0] =	vst.idx.msk vm1, v33  }
0xa2: {  	[tilespmem:v25+s19+$0x0] =	vst.idx.msk vm3, v23  }
0xa3: {  	[tilespmem:v25+s20+$0x0] =	vst.idx.msk vm3, v34  }
0xa4: {  	[tilespmem:v21+s19+$0x0] =	vst.idx.msk vm0, v24  }
0xa5: {  	_ =	sdelay $0x4  }
0xa6: {  	s0 =	sshra.s32 s28, $0x2;
	[tilespmem:v21+s20+$0x0] =	vst.idx.msk vm0, v20  }
0xa7: {  	v20 =	vld.idx.msk [tilespmem:v19+s0+$0xFFFFFFC0 ss:$0x1], $0xffff  }
0xa8: {  	v21 =	vld.idx.msk [tilespmem:v19+s0+$0xFFFFFFD0 ss:$0x1], $0xffff  }
0xa9: {  	v22 =	vld.idx.msk [tilespmem:v19+s0+$0xFFFFFFE0 ss:$0x1], $0xffff  }
0xaa: {  	v23 =	vld.idx.msk [tilespmem:v19+s0+$0xFFFFFFF0 ss:$0x1], $0xffff  }
0xab: {  	v19 =	vld.idx.msk [tilespmem:v19+s0+$0x0 ss:$0x1], $0xffff  }
0xac: {  	v20 =	vsub.s32 v20, v0  }
0xad: {  	v21 =	vsub.s32 v21, v0;
	vm4 =	vlt.u32 v20, $0x30E00  }
0xae: {  	v22 =	vsub.s32 v22, v0;
	vm3 =	vlt.u32 v21, $0x30E00;
	v24 =	vsel vm4, $0x1, v1  }
0xaf: {  	v23 =	vsub.s32 v23, v0;
	vm2 =	vlt.u32 v22, $0x30E00;
	v53 =	vsel vm3, $0x1, v1;
	(xrf0) =	vadd.scan.msk.s32 $0xffff, v24  }
0xb0: {  	v19 =	vsub.s32 v19, v0;
	vm15 =	vlt.u32 v23, $0x30E00;
	v25 =	vsel vm2, $0x1, v1;
	(xrf0) =	vadd.scan.msk.s32 $0xffff, v53  }
0xb1: {  	vm1 =	vlt.u32 v19, $0x30E00;
	v54 =	vsel vm15, $0x1, v1;
	(xrf0) =	vadd.scan.msk.s32 $0xffff, v25  }
0xb2: {  	v55 =	vsel vm1, $0x1, v1;
	(xrf0) =	vadd.scan.msk.s32 $0xffff, v54  }
0xb3: {  	(xrf0) =	vadd.scan.msk.s32 $0xffff, v55;
	_ =	sdelay $0x1  }
0xb4: {  	v56, _, _ =	vpop (xrf0)  }
0xb5: {  	(v2sf) =	vpush v56, $0xF;
	v57, _, _ =	vpop (xrf0)  }
0xb6: {  	v26, _, _ =	vpop (xrf0);
	(v2sf) =	vpush v57, $0xF  }
0xb7: {  	v27, _, _ =	vpop (xrf0);
	(v2sf) =	vpush v26, $0xF  }
0xb8: {  	v28, _, _ =	vpop (xrf0);
	(v2sf) =	vpush v27, $0xF  }
0xb9: {  	(v2sf) =	vpush v28, $0xF;
	_ =	sdelay $0xa  }
0xba: {  	v30 =	vsel vm3, $0xFFFFFFFF, v1;
	s3 =	spop (v2sf)  }
0xbb: {  	v29 =	vsel vm4, $0xFFFFFFFF, v1;
	v25 =	vadd.s32 v30, v57;
	s3 =	sadd.s32 s26, s3;
	s29 =	spop (v2sf)  }
0xbc: {  	v29 =	vadd.s32 s26, v29;
	v25 =	vadd.s32 s3, v25;
	s3 =	sadd.s32 s3, s29;
	s30 =	spop (v2sf)  }
0xbd: {  	v24 =	vadd.s32 v56, v29;
	s28 =	sadd.s32 s3, s30;
	s31 =	spop (v2sf)  }
0xbe: {  	v58 =	vld.idx.msk [tilespmem:v18+s0+$0xFFFFFFE0 ss:$0x1], $0xffff;
	v32 =	vsel vm2, $0xFFFFFFFF, v1;
	s29 =	sadd.s32 s28, s31;
	s30 =	spop (v2sf)  }
0xbf: {  	v31 =	vld.idx.msk [tilespmem:v18+s0+$0x20 ss:$0x1], $0xffff;
	v26 =	vadd.s32 v32, v26;
	s26 =	sadd.s32 s29, s30  }
0xc0: {  	v59 =	vld.idx.msk [tilespmem:v18+s0+$0xFFFFFFF0 ss:$0x1], $0xffff;
	v26 =	vadd.s32 s3, v26;
	s3 =	sand.u32 $0x7F, s26  }
0xc1: {  	v33 =	vld.idx.msk [tilespmem:v18+s0+$0x10 ss:$0x1], $0xffff;
	v60 =	vsel vm15, $0xFFFFFFFF, v1;
	s31 =	sshra.s32 s26, $0x1F;
	p1 =	slt.s32 s26, $0x1;
	p2 =	sne.s32 s3, $0x0  }
0xc2: {  	v18 =	vld.idx.msk [tilespmem:v18+s0+$0x0 ss:$0x1], $0xffff;
	v61 =	vadd.s32 v60, v27;
	[tilespmem:v24+s19+$0x0] =	vst.idx.msk vm4, v20;
	s0 =	sshrl.u32 s31, $0x19;
	p1 =	por !p1, !p2  }
0xc3: {  	v62 =	vsel vm1, $0xFFFFFFFF, v1;
	[tilespmem:v24+s20+$0x0] =	vst.idx.msk vm4, v58;
	v20 =	vadd.s32 s28, v61;
	s3 =	simm.s32 $0x1;
	s0 =	sadd.s32 s0, s26;
	p1 =	por !p1, !p1  }
0xc4: {  	v63 =	vadd.s32 v62, v28;
	[tilespmem:v25+s19+$0x0] =	vst.idx.msk vm3, v21;
	s0 =	sshra.s32 s0, $0x7;
	s3 =	simm.s32 @!p1 $0x0  }
0xc5: {  	v21 =	vadd.s32 s29, v63;
	[tilespmem:v25+s20+$0x0] =	vst.idx.msk vm3, v59;
	s28 =	ssub.s32 s0, s3  }
0xc6: {  	[tilespmem:v26+s19+$0x0] =	vst.idx.msk vm2, v22;
	p1 =	slt.s32 s28, $0x1  }
.Ltmp6:
0xc7: {  	[tilespmem:v26+s20+$0x0] =	vst.idx.msk vm2, v18;
	(pc) =	sbr.rel @p1 .LBB2_10-.Ltmp6, $4  }
0xc8: {  	[tilespmem:v20+s19+$0x0] =	vst.idx.msk vm15, v23  }
0xc9: {  	[tilespmem:v20+s20+$0x0] =	vst.idx.msk vm15, v33  }
0xca: {  	[tilespmem:v21+s19+$0x0] =	vst.idx.msk vm1, v19  }
0xcb: {  	[tilespmem:v21+s20+$0x0] =	vst.idx.msk vm1, v31  }
0xcc: {  	s29 =	simm.s32 $0x2810;
	s0 =	simm.s32 $0x1F80  }
0xcd: {  	[tilespmem:s22], [sflag:$0x1] =	stream.indirect.gather [hbm4b:s5+s21], $0x8, s29, s21, $0xb8;
	[tilespmem:$0x1C4E0] =	vst v63  }
0xce: {  	v18 =	vld [tilespmem:s0+$0xFFFFFFC0];
	_ =	sdelay $0x3  }
0xcf: {  	s30 =	simm.s32 $0x30E0  }
0xd0: {  	[tilespmem:s30+$0x0] =	vst v18  }
0xd1: {  	v18 =	vld [tilespmem:s0+$0xFFFFFFD0];
	_ =	sdelay $0x4  }
0xd2: {  	[tilespmem:s30+$0x10] =	vst v18  }
0xd3: {  	v18 =	vld [tilespmem:s0+$0xFFFFFFE0];
	_ =	sdelay $0x4  }
0xd4: {  	[tilespmem:s30+$0x20] =	vst v18  }
0xd5: {  	v18 =	vld [tilespmem:s0+$0xFFFFFFF0];
	_ =	sdelay $0x4  }
0xd6: {  	[tilespmem:s30+$0x30] =	vst v18  }
0xd7: {  	v18 =	vld [tilespmem:s0+$0x0];
	_ =	sdelay $0x4  }
0xd8: {  	[tilespmem:s30+$0x40] =	vst v18  }
0xd9: {  	v18 =	vld [tilespmem:s0+$0x10];
	_ =	sdelay $0x4  }
0xda: {  	[tilespmem:s30+$0x50] =	vst v18  }
0xdb: {  	v18 =	vld [tilespmem:s0+$0x20];
	_ =	sdelay $0x4  }
0xdc: {  	[tilespmem:s30+$0x60] =	vst v18  }
0xdd: {  	v18 =	vld [tilespmem:s0+$0x30];
	_ =	sdelay $0x4  }
0xde: {  	[tilespmem:s30+$0x70] =	vst v18  }
0xdf: {  	p1 =	sne.s32 s28, $0x1;
	_ =	swait.ge [sflag:s17], $0x400  }
.Ltmp7:
0xe0: {  	[sflag:s17] =	ssyncset.done $0x0;
	(pc) =	sbr.rel @!p1 .LBB2_9-.Ltmp7, $4  }
0xe1: {  	[sflag:s17] =	ssyncadd.s32 $0xFFFFFC00  }
0xe2: {  	[spmem:s2] =	stream.indirect.scatter.add.f32 [tilespmem:s22], [sflag:$0x3], $0x8, s30, s21, $0xb8;
	[tilespmem:$0x1C4E0] =	vst v63  }
0xe3: {  	_ =	swait.ge [sflag:s16], $0x400  }
0xe4: {  	s31 =	sadd.s32 $0xFFFFFFFF, s28;
	s0 =	simm.s32 $0x2000;
	[sflag:s16] =	ssyncset.done $0x0  }
.LBB2_8:
0xe5: {  	[sflag:s16] =	ssyncadd.s32 $0xFFFFFC00;
	s30 =	sadd.s32 $0x80, s30;
	s29 =	sadd.s32 $0x80, s29  }
0xe6: {  	[tilespmem:s22], [sflag:$0x1] =	stream.indirect.gather [hbm4b:s5+s21], $0x8, s29, s21, $0xb8;
	[tilespmem:$0x1C4E0] =	vst v63  }
0xe7: {  	p1 =	sne.s32 s31, $0x1;
	s31 =	sadd.s32 $0xFFFFFFFF, s31;
	v18 =	vld [tilespmem:s0+$0xFFFFFFC0];
	_ =	sdelay $0x4  }
0xe8: {  	[tilespmem:s30+$0x0] =	vst v18  }
0xe9: {  	v18 =	vld [tilespmem:s0+$0xFFFFFFD0];
	_ =	sdelay $0x4  }
0xea: {  	[tilespmem:s30+$0x10] =	vst v18  }
0xeb: {  	v18 =	vld [tilespmem:s0+$0xFFFFFFE0];
	_ =	sdelay $0x4  }
0xec: {  	[tilespmem:s30+$0x20] =	vst v18  }
0xed: {  	v18 =	vld [tilespmem:s0+$0xFFFFFFF0];
	_ =	sdelay $0x4  }
0xee: {  	[tilespmem:s30+$0x30] =	vst v18  }
0xef: {  	v18 =	vld [tilespmem:s0+$0x0];
	_ =	sdelay $0x4  }
0xf0: {  	[tilespmem:s30+$0x40] =	vst v18  }
0xf1: {  	v18 =	vld [tilespmem:s0+$0x10];
	_ =	sdelay $0x4  }
0xf2: {  	[tilespmem:s30+$0x50] =	vst v18  }
0xf3: {  	v18 =	vld [tilespmem:s0+$0x20];
	_ =	sdelay $0x4  }
0xf4: {  	[tilespmem:s30+$0x60] =	vst v18  }
0xf5: {  	v18 =	vld [tilespmem:s0+$0x30];
	_ =	sdelay $0x4  }
0xf6: {  	[tilespmem:s30+$0x70] =	vst v18  }
0xf7: {  	_ =	swait.ge [sflag:s17], $0x400  }
.Ltmp8:
0xf8: {  	[sflag:s17] =	ssyncset.done $0x0;
	(pc) =	sbr.rel @p1 .LBB2_8-.Ltmp8, $4  }
0xf9: {  	[sflag:s17] =	ssyncadd.s32 $0xFFFFFC00  }
0xfa: {  	[spmem:s2] =	stream.indirect.scatter.add.f32 [tilespmem:s22], [sflag:$0x3], $0x8, s30, s21, $0xb8;
	[tilespmem:$0x1C4E0] =	vst v63  }
0xfb: {  	_ =	swait.ge [sflag:s16], $0x400  }
0xfc: {  	s0 =	sadd.s32 $0x80, s0;
	[sflag:s16] =	ssyncset.done $0x0  }
.Ltmp9:
0xfd: {  	_ = 	snop;
	(pc) =	sbr.rel .LBB2_9-.Ltmp9, $1  }
0xfe: {  	_ =	sdelay $0x3  }
.LBB2_11:
0xff: {  	[tilespmem:s0+$0x1F40] =	vst v3;
	s3 =	sand.u32 $0xFFFFFFF8, s0;
	s25 =	sand.u32 $0x7, s26  }
0x100: {  	[tilespmem:s0+$0x2810] =	vst v2;
	s3 =	sor.u32 s25, s3  }
0x101: {  	[tilespmem:s3+$0x1F50] =	vst v4  }
0x102: {  	s29 =	sadd.s32 $0x7F, s0;
	[tilespmem:s3+$0x2820] =	vst v5  }
0x103: {  	s30 =	sand.u32 $0x7F, s29;
	[tilespmem:s3+$0x1F60] =	vst v6  }
0x104: {  	s31 =	sshra.s32 s29, $0x1F;
	p1 =	slt.s32 s29, $0x1;
	[tilespmem:s3+$0x2830] =	vst v7;
	p0 =	sne.s32 s30, $0x0  }
0x105: {  	[tilespmem:s3+$0x1F70] =	vst v8;
	s25 =	sshrl.u32 s31, $0x19;
	p0 =	por !p1, !p0  }
0x106: {  	[tilespmem:s3+$0x2840] =	vst v9;
	s0 =	sadd.s32 s25, s29;
	s25 =	simm.s32 $0x1;
	p0 =	por !p0, !p0  }
0x107: {  	[tilespmem:s3+$0x1F80] =	vst v10;
	s0 =	sshra.s32 s0, $0x7;
	s25 =	simm.s32 @!p0 $0x0  }
0x108: {  	[tilespmem:s3+$0x2850] =	vst v11;
	s0 =	ssub.s32 s0, s25  }
0x109: {  	[tilespmem:s3+$0x1F90] =	vst v12;
	p0 =	slt.s32 s0, $0x1  }
.Ltmp10:
0x10a: {  	[tilespmem:s3+$0x2860] =	vst v13;
	(pc) =	sbr.rel @p0 .LBB2_15-.Ltmp10, $4  }
0x10b: {  	[tilespmem:s3+$0x1FA0] =	vst v14  }
0x10c: {  	[tilespmem:s3+$0x2870] =	vst v15  }
0x10d: {  	[tilespmem:s3+$0x1FB0] =	vst v16  }
0x10e: {  	[tilespmem:s3+$0x2880] =	vst v17  }
0x10f: {  	s25 =	simm.s32 $0x2810;
	s3 =	simm.s32 $0x1F80  }
0x110: {  	[tilespmem:s22], [sflag:$0x1] =	stream.indirect.gather [hbm4b:s5+s21], $0x8, s25, s21, $0xb8;
	[tilespmem:$0x1C4E0] =	vst v63  }
0x111: {  	v18 =	vld [tilespmem:s3+$0xFFFFFFC0];
	_ =	sdelay $0x3  }
0x112: {  	s26 =	simm.s32 $0x30E0  }
0x113: {  	[tilespmem:s26+$0x0] =	vst v18  }
0x114: {  	v18 =	vld [tilespmem:s3+$0xFFFFFFD0];
	_ =	sdelay $0x4  }
0x115: {  	[tilespmem:s26+$0x10] =	vst v18  }
0x116: {  	v18 =	vld [tilespmem:s3+$0xFFFFFFE0];
	_ =	sdelay $0x4  }
0x117: {  	[tilespmem:s26+$0x20] =	vst v18  }
0x118: {  	v18 =	vld [tilespmem:s3+$0xFFFFFFF0];
	_ =	sdelay $0x4  }
0x119: {  	[tilespmem:s26+$0x30] =	vst v18  }
0x11a: {  	v18 =	vld [tilespmem:s3+$0x0];
	_ =	sdelay $0x4  }
0x11b: {  	[tilespmem:s26+$0x40] =	vst v18  }
0x11c: {  	v18 =	vld [tilespmem:s3+$0x10];
	_ =	sdelay $0x4  }
0x11d: {  	[tilespmem:s26+$0x50] =	vst v18  }
0x11e: {  	v18 =	vld [tilespmem:s3+$0x20];
	_ =	sdelay $0x4  }
0x11f: {  	[tilespmem:s26+$0x60] =	vst v18  }
0x120: {  	v18 =	vld [tilespmem:s3+$0x30];
	_ =	sdelay $0x4  }
0x121: {  	[tilespmem:s26+$0x70] =	vst v18  }
0x122: {  	p0 =	sne.s32 s0, $0x1;
	_ =	swait.ge [sflag:s17], $0x400  }
.Ltmp11:
0x123: {  	[sflag:s17] =	ssyncset.done $0x0;
	(pc) =	sbr.rel @!p0 .LBB2_14-.Ltmp11, $4  }
0x124: {  	[sflag:s17] =	ssyncadd.s32 $0xFFFFFC00  }
0x125: {  	[spmem:s2] =	stream.indirect.scatter.add.f32 [tilespmem:s22], [sflag:$0x3], $0x8, s26, s21, $0xb8;
	[tilespmem:$0x1C4E0] =	vst v63  }
0x126: {  	_ =	swait.ge [sflag:s16], $0x400  }
0x127: {  	s28 =	sadd.s32 $0xFFFFFFFF, s0;
	s0 =	simm.s32 $0x2000;
	[sflag:s16] =	ssyncset.done $0x0  }
.LBB2_13:
0x128: {  	[sflag:s16] =	ssyncadd.s32 $0xFFFFFC00;
	s26 =	sadd.s32 $0x80, s26;
	s25 =	sadd.s32 $0x80, s25  }
0x129: {  	[tilespmem:s22], [sflag:$0x1] =	stream.indirect.gather [hbm4b:s5+s21], $0x8, s25, s21, $0xb8;
	[tilespmem:$0x1C4E0] =	vst v63  }
0x12a: {  	p0 =	sne.s32 s28, $0x1;
	s28 =	sadd.s32 $0xFFFFFFFF, s28;
	v18 =	vld [tilespmem:s0+$0xFFFFFFC0];
	_ =	sdelay $0x4  }
0x12b: {  	[tilespmem:s26+$0x0] =	vst v18  }
0x12c: {  	v18 =	vld [tilespmem:s0+$0xFFFFFFD0];
	_ =	sdelay $0x4  }
0x12d: {  	[tilespmem:s26+$0x10] =	vst v18  }
0x12e: {  	v18 =	vld [tilespmem:s0+$0xFFFFFFE0];
	_ =	sdelay $0x4  }
0x12f: {  	[tilespmem:s26+$0x20] =	vst v18  }
0x130: {  	v18 =	vld [tilespmem:s0+$0xFFFFFFF0];
	_ =	sdelay $0x4  }
0x131: {  	[tilespmem:s26+$0x30] =	vst v18  }
0x132: {  	v18 =	vld [tilespmem:s0+$0x0];
	_ =	sdelay $0x4  }
0x133: {  	[tilespmem:s26+$0x40] =	vst v18  }
0x134: {  	v18 =	vld [tilespmem:s0+$0x10];
	_ =	sdelay $0x4  }
0x135: {  	[tilespmem:s26+$0x50] =	vst v18  }
0x136: {  	v18 =	vld [tilespmem:s0+$0x20];
	_ =	sdelay $0x4  }
0x137: {  	[tilespmem:s26+$0x60] =	vst v18  }
0x138: {  	v18 =	vld [tilespmem:s0+$0x30];
	_ =	sdelay $0x4  }
0x139: {  	[tilespmem:s26+$0x70] =	vst v18  }
0x13a: {  	_ =	swait.ge [sflag:s17], $0x400  }
.Ltmp12:
0x13b: {  	[sflag:s17] =	ssyncset.done $0x0;
	(pc) =	sbr.rel @p0 .LBB2_13-.Ltmp12, $4  }
0x13c: {  	[sflag:s17] =	ssyncadd.s32 $0xFFFFFC00  }
0x13d: {  	[spmem:s2] =	stream.indirect.scatter.add.f32 [tilespmem:s22], [sflag:$0x3], $0x8, s26, s21, $0xb8;
	[tilespmem:$0x1C4E0] =	vst v63  }
0x13e: {  	_ =	swait.ge [sflag:s16], $0x400  }
0x13f: {  	s0 =	sadd.s32 $0x80, s0;
	[sflag:s16] =	ssyncset.done $0x0  }
.Ltmp13:
0x140: {  	_ = 	snop;
	(pc) =	sbr.rel .LBB2_14-.Ltmp13, $1  }
0x141: {  	_ =	sdelay $0x3  }
.LBB2_16:
0x142: {  	_ =	sfence.sel $0x180000  }
0x143: {  	[bflag:$0x0] =	sbarrier.arrive $0xFFFF  }
0x144: {  	_ =	strace $0x90000047  }
0x145: {  	s0 =	stileid.u32;
	[bflag:$0x2] =	sbarrier.arrive $0xFFFF  }
0x146: {  	p0 =	sne.s32 s0, $0x0;
	s0 =	rddreg [dreg:$0x3]  }
0x147: {  	s0 =	sadd.s32 @!p0 $0x100000, s0  }
0x148: {  	[sflag:s0] =	ssyncadd.tile.s32 @!p0 $0x1;
	_ =	shalt  }
.Lfunc_end2:
_tile_overlayer_lowered:
.L_overlay_start_2:
0x149: {  	(tag) =	ssettag $0x2  }
0x14a: {  	s0 =	rddreg [dreg:$0x0];
	s2 =	stileid.u32  }
0x14b: {  	s1 =	rddreg [dreg:$0x1];
	p0 =	sne.s32 s2, $0x0  }
0x14c: {  	s3 =	rddreg [dreg:$0x2];
	[bflag:$0x3] =	sbarrier.arrive $0xFFFF;
	s2 =	simm.s32 @!p0 $0x1C03  }
0x14d: {  	[timem:s3], [sflag:s2] =	dma.local @!p0 [hbm:s0], s1  }
0x14e: {  	s0 =	simm.s32 @!p0 $0x3  }
0x14f: {  	_ =	swait.ge @!p0 [sflag:s0], s1  }
0x150: {  	s1 =	ssub.s32 @!p0 $0x0, s1;
	[sflag:s0] =	ssyncset.done @!p0 $0x0  }
0x151: {  	[sflag:s0] =	ssyncadd.s32 @!p0 s1  }
0x152: {  	[bflag:$0x3] =	sbarrier.arrive $0xFFFF  }
0x153: {  	_ =	shalt  }

// kernel: kernel.9.cloned.1.call-start
scs
__scs_entry_jumppad:
0x0: {  	(pc) =	sbr.rel $0x88, $3  }
0x1: {  	(tag) =	ssettag $0x0;
	lr =	simm.s32 $0x1  }
0x2: {  	[smem:$0x3F95] =	sst lr;
	_ =	strace $0xD0000000  }
0x3: {  	_ = 	snop  }
0x4: {  	_ = 	snop  }
0x5: {  	_ = 	snop  }
0x6: {  	_ = 	snop  }
0x7: {  	_ = 	snop  }
__scs_overlays_trampoline_lowered:
0x8: {  	[smem:$0x3FA4] =	sst s0  }
0x9: {  	[smem:$0x3FA5] =	sst s1  }
0xa: {  	[smem:$0x3FA6] =	sst s2  }
0xb: {  	[smem:$0x3FA7] =	sst s3  }
0xc: {  	[smem:$0x3FA8] =	sst s4  }
0xd: {  	[smem:$0x3FA9] =	sst s5  }
0xe: {  	[smem:$0x3FAA] =	sst s6  }
0xf: {  	[smem:$0x3FAB] =	sst s7  }
0x10: {  	[smem:$0x3FAC] =	sst s8  }
0x11: {  	[smem:$0x3FAD] =	sst s9;
	s0 =	simm.s32 @!p0 $0x0  }
0x12: {  	s1 =	sld [smem:$0x3F93];
	s0 =	simm.s32 @p0 $0x1  }
0x13: {  	[smem:$0x3FAE] =	sst s0;
	s0 =	simm.s32 @!p1 $0x0  }
0x14: {  	s2 =	sld [smem:$0x3F92];
	s0 =	simm.s32 @p1 $0x1  }
0x15: {  	[smem:$0x3FAF] =	sst s0;
	s0 =	simm.s32 @!p2 $0x0  }
0x16: {  	s3 =	sld [smem:$0x3FDB];
	s0 =	simm.s32 @p2 $0x1  }
0x17: {  	s4 =	simm.s32 $0x1BF5;
	[smem:$0x3FB1] =	sst s0  }
0x18: {  	s0 =	sld [smem:$0x3F94];
	_ =	swait.ge [sflag:s4], $0x0  }
0x19: {  	s7 =	sld [smem:$0x3F95]  }
0x1a: {  	s8 =	sadd.s32 $0xFFFFE003, lr  }
0x1b: {  	s9 =	sadd.s32 $0xFFFFFEF7, lr;
	s5 =	simm.s32 $0xFFFFFFFF;
	p2 =	slt.u32 s8, $0xFFFFF086  }
0x1c: {  	p1 =	slt.u32 s9, $0xF7A;
	s5 =	simm.s32 @!p2 $0x0  }
0x1d: {  	s5 =	simm.s32 @p1 $0x1;
	p0 =	seq.s32 s7, s2  }
0x1e: {  	s7 =	smul.u32 @!p0 $0xF7A, s2;
	p2 =	seq.s32 @!p0 s5, $0x0  }
0x1f: {  	s9 =	smul.u32 $0xF7A, s1;
	s8 =	simm.s32 @!p0 $0x1BF5;
	p2 =	por !p2, p0  }
0x20: {  	[sflag:s8] =	ssyncset.s32 @!p0 $0xFFFFF086;
	s6 =	sadd.s32 @!p0 s3, s7;
	s7 =	simm.s32 @!p0 $0x108  }
0x21: {  	s3 =	sadd.s32 s3, s9;
	s6 =	sadd.s32 @!p0 $0x88, s6;
	s7 =	simm.s32 @p2 $0x1082  }
0x22: {  	[simem:s7], [sflag:s8] =	dma.local @!p0 [hbm:s6], $0xF7A  }
0x23: {  	s9 =	sor.u32 $0xD0000000, s2;
	s6 =	simm.s32 $0x108;
	_ =	swait.ge @!p0 [sflag:s8], $0x0  }
0x24: {  	s3 =	sadd.s32 $0x88, s3;
	s6 =	simm.s32 @!p1 $0x1082;
	[sflag:s4] =	ssyncset.s32 $0xFFFFF086  }
0x25: {  	[simem:s6], [sflag:s4] =	dma.local [hbm:s3], $0xF7A  }
0x26: {  	[smem:$0x3F95] =	sst s1;
	(tag) =	ssettag s2;
	_ =	strace s9  }
0x27: {  	s1 =	sld [smem:$0x3FA5]  }
0x28: {  	s2 =	sld [smem:$0x3FA6]  }
0x29: {  	s4 =	sld [smem:$0x3FA8]  }
0x2a: {  	p0 =	seq.s32 s5, $0x0;
	s5 =	sld [smem:$0x3FA9]  }
0x2b: {  	s6 =	sld [smem:$0x3FAA]  }
0x2c: {  	s7 =	sld [smem:$0x3FAB]  }
0x2d: {  	s3 =	simm.s32 $0x108;
	s8 =	sld [smem:$0x3FAC]  }
0x2e: {  	s3 =	simm.s32 @!p0 $0x1082;
	s9 =	sld [smem:$0x3FAD]  }
0x2f: {  	lr =	sadd.s32 s0, s3;
	s0 =	sld [smem:$0x3FA4]  }
0x30: {  	s3 =	sld [smem:$0x3FA7]  }
0x31: {  	[smem:$0x3FB0] =	sst s10  }
0x32: {  	s10 =	sld [smem:$0x3FAE];
	_ =	sdelay $0x3  }
0x33: {  	p0 =	seq.s32 s10, $0x1;
	s10 =	sld [smem:$0x3FB0];
	_ =	sdelay $0x3  }
0x34: {  	[smem:$0x3FB0] =	sst s10  }
0x35: {  	s10 =	sld [smem:$0x3FAF];
	_ =	sdelay $0x3  }
0x36: {  	p1 =	seq.s32 s10, $0x1;
	s10 =	sld [smem:$0x3FB0];
	_ =	sdelay $0x3  }
0x37: {  	[smem:$0x3FB0] =	sst s10  }
0x38: {  	s10 =	sld [smem:$0x3FB1]  }
0x39: {  	_ = 	snop;
	(pc) =	sbr.ind lr, $3  }
0x3a: {  	_ = 	snop  }
0x3b: {  	_ = 	snop  }
0x3c: {  	p2 =	seq.s32 s10, $0x1;
	s10 =	sld [smem:$0x3FB0]  }
0x3d: {  	_ =	shalt  }
0x3e: {  	_ =	shalt  }
0x3f: {  	_ =	shalt  }
0x40: {  	_ =	shalt  }
0x41: {  	_ =	shalt  }
0x42: {  	_ =	shalt  }
0x43: {  	_ =	shalt  }
0x44: {  	_ =	shalt  }
0x45: {  	_ =	shalt  }
0x46: {  	_ =	shalt  }
0x47: {  	_ =	shalt  }
0x48: {  	_ =	shalt  }
0x49: {  	_ =	shalt  }
0x4a: {  	_ =	shalt  }
0x4b: {  	_ =	shalt  }
0x4c: {  	_ =	shalt  }
0x4d: {  	_ =	shalt  }
0x4e: {  	_ =	shalt  }
0x4f: {  	_ =	shalt  }
0x50: {  	_ =	shalt  }
0x51: {  	_ =	shalt  }
0x52: {  	_ =	shalt  }
0x53: {  	_ =	shalt  }
0x54: {  	_ =	shalt  }
0x55: {  	_ =	shalt  }
0x56: {  	_ =	shalt  }
0x57: {  	_ =	shalt  }
0x58: {  	_ =	shalt  }
0x59: {  	_ =	shalt  }
0x5a: {  	_ =	shalt  }
0x5b: {  	_ =	shalt  }
0x5c: {  	_ =	shalt  }
0x5d: {  	_ =	shalt  }
0x5e: {  	_ =	shalt  }
0x5f: {  	_ =	shalt  }
0x60: {  	_ =	shalt  }
0x61: {  	_ =	shalt  }
0x62: {  	_ =	shalt  }
0x63: {  	_ =	shalt  }
0x64: {  	_ =	shalt  }
0x65: {  	_ =	shalt  }
0x66: {  	_ =	shalt  }
0x67: {  	_ =	shalt  }
0x68: {  	_ =	shalt  }
0x69: {  	_ =	shalt  }
0x6a: {  	_ =	shalt  }
0x6b: {  	_ =	shalt  }
0x6c: {  	_ =	shalt  }
0x6d: {  	_ =	shalt  }
0x6e: {  	_ =	shalt  }
0x6f: {  	_ =	shalt  }
0x70: {  	_ =	shalt  }
0x71: {  	_ =	shalt  }
0x72: {  	_ =	shalt  }
0x73: {  	_ =	shalt  }
0x74: {  	_ =	shalt  }
0x75: {  	_ =	shalt  }
0x76: {  	_ =	shalt  }
0x77: {  	_ =	shalt  }
0x78: {  	_ =	shalt  }
0x79: {  	_ =	shalt  }
0x7a: {  	_ =	shalt  }
0x7b: {  	_ =	shalt  }
0x7c: {  	_ =	shalt  }
0x7d: {  	_ =	shalt  }
0x7e: {  	_ =	shalt  }
0x7f: {  	_ =	shalt  }
0x80: {  	_ =	shalt  }
0x81: {  	_ =	shalt  }
0x82: {  	_ =	shalt  }
0x83: {  	_ =	shalt  }
0x84: {  	_ =	shalt  }
0x85: {  	_ =	shalt  }
0x86: {  	_ =	shalt  }
0x87: {  	_ =	shalt  }
.Lfunc_end0:
.L_simem_size_0:
called_computation.1_lowered:
.L_overlay_start_0:
0x88: {  	s2 =	sld [smem:$0x3FD9]  }
0x89: {  	s3 =	sld [smem:$0x3FFE];
	_ =	sdelay $0x1  }
0x8a: {  	s1 =	srdreg.scid  }
0x8b: {  	s0 =	sand.u32 $0x1, s1  }
0x8c: {  	s16 =	sshll.u32 s0, $0xA;
	s2 =	sadd.s32 s3, s2  }
0x8d: {  	s2 =	sadd.s32 s2, s16  }
0x8e: {  	[smem:$0x3FBC] =	sst s2  }
0x8f: {  	_ = 	snop  }
0x90: {  	(tm) =	ssettm $0x1  }
0x91: {  	s17 =	sld [smem:$0x3FFB];
	_ =	sdelay $0x3  }
0x92: {  	_ =	strace s17  }
0x93: {  	s2 =	sld [smem:$0x3FFC];
	_ =	sdelay $0x3  }
0x94: {  	_ =	strace s2  }
0x95: {  	s2 =	sld [smem:$0x3FFD];
	_ =	sdelay $0x3  }
0x96: {  	_ =	strace s2  }
0x97: {  	_ =	strace $0x8FFFFFFF  }
0x98: {  	s18 =	sld [smem:$0x3FDB];
	_ =	sdelay $0x1  }
0x99: {  	s19 =	simm.s32 $_scs_section_size  }
0x9a: {  	s4 =	simm.s32 $_size__tile_overlayer_lowered;
	s5 =	simm.s32 $_tile_overlayer_lowered  }
0x9b: {  	s22 =	simm.s32 $0x1BFF;
	s21 =	sshll.u32 s5, $0x1;
	s2 =	sadd.s32 s19, s18  }
0x9c: {  	s6 =	simm.s32 $0x0;
	s20 =	sshll.u32 s4, $0x1;
	s4 =	sadd.s32 s21, s2  }
0x9d: {  	[timem:s6], [sflag:s22] =	dma.local [hbm:s4], s20  }
0x9e: {  	_ =	swait.ge [sflag:s22], s20  }
0x9f: {  	s3 =	ssub.s32 $0x0, s20;
	[sflag:s22] =	ssyncset.done $0x0  }
0xa0: {  	[sflag:s22] =	ssyncadd.s32 s3;
	_ =	sdelay $0x1  }
0xa1: {  	s23 =	simm.s32 $0x1B8B  }
0xa2: {  	_ =	swait.ge [sflag:s23], $0x1  }
0xa3: {  	[sflag:s23] =	ssyncset.done $0x0  }
0xa4: {  	s25 =	simm.s32 $0x1B8E;
	s24 =	sld [smem:$0x3FFE];
	[sflag:s23] =	ssyncadd.s32 $0xFFFFFFFF  }
0xa5: {  	s26 =	simm.s32 $execute0_lowered;
	[smem:$0x3FD2] =	sst s25  }
0xa6: {  	s4 =	sshll.u32 s26, $0x1;
	_ =	strace $0x80000049;
	[dreg:$0x1] =	wrdreg $0xFFFFFFFF  }
0xa7: {  	s28 =	simm.s32 $_size_execute0_lowered;
	s2 =	sadd.s32 s2, s4;
	[dreg:$0x0] =	wrdreg $0x0  }
0xa8: {  	s4 =	sshll.u32 s28, $0x1;
	[dreg:$0x2] =	wrdreg s2  }
0xa9: {  	[dreg:$0x3] =	wrdreg s4  }
0xaa: {  	[dreg:$0x4] =	wrdreg $0xC0  }
0xab: {  	_ =	task [dreg:s6], $0x5FFFF  }
0xac: {  	[dreg:$0x1] =	wrdreg $0xFFFFFFFF  }
0xad: {  	[dreg:$0x0] =	wrdreg $0x60  }
0xae: {  	[dreg:$0x2] =	wrdreg s24  }
0xaf: {  	[dreg:$0x3] =	wrdreg $0x60E00  }
0xb0: {  	[dreg:$0x4] =	wrdreg $0x9  }
0xb1: {  	_ =	task.clear_ibuf [dreg:s6], $0x5FFFF;
	_ =	strace $0x90000049  }
0xb2: {  	s29 =	simm.s32 $0x9;
	_ =	strace $0x8000004B  }
0xb3: {  	_ =	swait.ge [sflag:s29], $0x1  }
0xb4: {  	[sflag:s29] =	ssyncadd.s32 $0xFFFFFFFF  }
0xb5: {  	_ =	strace $0x9000004B  }
0xb6: {  	_ =	sfence  }
0xb7: {  	s30 =	sld [smem:$0x0];
	_ =	sdelay $0x2  }
0xb8: {  	s31 =	sshll.u32 s1, $0xD;
	s1 =	sshrl.u32 s1, $0x2  }
0xb9: {  	s3 =	sand.u32 $0x4000, s31;
	s1 =	sadd.s32 s1, s30  }
0xba: {  	s0 =	sor.u32 s3, s0;
	s1 =	sshll.u32 s1, $0x11  }
0xbb: {  	s0 =	sor.u32 s1, s0  }
0xbc: {  	s0 =	sadd.s32 $0x8F2B, s0  }
0xbd: {  	[sflag:s0] =	ssyncadd.remote.s32 $0x1  }
0xbe: {  	_ =	sfence.sel $0xFFFF  }
0xbf: {  	[dreg:$0x0] =	wrdreg $0xFFFFFFFF;
	(pc) =	sbr.abs _section_cstart, $3  }
0xc0: {  	[dreg:$0x1] =	wrdreg $0xFFFFFFFF  }
0xc1: {  	_ =	task.clear_ibuf [dreg:s6], $0x2FFFF;
	_ =	strace $0x9FFFFFFF  }
0xc2: {  	(tm) =	ssettm $0x7FFFFFFF  }
0xc3: {  	_ =	shalt  }
tec
execute0_lowered:
.L_overlay_start_1:
0x0: {  	(tag) =	ssettag $0x1  }
0x1: {  	s0 =	rddreg [dreg:$0x0]  }
0x2: {  	s1 =	rddreg [dreg:$0x1]  }
0x3: {  	s17 =	simm.s32 $0x0;
	s2 =	srdreg.scid;
	s18 =	stileid.u32  }
0x4: {  	s29 =	simm.s32 $0x3;
	s30 =	simm.s32 $0x1;
	s31 =	simm.s32 $0x2  }
0x5: {  	[smem:$0x7FF] =	sst s17;
	s4 =	sadd.s32 $0x3200, s0;
	s5 =	sadd.s32 $0x1D3200, s0  }
0x6: {  	s6 =	sadd.s32 $0x1A2400, s0;
	s2 =	sand.u32 $0x1, s2;
	s8 =	smul.u32 $0x186A0, s18  }
0x7: {  	s9 =	sadd.s32 $0xF7600, s0;
	s0 =	sadd.s32 $0x6F9E00, s0;
	s7 =	smul.u32 $0x64000, s18  }
0x8: {  	s20 =	smul.u32 $0x63600, s18;
	_ =	strace $0x8000004A;
	[dreg:$0x5] =	wrdreg s0  }
0x9: {  	s21 =	sshll.u32 s18, $0x6;
	[dreg:$0x4] =	wrdreg s2;
	s16 =	ssub.s32 $0x2, s2  }
0xa: {  	s13 =	sor.u32 $0x1C03, s21;
	s2 =	sshrl.u32 s16, $0x1;
	s3 =	sshrl.u32 s8, $0x3  }
0xb: {  	s7 =	sshrl.u32 s7, $0x2;
	s0 =	ssub.s32 s16, s2;
	s19 =	sadd.s32 s5, s3  }
0xc: {  	s3 =	sadd.s32 s6, s3;
	s2 =	sshrl.u32 s20, $0x2;
	[dreg:$0x6] =	wrdreg s19  }
0xd: {  	s16 =	sadd.s32 s7, s1;
	[dreg:$0x7] =	wrdreg s3;
	s2 =	sadd.s32 s2, s1  }
0xe: {  	s0 =	smax.u32 s0, $0x1;
	s22 =	sadd.s32 $0x2800, s16;
	s23 =	sadd.s32 $0x5000, s16  }
0xf: {  	s7 =	sadd.s32 $0x7800, s16;
	s10 =	sadd.s32 $0xA000, s16;
	s11 =	sadd.s32 $0xC800, s16  }
0x10: {  	s12 =	sadd.s32 $0xF000, s16;
	s14 =	sadd.s32 $0x11800, s16;
	s15 =	sadd.s32 $0x14000, s16  }
0x11: {  	s20 =	smov.u32 s16;
	s16 =	sadd.s32 $0x16800, s16;
	s3 =	simm.s32 $0x2810  }
0x12: {  	[dreg:$0x8] =	wrdreg s0;
	s0 =	sshrl.u32 s22, $0x3;
	s24 =	sshrl.u32 s23, $0x3  }
0x13: {  	v0 =	vimm.s32 $0x0;
	v1 =	vlaneseq.u32;
	s25 =	sshrl.u32 s7, $0x3;
	s26 =	sshrl.u32 s10, $0x3;
	[dreg:$0x9] =	wrdreg s0  }
.Ltmp0:
0x14: {  	v2 =	vor.u32 $0x4F80, v1;
	v3 =	vor.u32 $0x4F90, v1;
	v4 =	vor.u32 $0x10, v1;
	s28 =	sshrl.u32 s11, $0x3;
	[dreg:$0xa] =	wrdreg s24;
	(pc) =	sbr.rel .LBB2_1-.Ltmp0, $4  }
0x15: {  	v5 =	vor.u32 $0x4FA0, v1;
	v6 =	vor.u32 $0x20, v1;
	v7 =	vor.u32 $0x4FB0, v1;
	s21 =	sshrl.u32 s12, $0x3;
	s22 =	sshrl.u32 s14, $0x3;
	[dreg:$0xb] =	wrdreg s25  }
0x16: {  	v8 =	vor.u32 $0x30, v1;
	v9 =	vor.u32 $0x4FC0, v1;
	v10 =	vor.u32 $0x40, v1;
	s23 =	sshrl.u32 s15, $0x3;
	s15 =	simm.s32 $0x80;
	[dreg:$0xc] =	wrdreg s26  }
0x17: {  	v11 =	vor.u32 $0x4FD0, v1;
	v12 =	vor.u32 $0x50, v1;
	v13 =	vor.u32 $0x4FE0, v1;
	[dreg:$0xd] =	wrdreg s28;
	s24 =	sshrl.u32 s16, $0x3;
	s25 =	sshrl.u32 s2, $0x3  }
0x18: {  	v14 =	vor.u32 $0x60, v1;
	v15 =	vor.u32 $0x4FF0, v1;
	v16 =	vor.u32 $0x70, v1;
	s26 =	smul.u32 $0x4F8, s18;
	s0 =	simm.s32 $0x1F40;
	s2 =	simm.s32 $0x38E0  }
.LBB2_15:
0x19: {  	s17 =	rddreg [dreg:$0x3]  }
0x1a: {  	s7 =	rddreg [dreg:$0x8];
	s17 =	sadd.s32 $0x1, s17  }
0x1b: {  	p0 =	sne.s32 s17, s7  }
.Ltmp1:
0x1c: {  	_ = 	snop;
	(pc) =	sbr.rel @!p0 .LBB2_16-.Ltmp1, $1  }
0x1d: {  	_ =	sdelay $0x3  }
.LBB2_1:
.Ltmp2:
0x1e: {  	(pc) =	sbr.rel .LBB2_2-.Ltmp2, $2  }
0x1f: {  	_ =	sdelay $0x2  }
0x20: {  	[dreg:$0x3] =	wrdreg s17;
	s28 =	simm.s32 $0x0  }
.LBB2_13:
0x21: {  	[sflag:s29] =	ssyncadd.s32 $0xFFFFD800  }
.LBB2_14:
0x22: {  	s7 =	sadd.s32 s26, s7  }
0x23: {  	[bflag:$0x0] =	sbarrier.arrive $0xFFFF;
	s7 =	smul.u32 $0xA, s7  }
0x24: {  	s28 =	sadd.s32 $0x1, s28;
	s10 =	rddreg [dreg:$0x5]  }
0x25: {  	p0 =	sne.s32 s28, $0xA;
	s7 =	sadd.s32 s10, s7  }
0x26: {  	[hbm:s7], [sflag:s13] =	dma.local [spmem:s25], $0x31B0  }
.Ltmp3:
0x27: {  	_ =	swait.ge [sflag:s29], $0x31B0;
	(pc) =	sbr.rel @!p0 .LBB2_15-.Ltmp3, $3  }
0x28: {  	[sflag:s29] =	ssyncset.done $0x0  }
0x29: {  	[sflag:s29] =	ssyncadd.s32 $0xFFFFCE50  }
0x2a: {  	[bflag:$0x0] =	sbarrier.arrive $0xFFFF;
	_ =	sdelay $0x1  }
.LBB2_2:
0x2b: {  	s10 =	simm.s32 $0x0;
	s7 =	rddreg [dreg:$0x6]  }
0x2c: {  	[tilespmem:s10], [sflag:$0x2] =	stream.linear.gather [hbm4b:s7+s10], $0x7D0, $0x38;
	[tilespmem:$0x1F0E0] =	vst v63  }
0x2d: {  	s18 =	rddreg [dreg:$0x7];
	s11 =	simm.s32 $0xFA0;
	s19 =	sshrl.u32 s20, $0x3  }
0x2e: {  	[tilespmem:s11], [sflag:$0x2] =	stream.linear.gather [hbm4b:s18+s10], $0x7D0, $0x38;
	[tilespmem:$0x1F0E0] =	vst v63  }
0x2f: {  	[spmem:s19], [sflag:s13] =	dma.local [hbm:s9], $0x500  }
0x30: {  	_ =	swait.ge [sflag:s29], $0x500  }
0x31: {  	[sflag:s29] =	ssyncset.done $0x0  }
0x32: {  	s11 =	rddreg [dreg:$0x9];
	[sflag:s29] =	ssyncadd.s32 $0xFFFFFB00  }
0x33: {  	[spmem:s11], [sflag:s13] =	dma.local [hbm:s9], $0x500  }
0x34: {  	_ =	swait.ge [sflag:s29], $0x500  }
0x35: {  	[sflag:s29] =	ssyncset.done $0x0  }
0x36: {  	s12 =	rddreg [dreg:$0xa];
	[sflag:s29] =	ssyncadd.s32 $0xFFFFFB00  }
0x37: {  	[spmem:s12], [sflag:s13] =	dma.local [hbm:s9], $0x500  }
0x38: {  	_ =	swait.ge [sflag:s29], $0x500  }
0x39: {  	[sflag:s29] =	ssyncset.done $0x0  }
0x3a: {  	s14 =	rddreg [dreg:$0xb];
	[sflag:s29] =	ssyncadd.s32 $0xFFFFFB00  }
0x3b: {  	[spmem:s14], [sflag:s13] =	dma.local [hbm:s9], $0x500  }
0x3c: {  	_ =	swait.ge [sflag:s29], $0x500  }
0x3d: {  	[sflag:s29] =	ssyncset.done $0x0  }
0x3e: {  	s16 =	rddreg [dreg:$0xc];
	[sflag:s29] =	ssyncadd.s32 $0xFFFFFB00  }
0x3f: {  	[spmem:s16], [sflag:s13] =	dma.local [hbm:s9], $0x500  }
0x40: {  	_ =	swait.ge [sflag:s29], $0x500  }
0x41: {  	[sflag:s29] =	ssyncset.done $0x0  }
0x42: {  	s17 =	rddreg [dreg:$0xd];
	[sflag:s29] =	ssyncadd.s32 $0xFFFFFB00  }
0x43: {  	[spmem:s17], [sflag:s13] =	dma.local [hbm:s9], $0x500  }
0x44: {  	_ =	swait.ge [sflag:s29], $0x500  }
0x45: {  	[sflag:s29] =	ssyncset.done $0x0  }
0x46: {  	[sflag:s29] =	ssyncadd.s32 $0xFFFFFB00  }
0x47: {  	[spmem:s21], [sflag:s13] =	dma.local [hbm:s9], $0x500  }
0x48: {  	_ =	swait.ge [sflag:s29], $0x500  }
0x49: {  	[sflag:s29] =	ssyncset.done $0x0  }
0x4a: {  	[sflag:s29] =	ssyncadd.s32 $0xFFFFFB00  }
0x4b: {  	[spmem:s22], [sflag:s13] =	dma.local [hbm:s9], $0x500  }
0x4c: {  	_ =	swait.ge [sflag:s29], $0x500  }
0x4d: {  	[sflag:s29] =	ssyncset.done $0x0  }
0x4e: {  	[sflag:s29] =	ssyncadd.s32 $0xFFFFFB00  }
0x4f: {  	[spmem:s23], [sflag:s13] =	dma.local [hbm:s9], $0x500  }
0x50: {  	_ =	swait.ge [sflag:s29], $0x500  }
0x51: {  	[sflag:s29] =	ssyncset.done $0x0  }
0x52: {  	[sflag:s29] =	ssyncadd.s32 $0xFFFFFB00  }
0x53: {  	[spmem:s24], [sflag:s13] =	dma.local [hbm:s9], $0x500  }
0x54: {  	_ =	swait.ge [sflag:s29], $0x500  }
.Ltmp4:
0x55: {  	s18 =	sshll.u32 s28, $0x1;
	s19 =	rddreg [dreg:$0x4];
	(pc) =	sbr.rel .LBB2_3-.Ltmp4, $4  }
0x56: {  	[sflag:s29] =	ssyncset.done $0x0;
	s7 =	sor.u32 s19, s18  }
0x57: {  	[sflag:s29] =	ssyncadd.s32 $0xFFFFFB00;
	s7 =	smul.u32 $0x4F80, s7  }
0x58: {  	[bflag:$0x0] =	sbarrier.arrive $0xFFFF  }
0x59: {  	p0 =	por $0x0, $0x0;
	s12 =	simm.s32 $0x0;
	v17 =	vmov s7  }
.LBB2_8:
0x5a: {  	[sflag:s29] =	ssyncadd.s32 $0xFFFFD800  }
.LBB2_9:
0x5b: {  	s12 =	sshll.u32 s12, $0x7  }
0x5c: {  	v18 =	vld [tilespmem:s12+$0x1F40];
	_ =	sdelay $0x4  }
0x5d: {  	[tilespmem:$0x1F40] =	vst v18  }
0x5e: {  	v18 =	vld [tilespmem:s12+$0x2810];
	_ =	sdelay $0x4  }
0x5f: {  	[tilespmem:$0x2810] =	vst v18  }
0x60: {  	v18 =	vld [tilespmem:s12+$0x1F50];
	_ =	sdelay $0x4  }
0x61: {  	[tilespmem:$0x1F50] =	vst v18  }
0x62: {  	v18 =	vld [tilespmem:s12+$0x2820];
	_ =	sdelay $0x4  }
0x63: {  	[tilespmem:$0x2820] =	vst v18  }
0x64: {  	v18 =	vld [tilespmem:s12+$0x1F60];
	_ =	sdelay $0x4  }
0x65: {  	[tilespmem:$0x1F60] =	vst v18  }
0x66: {  	v18 =	vld [tilespmem:s12+$0x2830];
	_ =	sdelay $0x4  }
0x67: {  	[tilespmem:$0x2830] =	vst v18  }
0x68: {  	v18 =	vld [tilespmem:s12+$0x1F70];
	_ =	sdelay $0x4  }
0x69: {  	[tilespmem:$0x1F70] =	vst v18  }
0x6a: {  	v18 =	vld [tilespmem:s12+$0x2840];
	_ =	sdelay $0x4  }
0x6b: {  	[tilespmem:$0x2840] =	vst v18  }
0x6c: {  	v18 =	vld [tilespmem:s12+$0x1F80];
	_ =	sdelay $0x4  }
0x6d: {  	[tilespmem:$0x1F80] =	vst v18  }
0x6e: {  	v18 =	vld [tilespmem:s12+$0x2850];
	_ =	sdelay $0x4  }
0x6f: {  	[tilespmem:$0x2850] =	vst v18  }
0x70: {  	v18 =	vld [tilespmem:s12+$0x1F90];
	_ =	sdelay $0x4  }
0x71: {  	[tilespmem:$0x1F90] =	vst v18  }
0x72: {  	v18 =	vld [tilespmem:s12+$0x2860];
	_ =	sdelay $0x4  }
0x73: {  	[tilespmem:$0x2860] =	vst v18  }
0x74: {  	v18 =	vld [tilespmem:s12+$0x1FA0];
	_ =	sdelay $0x4  }
0x75: {  	[tilespmem:$0x1FA0] =	vst v18  }
0x76: {  	v18 =	vld [tilespmem:s12+$0x2870];
	_ =	sdelay $0x4  }
0x77: {  	[tilespmem:$0x2870] =	vst v18  }
0x78: {  	v18 =	vld [tilespmem:s12+$0x1FB0];
	_ =	sdelay $0x4  }
0x79: {  	[tilespmem:$0x1FB0] =	vst v18  }
0x7a: {  	p1 =	sne.s32 s10, $0x32;
	v18 =	vld [tilespmem:s12+$0x2880]  }
.Ltmp5:
0x7b: {  	_ = 	snop;
	(pc) =	sbr.rel @!p1 .LBB2_10-.Ltmp5, $2  }
0x7c: {  	_ =	sdelay $0x2  }
0x7d: {  	p0 =	por !p0, !p0;
	s12 =	ssub.s32 s11, s12;
	[tilespmem:$0x2880] =	vst v18  }
.LBB2_3:
0x7e: {  	s11 =	simm.s32 $0x1  }
0x7f: {  	s14 =	smov.u32 s10;
	_ =	swait.ge [sflag:s31], $0x7D0;
	s11 =	simm.s32 @!p0 $0x0  }
0x80: {  	s10 =	sadd.s32 $0x1, s10;
	p1 =	seq.s32 s14, $0x31;
	s11 =	smul.u32 $0x1F40, s11  }
0x81: {  	[sflag:s31] =	ssyncset.done $0x0;
	s14 =	sand.u32 $0x1, s14;
	s16 =	smul.u32 @!p1 $0x7D0, s10  }
0x82: {  	[sflag:s31] =	ssyncadd.s32 $0xFFFFF830;
	s14 =	sxor.u32 @!p1 $0x1, s14;
	s11 =	sshrl.u32 s11, $0x2  }
0x83: {  	_ =	swait.ge [sflag:s31], $0x7D0;
	s16 =	sadd.s32 @!p1 s8, s16;
	s17 =	sadd.s32 $0x40, s11  }
0x84: {  	s14 =	smul.u32 @!p1 $0x7D0, s14;
	[sflag:s31] =	ssyncset.done $0x0;
	s16 =	sshrl.u32 @!p1 s16, $0x3;
	v19 =	vmov s17  }
0x85: {  	s19 =	simm.s32 @!p1 $0x0;
	[sflag:s31] =	ssyncadd.s32 $0xFFFFF830;
	s18 =	sadd.s32 @!p1 s5, s16  }
0x86: {  	[tilespmem:s14], [sflag:$0x2] =	stream.linear.gather @!p1 [hbm4b:s18+s19], $0x7D0, $0x38;
	[tilespmem:$0x1F0E0] =	vst v63  }
0x87: {  	s16 =	sadd.s32 @!p1 s6, s16;
	s14 =	sadd.s32 @!p1 $0xFA0, s14;
	s18 =	simm.s32 $0x0  }
0x88: {  	[tilespmem:s14], [sflag:$0x2] =	stream.linear.gather @!p1 [hbm4b:s16+s19], $0x7D0, $0x38;
	[tilespmem:$0x1F0E0] =	vst v63  }
0x89: {  	v18 =	vld.idx.msk [tilespmem:v19+s18+$0xFFFFFFC0 ss:$0x1], $0xffff;
	_ =	sdelay $0x1  }
0x8a: {  	v20 =	vld.idx.msk [tilespmem:v19+s18+$0xFFFFFFD0 ss:$0x1], $0xffff;
	_ =	sdelay $0x1  }
0x8b: {  	v21 =	vld.idx.msk [tilespmem:v19+s18+$0xFFFFFFE0 ss:$0x1], $0xffff  }
0x8c: {  	v22 =	vsub.s32 v18, v17  }
0x8d: {  	v18 =	vld.idx.msk [tilespmem:v19+s18+$0xFFFFFFF0 ss:$0x1], $0xffff;
	vm3 =	vlt.u32 v22, $0x4F80  }
0x8e: {  	v23 =	vsub.s32 v20, v17;
	v20 =	vsel vm3, $0x1, v0  }
0x8f: {  	vm1 =	vlt.u32 v23, $0x4F80;
	(xrf0) =	vadd.scan.msk.s32 $0xffff, v20  }
0x90: {  	v24 =	vsub.s32 v21, v17;
	v20 =	vsel vm1, $0x1, v0  }
0x91: {  	vm2 =	vlt.u32 v24, $0x4F80;
	(xrf0) =	vadd.scan.msk.s32 $0xffff, v20  }
0x92: {  	v25 =	vsub.s32 v18, v17;
	v18 =	vsel vm2, $0x1, v0  }
0x93: {  	v20 =	vld.idx.msk [tilespmem:v19+s18+$0x0 ss:$0x1], $0xffff;
	vm4 =	vlt.u32 v25, $0x4F80;
	(xrf0) =	vadd.scan.msk.s32 $0xffff, v18  }
0x94: {  	v18 =	vsel vm4, $0x1, v0  }
0x95: {  	(xrf0) =	vadd.scan.msk.s32 $0xffff, v18;
	v21, _, _ =	vpop (xrf0)  }
0x96: {  	(v2sf) =	vpush v21, $0xF  }
0x97: {  	v26, _, _ =	vpop (xrf0)  }
0x98: {  	v27 =	vsub.s32 v20, v17;
	(v2sf) =	vpush v26, $0xF  }
0x99: {  	vm0 =	vlt.u32 v27, $0x4F80;
	v28, _, _ =	vpop (xrf0)  }
0x9a: {  	v18 =	vsel vm0, $0x1, v0;
	(v2sf) =	vpush v28, $0xF  }
0x9b: {  	(xrf0) =	vadd.scan.msk.s32 $0xffff, v18;
	v29, _, _ =	vpop (xrf0)  }
0x9c: {  	(v2sf) =	vpush v29, $0xF;
	_ =	sdelay $0x3  }
0x9d: {  	s11 =	sadd.s32 $0xFC0, s11  }
0x9e: {  	v18 =	vmov s11;
	v30, _, _ =	vpop (xrf0)  }
0x9f: {  	(v2sf) =	vpush v30, $0xF  }
0xa0: {  	v20 =	vsel vm3, $0xFFFFFFFF, v0  }
0xa1: {  	v20 =	vadd.s32 s12, v20  }
0xa2: {  	v32 =	vsel vm1, $0xFFFFFFFF, v0;
	v21 =	vadd.s32 v21, v20;
	s19 =	spop (v2sf)  }
0xa3: {  	v26 =	vadd.s32 v32, v26;
	v31 =	vld.idx.msk [tilespmem:v18+s18+$0xFFFFFFE0 ss:$0x1], $0xffff;
	s11 =	sadd.s32 s12, s19  }
0xa4: {  	v33 =	vsel vm2, $0xFFFFFFFF, v0;
	v20 =	vld.idx.msk [tilespmem:v18+s18+$0x20 ss:$0x1], $0xffff;
	s16 =	spop (v2sf);
	v26 =	vadd.s32 s11, v26  }
0xa5: {  	v28 =	vadd.s32 v33, v28;
	v61 =	vld.idx.msk [tilespmem:v18+s18+$0xFFFFFFF0 ss:$0x1], $0xffff;
	s11 =	sadd.s32 s11, s16  }
0xa6: {  	v35 =	vsel vm4, $0xFFFFFFFF, v0;
	v34 =	vld.idx.msk [tilespmem:v18+s18+$0x10 ss:$0x1], $0xffff;
	s17 =	spop (v2sf);
	v28 =	vadd.s32 s11, v28  }
0xa7: {  	v62 =	vld.idx.msk [tilespmem:v18+s18+$0x0 ss:$0x1], $0xffff;
	[tilespmem:v21+s0+$0x0] =	vst.idx.msk vm3, v22;
	v22 =	vadd.s32 v35, v29;
	s11 =	sadd.s32 s11, s17  }
0xa8: {  	v63 =	vsel vm0, $0xFFFFFFFF, v0;
	[tilespmem:v21+s3+$0x0] =	vst.idx.msk vm3, v31;
	s18 =	spop (v2sf);
	v22 =	vadd.s32 s11, v22  }
0xa9: {  	v21 =	vadd.s32 v63, v30;
	s11 =	sadd.s32 s11, s18;
	[tilespmem:v26+s0+$0x0] =	vst.idx.msk vm1, v23  }
0xaa: {  	v21 =	vadd.s32 s11, v21;
	[tilespmem:v26+s3+$0x0] =	vst.idx.msk vm1, v61  }
0xab: {  	[tilespmem:v28+s0+$0x0] =	vst.idx.msk vm2, v24  }
0xac: {  	[tilespmem:v28+s3+$0x0] =	vst.idx.msk vm2, v62  }
0xad: {  	[tilespmem:v22+s0+$0x0] =	vst.idx.msk vm4, v25  }
0xae: {  	s19 =	spop (v2sf);
	[tilespmem:v22+s3+$0x0] =	vst.idx.msk vm4, v34  }
0xaf: {  	s14 =	simm.s32 $0x280;
	s12 =	simm.s32 $0x140;
	s11 =	sadd.s32 s11, s19;
	[tilespmem:v21+s0+$0x0] =	vst.idx.msk vm0, v27  }
.LBB2_4:
0xb0: {  	p1 =	sne.s32 s14, $0x1E00  }
0xb1: {  	s16 =	sshra.s32 s12, $0x2;
	[tilespmem:v21+s3+$0x0] =	vst.idx.msk vm0, v20;
	s12 =	smov.u32 s14;
	s14 =	sadd.s32 $0x140, s14  }
0xb2: {  	v20 =	vld.idx.msk [tilespmem:v19+s16+$0xFFFFFFC0 ss:$0x1], $0xffff  }
0xb3: {  	v21 =	vld.idx.msk [tilespmem:v19+s16+$0xFFFFFFD0 ss:$0x1], $0xffff  }
0xb4: {  	v22 =	vld.idx.msk [tilespmem:v19+s16+$0xFFFFFFE0 ss:$0x1], $0xffff  }
0xb5: {  	v23 =	vld.idx.msk [tilespmem:v19+s16+$0xFFFFFFF0 ss:$0x1], $0xffff  }
0xb6: {  	v24 =	vld.idx.msk [tilespmem:v19+s16+$0x0 ss:$0x1], $0xffff;
	_ =	sdelay $0x1  }
0xb7: {  	v25 =	vsub.s32 v20, v17  }
0xb8: {  	vm4 =	vlt.u32 v25, $0x4F80;
	v21 =	vsub.s32 v21, v17  }
0xb9: {  	v20 =	vsel vm4, $0x1, v0;
	vm2 =	vlt.u32 v21, $0x4F80;
	v22 =	vsub.s32 v22, v17  }
0xba: {  	v26 =	vsel vm2, $0x1, v0;
	vm1 =	vlt.u32 v22, $0x4F80;
	v23 =	vsub.s32 v23, v17;
	(xrf0) =	vadd.scan.msk.s32 $0xffff, v20  }
0xbb: {  	v20 =	vsel vm1, $0x1, v0;
	vm3 =	vlt.u32 v23, $0x4F80;
	v24 =	vsub.s32 v24, v17;
	(xrf0) =	vadd.scan.msk.s32 $0xffff, v26  }
0xbc: {  	v26 =	vsel vm3, $0x1, v0;
	vm0 =	vlt.u32 v24, $0x4F80;
	(xrf0) =	vadd.scan.msk.s32 $0xffff, v20  }
0xbd: {  	v20 =	vsel vm0, $0x1, v0;
	(xrf0) =	vadd.scan.msk.s32 $0xffff, v26  }
0xbe: {  	(xrf0) =	vadd.scan.msk.s32 $0xffff, v20  }
0xbf: {  	v20 =	vsel vm4, $0xFFFFFFFF, v0  }
0xc0: {  	v20 =	vadd.s32 s11, v20;
	v26, _, _ =	vpop (xrf0)  }
0xc1: {  	v27 =	vadd.s32 v26, v20;
	v28, _, _ =	vpop (xrf0);
	(v2sf) =	vpush v26, $0xF  }
0xc2: {  	v26, _, _ =	vpop (xrf0);
	(v2sf) =	vpush v28, $0xF  }
0xc3: {  	v29, _, _ =	vpop (xrf0);
	(v2sf) =	vpush v26, $0xF  }
0xc4: {  	v30, _, _ =	vpop (xrf0);
	(v2sf) =	vpush v29, $0xF  }
0xc5: {  	(v2sf) =	vpush v30, $0xF;
	_ =	sdelay $0xa  }
0xc6: {  	v32 =	vsel vm2, $0xFFFFFFFF, v0;
	v31 =	vld.idx.msk [tilespmem:v18+s16+$0xFFFFFFE0 ss:$0x1], $0xffff;
	s17 =	spop (v2sf)  }
0xc7: {  	v28 =	vadd.s32 v32, v28;
	v20 =	vld.idx.msk [tilespmem:v18+s16+$0x20 ss:$0x1], $0xffff;
	s11 =	sadd.s32 s11, s17;
	s17 =	spop (v2sf)  }
0xc8: {  	v33 =	vsel vm1, $0xFFFFFFFF, v0;
	v32 =	vld.idx.msk [tilespmem:v18+s16+$0xFFFFFFF0 ss:$0x1], $0xffff;
	v28 =	vadd.s32 s11, v28;
	s11 =	sadd.s32 s11, s17;
	s17 =	spop (v2sf)  }
0xc9: {  	v26 =	vadd.s32 v33, v26;
	v34 =	vld.idx.msk [tilespmem:v18+s16+$0x10 ss:$0x1], $0xffff;
	s17 =	sadd.s32 s11, s17;
	s18 =	spop (v2sf)  }
0xca: {  	v35 =	vsel vm3, $0xFFFFFFFF, v0;
	v26 =	vadd.s32 s11, v26;
	v33 =	vld.idx.msk [tilespmem:v18+s16+$0x0 ss:$0x1], $0xffff;
	s16 =	sadd.s32 s17, s18;
	s11 =	spop (v2sf)  }
0xcb: {  	[tilespmem:v27+s0+$0x0] =	vst.idx.msk vm4, v25;
	v25 =	vadd.s32 v35, v29;
	s11 =	sadd.s32 s16, s11  }
0xcc: {  	v29 =	vsel vm0, $0xFFFFFFFF, v0;
	[tilespmem:v27+s3+$0x0] =	vst.idx.msk vm4, v31;
	v25 =	vadd.s32 s17, v25  }
0xcd: {  	[tilespmem:v28+s0+$0x0] =	vst.idx.msk vm2, v21;
	v21 =	vadd.s32 v29, v30  }
0xce: {  	[tilespmem:v28+s3+$0x0] =	vst.idx.msk vm2, v32;
	v21 =	vadd.s32 s16, v21  }
.Ltmp6:
0xcf: {  	[tilespmem:v26+s0+$0x0] =	vst.idx.msk vm1, v22;
	(pc) =	sbr.rel @p1 .LBB2_4-.Ltmp6, $4  }
0xd0: {  	[tilespmem:v26+s3+$0x0] =	vst.idx.msk vm1, v33  }
0xd1: {  	[tilespmem:v25+s0+$0x0] =	vst.idx.msk vm3, v23  }
0xd2: {  	[tilespmem:v25+s3+$0x0] =	vst.idx.msk vm3, v34  }
0xd3: {  	[tilespmem:v21+s0+$0x0] =	vst.idx.msk vm0, v24  }
0xd4: {  	_ =	sdelay $0x4  }
0xd5: {  	s12 =	sshra.s32 s12, $0x2;
	[tilespmem:v21+s3+$0x0] =	vst.idx.msk vm0, v20  }
0xd6: {  	v20 =	vld.idx.msk [tilespmem:v19+s12+$0xFFFFFFC0 ss:$0x1], $0xffff  }
0xd7: {  	v21 =	vld.idx.msk [tilespmem:v19+s12+$0xFFFFFFD0 ss:$0x1], $0xffff  }
0xd8: {  	v22 =	vld.idx.msk [tilespmem:v19+s12+$0xFFFFFFE0 ss:$0x1], $0xffff  }
0xd9: {  	v23 =	vld.idx.msk [tilespmem:v19+s12+$0xFFFFFFF0 ss:$0x1], $0xffff  }
0xda: {  	v19 =	vld.idx.msk [tilespmem:v19+s12+$0x0 ss:$0x1], $0xffff  }
0xdb: {  	v20 =	vsub.s32 v20, v17  }
0xdc: {  	v21 =	vsub.s32 v21, v17;
	vm4 =	vlt.u32 v20, $0x4F80  }
0xdd: {  	v22 =	vsub.s32 v22, v17;
	vm3 =	vlt.u32 v21, $0x4F80;
	v24 =	vsel vm4, $0x1, v0  }
0xde: {  	v23 =	vsub.s32 v23, v17;
	vm2 =	vlt.u32 v22, $0x4F80;
	v53 =	vsel vm3, $0x1, v0;
	(xrf0) =	vadd.scan.msk.s32 $0xffff, v24  }
0xdf: {  	v19 =	vsub.s32 v19, v17;
	vm15 =	vlt.u32 v23, $0x4F80;
	v25 =	vsel vm2, $0x1, v0;
	(xrf0) =	vadd.scan.msk.s32 $0xffff, v53  }
0xe0: {  	vm1 =	vlt.u32 v19, $0x4F80;
	v54 =	vsel vm15, $0x1, v0;
	(xrf0) =	vadd.scan.msk.s32 $0xffff, v25  }
0xe1: {  	v55 =	vsel vm1, $0x1, v0;
	(xrf0) =	vadd.scan.msk.s32 $0xffff, v54  }
0xe2: {  	(xrf0) =	vadd.scan.msk.s32 $0xffff, v55;
	_ =	sdelay $0x1  }
0xe3: {  	v56, _, _ =	vpop (xrf0)  }
0xe4: {  	(v2sf) =	vpush v56, $0xF;
	v57, _, _ =	vpop (xrf0)  }
0xe5: {  	v26, _, _ =	vpop (xrf0);
	(v2sf) =	vpush v57, $0xF  }
0xe6: {  	v27, _, _ =	vpop (xrf0);
	(v2sf) =	vpush v26, $0xF  }
0xe7: {  	v28, _, _ =	vpop (xrf0);
	(v2sf) =	vpush v27, $0xF  }
0xe8: {  	(v2sf) =	vpush v28, $0xF;
	_ =	sdelay $0xa  }
0xe9: {  	s14 =	spop (v2sf)  }
0xea: {  	v29 =	vsel vm4, $0xFFFFFFFF, v0;
	s17 =	sadd.s32 s11, s14;
	s18 =	spop (v2sf)  }
0xeb: {  	v30 =	vsel vm3, $0xFFFFFFFF, v0;
	v29 =	vadd.s32 s11, v29;
	s11 =	sadd.s32 s17, s18;
	s19 =	spop (v2sf)  }
0xec: {  	v32 =	vsel vm2, $0xFFFFFFFF, v0;
	v24 =	vadd.s32 v56, v29;
	v25 =	vadd.s32 v30, v57;
	s14 =	sadd.s32 s11, s19;
	s16 =	spop (v2sf)  }
0xed: {  	v58 =	vld.idx.msk [tilespmem:v18+s12+$0xFFFFFFE0 ss:$0x1], $0xffff;
	v26 =	vadd.s32 v32, v26;
	v25 =	vadd.s32 s17, v25;
	s16 =	sadd.s32 s14, s16;
	s17 =	spop (v2sf)  }
0xee: {  	v31 =	vld.idx.msk [tilespmem:v18+s12+$0x20 ss:$0x1], $0xffff;
	v26 =	vadd.s32 s11, v26;
	s11 =	sadd.s32 s16, s17  }
0xef: {  	v59 =	vld.idx.msk [tilespmem:v18+s12+$0xFFFFFFF0 ss:$0x1], $0xffff;
	s18 =	sand.u32 $0x7F, s11  }
0xf0: {  	v33 =	vld.idx.msk [tilespmem:v18+s12+$0x10 ss:$0x1], $0xffff;
	v60 =	vsel vm15, $0xFFFFFFFF, v0;
	s19 =	sshra.s32 s11, $0x1F;
	p1 =	slt.s32 s11, $0x1;
	p2 =	sne.s32 s18, $0x0  }
0xf1: {  	v18 =	vld.idx.msk [tilespmem:v18+s12+$0x0 ss:$0x1], $0xffff;
	v61 =	vadd.s32 v60, v27;
	[tilespmem:v24+s0+$0x0] =	vst.idx.msk vm4, v20;
	s12 =	sshrl.u32 s19, $0x19;
	p1 =	por !p1, !p2  }
0xf2: {  	v62 =	vsel vm1, $0xFFFFFFFF, v0;
	[tilespmem:v24+s3+$0x0] =	vst.idx.msk vm4, v58;
	v20 =	vadd.s32 s14, v61;
	s14 =	simm.s32 $0x1;
	s12 =	sadd.s32 s12, s11;
	p1 =	por !p1, !p1  }
0xf3: {  	v63 =	vadd.s32 v62, v28;
	[tilespmem:v25+s0+$0x0] =	vst.idx.msk vm3, v21;
	s12 =	sshra.s32 s12, $0x7;
	s14 =	simm.s32 @!p1 $0x0  }
0xf4: {  	v21 =	vadd.s32 s16, v63;
	[tilespmem:v25+s3+$0x0] =	vst.idx.msk vm3, v59;
	s12 =	ssub.s32 s12, s14  }
0xf5: {  	[tilespmem:v26+s0+$0x0] =	vst.idx.msk vm2, v22;
	p1 =	slt.s32 s12, $0x1  }
.Ltmp7:
0xf6: {  	[tilespmem:v26+s3+$0x0] =	vst.idx.msk vm2, v18;
	(pc) =	sbr.rel @p1 .LBB2_9-.Ltmp7, $4  }
0xf7: {  	[tilespmem:v20+s0+$0x0] =	vst.idx.msk vm15, v23  }
0xf8: {  	[tilespmem:v20+s3+$0x0] =	vst.idx.msk vm15, v33  }
0xf9: {  	[tilespmem:v21+s0+$0x0] =	vst.idx.msk vm1, v19  }
0xfa: {  	[tilespmem:v21+s3+$0x0] =	vst.idx.msk vm1, v31  }
0xfb: {  	s14 =	simm.s32 $0x2810;
	s17 =	simm.s32 $0x1F80  }
0xfc: {  	[tilespmem:s2], [sflag:$0x1] =	stream.indirect.gather [hbm4b:s4+s15], $0x50, s14, s15, $0xb8;
	[tilespmem:$0x1F0E0] =	vst v63  }
0xfd: {  	v18 =	vld [tilespmem:s17+$0xFFFFFFC0];
	_ =	sdelay $0x3  }
0xfe: {  	s16 =	simm.s32 $0x30E0  }
0xff: {  	[tilespmem:s16+$0x0] =	vst v18  }
0x100: {  	v18 =	vld [tilespmem:s17+$0xFFFFFFD0];
	_ =	sdelay $0x4  }
0x101: {  	[tilespmem:s16+$0x10] =	vst v18  }
0x102: {  	v18 =	vld [tilespmem:s17+$0xFFFFFFE0];
	_ =	sdelay $0x4  }
0x103: {  	[tilespmem:s16+$0x20] =	vst v18  }
0x104: {  	v18 =	vld [tilespmem:s17+$0xFFFFFFF0];
	_ =	sdelay $0x4  }
0x105: {  	[tilespmem:s16+$0x30] =	vst v18  }
0x106: {  	v18 =	vld [tilespmem:s17+$0x0];
	_ =	sdelay $0x4  }
0x107: {  	[tilespmem:s16+$0x40] =	vst v18  }
0x108: {  	v18 =	vld [tilespmem:s17+$0x10];
	_ =	sdelay $0x4  }
0x109: {  	[tilespmem:s16+$0x50] =	vst v18  }
0x10a: {  	v18 =	vld [tilespmem:s17+$0x20];
	_ =	sdelay $0x4  }
0x10b: {  	[tilespmem:s16+$0x60] =	vst v18  }
0x10c: {  	v18 =	vld [tilespmem:s17+$0x30];
	_ =	sdelay $0x4  }
0x10d: {  	[tilespmem:s16+$0x70] =	vst v18  }
0x10e: {  	p1 =	sne.s32 s12, $0x1;
	_ =	swait.ge [sflag:s30], $0x2800  }
.Ltmp8:
0x10f: {  	[sflag:s30] =	ssyncset.done $0x0;
	(pc) =	sbr.rel @!p1 .LBB2_8-.Ltmp8, $4  }
0x110: {  	[sflag:s30] =	ssyncadd.s32 $0xFFFFD800  }
0x111: {  	[spmem:s1] =	stream.indirect.scatter.add.f32 [tilespmem:s2], [sflag:$0x3], $0x50, s16, s15, $0xb8;
	[tilespmem:$0x1F0E0] =	vst v63  }
0x112: {  	_ =	swait.ge [sflag:s29], $0x2800  }
0x113: {  	s18 =	simm.s32 $0x2000;
	s17 =	sadd.s32 $0xFFFFFFFF, s12;
	[sflag:s29] =	ssyncset.done $0x0  }
.LBB2_7:
0x114: {  	[sflag:s29] =	ssyncadd.s32 $0xFFFFD800;
	s16 =	sadd.s32 $0x80, s16;
	s14 =	sadd.s32 $0x80, s14  }
0x115: {  	[tilespmem:s2], [sflag:$0x1] =	stream.indirect.gather [hbm4b:s4+s15], $0x50, s14, s15, $0xb8;
	[tilespmem:$0x1F0E0] =	vst v63  }
0x116: {  	p1 =	sne.s32 s17, $0x1;
	s17 =	sadd.s32 $0xFFFFFFFF, s17;
	v18 =	vld [tilespmem:s18+$0xFFFFFFC0];
	_ =	sdelay $0x4  }
0x117: {  	[tilespmem:s16+$0x0] =	vst v18  }
0x118: {  	v18 =	vld [tilespmem:s18+$0xFFFFFFD0];
	_ =	sdelay $0x4  }
0x119: {  	[tilespmem:s16+$0x10] =	vst v18  }
0x11a: {  	v18 =	vld [tilespmem:s18+$0xFFFFFFE0];
	_ =	sdelay $0x4  }
0x11b: {  	[tilespmem:s16+$0x20] =	vst v18  }
0x11c: {  	v18 =	vld [tilespmem:s18+$0xFFFFFFF0];
	_ =	sdelay $0x4  }
0x11d: {  	[tilespmem:s16+$0x30] =	vst v18  }
0x11e: {  	v18 =	vld [tilespmem:s18+$0x0];
	_ =	sdelay $0x4  }
0x11f: {  	[tilespmem:s16+$0x40] =	vst v18  }
0x120: {  	v18 =	vld [tilespmem:s18+$0x10];
	_ =	sdelay $0x4  }
0x121: {  	[tilespmem:s16+$0x50] =	vst v18  }
0x122: {  	v18 =	vld [tilespmem:s18+$0x20];
	_ =	sdelay $0x4  }
0x123: {  	[tilespmem:s16+$0x60] =	vst v18  }
0x124: {  	v18 =	vld [tilespmem:s18+$0x30];
	_ =	sdelay $0x4  }
0x125: {  	[tilespmem:s16+$0x70] =	vst v18  }
0x126: {  	_ =	swait.ge [sflag:s30], $0x2800  }
.Ltmp9:
0x127: {  	[sflag:s30] =	ssyncset.done $0x0;
	(pc) =	sbr.rel @p1 .LBB2_7-.Ltmp9, $4  }
0x128: {  	[sflag:s30] =	ssyncadd.s32 $0xFFFFD800  }
0x129: {  	[spmem:s1] =	stream.indirect.scatter.add.f32 [tilespmem:s2], [sflag:$0x3], $0x50, s16, s15, $0xb8;
	[tilespmem:$0x1F0E0] =	vst v63  }
0x12a: {  	_ =	swait.ge [sflag:s29], $0x2800  }
0x12b: {  	s18 =	sadd.s32 $0x80, s18;
	[sflag:s29] =	ssyncset.done $0x0  }
.Ltmp10:
0x12c: {  	_ = 	snop;
	(pc) =	sbr.rel .LBB2_8-.Ltmp10, $1  }
0x12d: {  	_ =	sdelay $0x3  }
.LBB2_10:
0x12e: {  	[tilespmem:s12+$0x1F40] =	vst v2;
	s10 =	sand.u32 $0xFFFFFFF8, s12;
	s11 =	sand.u32 $0x7, s11  }
0x12f: {  	[tilespmem:s12+$0x2810] =	vst v1;
	s10 =	sor.u32 s11, s10  }
0x130: {  	[tilespmem:s10+$0x1F50] =	vst v3  }
0x131: {  	s18 =	sadd.s32 $0x7F, s12;
	[tilespmem:s10+$0x2820] =	vst v4  }
0x132: {  	s12 =	sand.u32 $0x7F, s18;
	[tilespmem:s10+$0x1F60] =	vst v5  }
0x133: {  	s19 =	sshra.s32 s18, $0x1F;
	p1 =	slt.s32 s18, $0x1;
	[tilespmem:s10+$0x2830] =	vst v6;
	p0 =	sne.s32 s12, $0x0  }
0x134: {  	[tilespmem:s10+$0x1F70] =	vst v7;
	s12 =	sshrl.u32 s19, $0x19;
	p0 =	por !p1, !p0  }
0x135: {  	[tilespmem:s10+$0x2840] =	vst v8;
	s11 =	sadd.s32 s12, s18;
	s12 =	simm.s32 $0x1;
	p0 =	por !p0, !p0  }
0x136: {  	[tilespmem:s10+$0x1F80] =	vst v9;
	s11 =	sshra.s32 s11, $0x7;
	s12 =	simm.s32 @!p0 $0x0  }
0x137: {  	[tilespmem:s10+$0x2850] =	vst v10;
	s12 =	ssub.s32 s11, s12  }
0x138: {  	[tilespmem:s10+$0x1F90] =	vst v11;
	p0 =	slt.s32 s12, $0x1  }
.Ltmp11:
0x139: {  	[tilespmem:s10+$0x2860] =	vst v12;
	(pc) =	sbr.rel @p0 .LBB2_14-.Ltmp11, $4  }
0x13a: {  	[tilespmem:s10+$0x1FA0] =	vst v13  }
0x13b: {  	[tilespmem:s10+$0x2870] =	vst v14  }
0x13c: {  	[tilespmem:s10+$0x1FB0] =	vst v15  }
0x13d: {  	[tilespmem:s10+$0x2880] =	vst v16  }
0x13e: {  	s10 =	simm.s32 $0x2810;
	s14 =	simm.s32 $0x1F80  }
0x13f: {  	[tilespmem:s2], [sflag:$0x1] =	stream.indirect.gather [hbm4b:s4+s15], $0x50, s10, s15, $0xb8;
	[tilespmem:$0x1F0E0] =	vst v63  }
0x140: {  	v17 =	vld [tilespmem:s14+$0xFFFFFFC0];
	_ =	sdelay $0x3  }
0x141: {  	s11 =	simm.s32 $0x30E0  }
0x142: {  	[tilespmem:s11+$0x0] =	vst v17  }
0x143: {  	v17 =	vld [tilespmem:s14+$0xFFFFFFD0];
	_ =	sdelay $0x4  }
0x144: {  	[tilespmem:s11+$0x10] =	vst v17  }
0x145: {  	v17 =	vld [tilespmem:s14+$0xFFFFFFE0];
	_ =	sdelay $0x4  }
0x146: {  	[tilespmem:s11+$0x20] =	vst v17  }
0x147: {  	v17 =	vld [tilespmem:s14+$0xFFFFFFF0];
	_ =	sdelay $0x4  }
0x148: {  	[tilespmem:s11+$0x30] =	vst v17  }
0x149: {  	v17 =	vld [tilespmem:s14+$0x0];
	_ =	sdelay $0x4  }
0x14a: {  	[tilespmem:s11+$0x40] =	vst v17  }
0x14b: {  	v17 =	vld [tilespmem:s14+$0x10];
	_ =	sdelay $0x4  }
0x14c: {  	[tilespmem:s11+$0x50] =	vst v17  }
0x14d: {  	v17 =	vld [tilespmem:s14+$0x20];
	_ =	sdelay $0x4  }
0x14e: {  	[tilespmem:s11+$0x60] =	vst v17  }
0x14f: {  	v17 =	vld [tilespmem:s14+$0x30];
	_ =	sdelay $0x4  }
0x150: {  	[tilespmem:s11+$0x70] =	vst v17  }
0x151: {  	p0 =	sne.s32 s12, $0x1;
	_ =	swait.ge [sflag:s30], $0x2800  }
.Ltmp12:
0x152: {  	[sflag:s30] =	ssyncset.done $0x0;
	(pc) =	sbr.rel @!p0 .LBB2_13-.Ltmp12, $4  }
0x153: {  	[sflag:s30] =	ssyncadd.s32 $0xFFFFD800  }
0x154: {  	[spmem:s1] =	stream.indirect.scatter.add.f32 [tilespmem:s2], [sflag:$0x3], $0x50, s11, s15, $0xb8;
	[tilespmem:$0x1F0E0] =	vst v63  }
0x155: {  	_ =	swait.ge [sflag:s29], $0x2800  }
0x156: {  	s12 =	sadd.s32 $0xFFFFFFFF, s12;
	s14 =	simm.s32 $0x2000;
	[sflag:s29] =	ssyncset.done $0x0  }
.LBB2_12:
0x157: {  	[sflag:s29] =	ssyncadd.s32 $0xFFFFD800;
	s11 =	sadd.s32 $0x80, s11;
	s10 =	sadd.s32 $0x80, s10  }
0x158: {  	[tilespmem:s2], [sflag:$0x1] =	stream.indirect.gather [hbm4b:s4+s15], $0x50, s10, s15, $0xb8;
	[tilespmem:$0x1F0E0] =	vst v63  }
0x159: {  	p0 =	sne.s32 s12, $0x1;
	s12 =	sadd.s32 $0xFFFFFFFF, s12;
	v17 =	vld [tilespmem:s14+$0xFFFFFFC0];
	_ =	sdelay $0x4  }
0x15a: {  	[tilespmem:s11+$0x0] =	vst v17  }
0x15b: {  	v17 =	vld [tilespmem:s14+$0xFFFFFFD0];
	_ =	sdelay $0x4  }
0x15c: {  	[tilespmem:s11+$0x10] =	vst v17  }
0x15d: {  	v17 =	vld [tilespmem:s14+$0xFFFFFFE0];
	_ =	sdelay $0x4  }
0x15e: {  	[tilespmem:s11+$0x20] =	vst v17  }
0x15f: {  	v17 =	vld [tilespmem:s14+$0xFFFFFFF0];
	_ =	sdelay $0x4  }
0x160: {  	[tilespmem:s11+$0x30] =	vst v17  }
0x161: {  	v17 =	vld [tilespmem:s14+$0x0];
	_ =	sdelay $0x4  }
0x162: {  	[tilespmem:s11+$0x40] =	vst v17  }
0x163: {  	v17 =	vld [tilespmem:s14+$0x10];
	_ =	sdelay $0x4  }
0x164: {  	[tilespmem:s11+$0x50] =	vst v17  }
0x165: {  	v17 =	vld [tilespmem:s14+$0x20];
	_ =	sdelay $0x4  }
0x166: {  	[tilespmem:s11+$0x60] =	vst v17  }
0x167: {  	v17 =	vld [tilespmem:s14+$0x30];
	_ =	sdelay $0x4  }
0x168: {  	[tilespmem:s11+$0x70] =	vst v17  }
0x169: {  	_ =	swait.ge [sflag:s30], $0x2800  }
.Ltmp13:
0x16a: {  	[sflag:s30] =	ssyncset.done $0x0;
	(pc) =	sbr.rel @p0 .LBB2_12-.Ltmp13, $4  }
0x16b: {  	[sflag:s30] =	ssyncadd.s32 $0xFFFFD800  }
0x16c: {  	[spmem:s1] =	stream.indirect.scatter.add.f32 [tilespmem:s2], [sflag:$0x3], $0x50, s11, s15, $0xb8;
	[tilespmem:$0x1F0E0] =	vst v63  }
0x16d: {  	_ =	swait.ge [sflag:s29], $0x2800  }
0x16e: {  	s14 =	sadd.s32 $0x80, s14;
	[sflag:s29] =	ssyncset.done $0x0  }
.Ltmp14:
0x16f: {  	_ = 	snop;
	(pc) =	sbr.rel .LBB2_13-.Ltmp14, $1  }
0x170: {  	_ =	sdelay $0x3  }
.LBB2_16:
0x171: {  	_ =	sfence.sel $0x180000  }
0x172: {  	[bflag:$0x0] =	sbarrier.arrive $0xFFFF  }
0x173: {  	_ =	strace $0x9000004A  }
0x174: {  	s0 =	stileid.u32;
	[bflag:$0x2] =	sbarrier.arrive $0xFFFF  }
0x175: {  	p0 =	sne.s32 s0, $0x0;
	s0 =	rddreg [dreg:$0x2]  }
0x176: {  	s0 =	sadd.s32 @!p0 $0x100000, s0  }
0x177: {  	[sflag:s0] =	ssyncadd.tile.s32 @!p0 $0x1;
	_ =	shalt  }
.Lfunc_end2:
_tile_overlayer_lowered:
.L_overlay_start_2:
0x178: {  	(tag) =	ssettag $0x2  }
0x179: {  	s0 =	rddreg [dreg:$0x0];
	s2 =	stileid.u32  }
0x17a: {  	s1 =	rddreg [dreg:$0x1];
	p0 =	sne.s32 s2, $0x0  }
0x17b: {  	s3 =	rddreg [dreg:$0x2];
	[bflag:$0x3] =	sbarrier.arrive $0xFFFF;
	s2 =	simm.s32 @!p0 $0x1C03  }
0x17c: {  	[timem:s3], [sflag:s2] =	dma.local @!p0 [hbm:s0], s1  }
0x17d: {  	s0 =	simm.s32 @!p0 $0x3  }
0x17e: {  	_ =	swait.ge @!p0 [sflag:s0], s1  }
0x17f: {  	s1 =	ssub.s32 @!p0 $0x0, s1;
	[sflag:s0] =	ssyncset.done @!p0 $0x0  }
0x180: {  	[sflag:s0] =	ssyncadd.s32 @!p0 s1  }
0x181: {  	[bflag:$0x3] =	sbarrier.arrive $0xFFFF  }
0x182: {  	_ =	shalt  }

</sc_bundles>
